<compile_context>
chip_gen: v7x
topology: tpu7x:2x2x1
jax: 0.10.2.dev20260603
libtpu: 0.0.44.dev20260713+nightly
codegen_flags: <defaults>
</compile_context>

<pallas_src>
import jax
import jax.numpy as jnp
from jax import lax
from jax.experimental import pallas as pl
from jax.experimental.pallas import tpu as pltpu
from jax.experimental.pallas import tpu_sc as plsc

_B, _P, _N, _S, _C = 8, 1024, 4096, 32, 64
_D = 3 + _C
_DP = 80
_L = 16
_NC, _NS = 2, 16
_NW = _NC * _NS
_PC = (_B * _P) // _NW
_QW = _P // _PC
_G = 4
_GR = _G * _S
_NCHUNK = _N // _L
_NBX = 8
_NB = _NBX * _NBX
_NBP = 80
_R = 0.2
_SUB1 = float.fromhex("0x1.fffffep-1")
_T2 = float.fromhex("0x1.47ae14p-5")
_INF = float("inf")
_BIGI = 2 ** 30


def _sc_body(cxt, xyzt, aug, npts, idxo,
             xv, yv, zv, ccx, ccy, ccz, cd, ci,
             idxg0, idxg1, gidx0, gidx1, rows0, rows1,
             bkt, xs, ys, zs, pidx, offs, cur,
             gsem0, gsem1, wnp0, wnp1, wix0, wix1):
    wid = lax.axis_index("s") * _NC + lax.axis_index("c")
    b = wid // _QW
    cb = (wid % _QW) * _PC

    pltpu.sync_copy(xyzt.at[pl.ds((b * 3 + 0) * _N, _N)], xv)
    pltpu.sync_copy(xyzt.at[pl.ds((b * 3 + 1) * _N, _N)], yv)
    pltpu.sync_copy(xyzt.at[pl.ds((b * 3 + 2) * _N, _N)], zv)
    pltpu.sync_copy(cxt.at[pl.ds((b * 3 + 0) * _P + cb, _PC)], ccx)
    pltpu.sync_copy(cxt.at[pl.ds((b * 3 + 1) * _P + cb, _PC)], ccy)
    pltpu.sync_copy(cxt.at[pl.ds((b * 3 + 2) * _P + cb, _PC)], ccz)

    lane = lax.broadcasted_iota(jnp.int32, (_L,), 0)
    inf16 = jnp.full((_L,), _INF, jnp.float32)
    zero16i = jnp.zeros((_L,), jnp.int32)
    ones16 = jnp.full((_L,), 1, jnp.int32)

    for t in range(_NBP // _L):
        cur[pl.ds(t * _L, _L)] = zero16i

    def count_chunk(j, _):
        base = j * _L
        xb = jnp.clip((xv[pl.ds(base, _L)] * float(_NBX)).astype(jnp.int32),
                      0, _NBX - 1)
        yb = jnp.clip((yv[pl.ds(base, _L)] * float(_NBX)).astype(jnp.int32),
                      0, _NBX - 1)
        bk = xb * _NBX + yb
        bkt[pl.ds(base, _L)] = bk
        plsc.addupdate_scatter(cur, [bk], ones16)
        return 0

    lax.fori_loop(0, _NCHUNK, count_chunk, 0)

    def prefix(t, car):
        c = cur[pl.ds(t * _L, _L)]
        excl = plsc.cumsum(c) - c + jnp.full((_L,), car, jnp.int32)
        offs[pl.ds(t * _L, _L)] = excl
        cur[pl.ds(t * _L, _L)] = excl
        return car + jnp.sum(c)

    lax.fori_loop(0, _NB // _L, prefix, jnp.int32(0))
    offs[pl.ds(_NB, _L)] = jnp.full((_L,), jnp.int32(_N))

    def place_chunk(j, _):
        base = j * _L
        bk = bkt[pl.ds(base, _L)]
        rank = zero16i
        for d in range(1, _L):
            nb = plsc.load_gather(bkt, [jnp.maximum(lane - d, 0) + base])
            rank = rank + jnp.where((lane >= d) & (bk == nb), 1, 0)
        pos = plsc.load_gather(cur, [bk]) + rank
        plsc.addupdate_scatter(cur, [bk], ones16)
        plsc.store_scatter(xs, [pos], xv[pl.ds(base, _L)])
        plsc.store_scatter(ys, [pos], yv[pl.ds(base, _L)])
        plsc.store_scatter(zs, [pos], zv[pl.ds(base, _L)])
        plsc.store_scatter(pidx, [pos], lane + base)
        return 0

    lax.fori_loop(0, _NCHUNK, place_chunk, 0)

    def do_centre(i, gl, idxg_s):
        isplat = jnp.full((_L,), i, jnp.int32)
        cx = plsc.load_gather(ccx, [isplat])
        cy = plsc.load_gather(ccy, [isplat])
        cz = plsc.load_gather(ccz, [isplat])

        xb0v = (jnp.maximum(cx - _R, 0.0) * float(_NBX)).astype(jnp.int32)
        xb1v = (jnp.minimum(cx + _R, _SUB1) * float(_NBX)).astype(jnp.int32)
        yb0v = (jnp.maximum(cy - _R, 0.0) * float(_NBX)).astype(jnp.int32)
        yb1v = (jnp.minimum(cy + _R, _SUB1) * float(_NBX)).astype(jnp.int32)
        xb0 = jnp.sum(jnp.where(lane == 0, xb0v, 0))
        xb1 = jnp.sum(jnp.where(lane == 0, xb1v, 0))
        yb0 = jnp.sum(jnp.where(lane == 0, yb0v, 0))
        yb1 = jnp.sum(jnp.where(lane == 0, yb1v, 0))

        def strip(xb, offv_s):
            s0 = jnp.sum(jnp.where(
                lane == 0,
                plsc.load_gather(offs, [jnp.full((_L,), xb * _NBX + yb0,
                                                 jnp.int32)]), 0))
            s1 = jnp.sum(jnp.where(
                lane == 0,
                plsc.load_gather(offs, [jnp.full((_L,), xb * _NBX + yb1 + 1,
                                                 jnp.int32)]), 0))

            def chunkq(j, offv):
                base = j * _L
                pi = lane + base
                dx = xs[pl.ds(base, _L)] - cx
                dy = ys[pl.ds(base, _L)] - cy
                dz = zs[pl.ds(base, _L)] - cz
                d2 = dx * dx + dy * dy + dz * dz
                msk = (d2 < _T2) & (pi >= s0) & (pi < s1)
                pos = offv + plsc.cumsum(msk.astype(jnp.int32)) - 1
                plsc.store_scatter(cd, [pos], d2, mask=msk)
                plsc.store_scatter(ci, [pos], pidx[pl.ds(base, _L)], mask=msk)
                return offv + plsc.all_reduce_population_count(msk)

            return lax.fori_loop(s0 // _L, (s1 + _L - 1) // _L, chunkq, offv_s)

        offv = lax.fori_loop(xb0, xb1 + 1, strip, zero16i)
        mcount = jnp.sum(jnp.where(lane == 0, offv, 0))

        def no_cand(_):
            def amin_chunk(j, st):
                rmin, ridx = st
                base = j * _L
                dx = xv[pl.ds(base, _L)] - cx
                dy = yv[pl.ds(base, _L)] - cy
                dz = zv[pl.ds(base, _L)] - cz
                d2 = dx * dx + dy * dy + dz * dz
                upd = d2 < rmin
                return jnp.where(upd, d2, rmin), jnp.where(upd, lane + base, ridx)

            rmin, ridx = lax.fori_loop(0, _NCHUNK, amin_chunk, (inf16, zero16i))
            mval = jnp.min(rmin)
            am = jnp.min(jnp.where(rmin == mval, ridx, jnp.int32(_BIGI)))
            cd[pl.ds(0, _L)] = jnp.where(lane == 0, jnp.float32(0.0), inf16)
            ci[pl.ds(0, _L)] = jnp.full((_L,), am, jnp.int32)
            return jnp.int32(1)

        def have_cand(_):
            cd[pl.ds(mcount, _L)] = inf16
            return mcount

        m = lax.cond(mcount == 0, no_cand, have_cand, 0)
        nc = (m + _L - 1) // _L

        def merge(c, st):
            k0, v0, k1, v1 = st
            dk, dv = plsc.sort_key_val(cd[pl.ds(c * _L, _L)],
                                       ci[pl.ds(c * _L, _L)],
                                       descending=True)
            m1 = k1 <= dk
            tk = jnp.where(m1, k1, dk)
            tv = jnp.where(m1, v1, dv)
            tk, tv = plsc.sort_key_val(tk, tv, descending=True)
            m2 = k0 <= tk
            lok = jnp.where(m2, k0, tk)
            lov = jnp.where(m2, v0, tv)
            hik = jnp.where(m2, tk, k0)
            hiv = jnp.where(m2, tv, v0)
            k0n, v0n = plsc.sort_key_val(lok, lov)
            k1n, v1n = plsc.sort_key_val(hik, hiv)
            return k0n, v0n, k1n, v1n

        k0, v0, k1, v1 = lax.fori_loop(0, nc, merge,
                                       (inf16, zero16i, inf16, zero16i))
        c0 = jnp.sum(jnp.where(lane == 0, v0, 0))
        c0v = jnp.full((_L,), c0, jnp.int32)
        idxg_s[pl.ds(gl, _L)] = jnp.where(k0 == _INF, c0v, v0)
        idxg_s[pl.ds(gl + _L, _L)] = jnp.where(k1 == _INF, c0v, v1)

    slots = ((idxg0, gidx0, rows0, gsem0, wnp0, wix0),
             (idxg1, gidx1, rows1, gsem1, wnp1, wix1))

    def visit(sg, s, idxg_s, gidx_s, rows_s, gsem_s, wnp_s, wix_s):
        g = sg * 2 + s

        @pl.when(sg > 0)
        def _():
            pltpu.make_async_copy(idxg_s, idxo.at[pl.ds(0, _GR)], wix_s).wait()
            pltpu.make_async_copy(aug.at[gidx_s], rows_s, gsem_s).wait()
            prevbase = (b * _P + cb + (g - 2) * _G) * _S
            pltpu.async_copy(rows_s, npts.at[pl.ds(prevbase, _GR)], wnp_s)

        def centre(t, carry):
            do_centre(g * _G + t, t * _S, idxg_s)
            return carry

        lax.fori_loop(0, _G, centre, jnp.int32(0))

        boff = jnp.full((_L,), b * _N, jnp.int32)
        for t in range(_GR // _L):
            gidx_s[pl.ds(t * _L, _L)] = idxg_s[pl.ds(t * _L, _L)] + boff
        rowbase = (b * _P + cb + g * _G) * _S
        pltpu.async_copy(idxg_s, idxo.at[pl.ds(rowbase, _GR)], wix_s)

        @pl.when(sg > 0)
        def _():
            pltpu.make_async_copy(rows_s, npts.at[pl.ds(0, _GR)], wnp_s).wait()

        pltpu.async_copy(aug.at[gidx_s], rows_s, gsem_s)

    def sg_body(sg, carry):
        visit(sg, 0, *slots[0])
        visit(sg, 1, *slots[1])
        return carry

    lax.fori_loop(0, _PC // (_G * 2), sg_body, jnp.int32(0))

    ng = _PC // _G
    for s in range(2):
        idxg_s, gidx_s, rows_s, gsem_s, wnp_s, wix_s = slots[s]
        pltpu.make_async_copy(aug.at[gidx_s], rows_s, gsem_s).wait()
        rowbase = (b * _P + cb + (ng - 2 + s) * _G) * _S
        pltpu.sync_copy(rows_s, npts.at[pl.ds(rowbase, _GR)])
        pltpu.make_async_copy(idxg_s, idxo.at[pl.ds(0, _GR)], wix_s).wait()


def kernel(new_xyz, xyz, points):
    cxt = jnp.transpose(new_xyz, (0, 2, 1)).reshape(-1)
    xyzt = jnp.transpose(xyz, (0, 2, 1)).reshape(-1)
    pad = jnp.zeros((_B, _N, _DP - _D), jnp.float32)
    aug = jnp.concatenate([xyz, points, pad], axis=-1).reshape(_B * _N, _DP)

    mesh = plsc.VectorSubcoreMesh(core_axis_name="c", subcore_axis_name="s",
                                  num_cores=_NC, num_subcores=_NS)
    out_type = (
        jax.ShapeDtypeStruct((_B * _P * _S, _DP), jnp.float32),
        jax.ShapeDtypeStruct((_B * _P * _S,), jnp.int32),
    )
    scratch = [
        pltpu.VMEM((_N,), jnp.float32),
        pltpu.VMEM((_N,), jnp.float32),
        pltpu.VMEM((_N,), jnp.float32),
        pltpu.VMEM((_PC,), jnp.float32),
        pltpu.VMEM((_PC,), jnp.float32),
        pltpu.VMEM((_PC,), jnp.float32),
        pltpu.VMEM((_N + _L,), jnp.float32),
        pltpu.VMEM((_N + _L,), jnp.int32),
        pltpu.VMEM((_GR,), jnp.int32),
        pltpu.VMEM((_GR,), jnp.int32),
        pltpu.VMEM((_GR,), jnp.int32),
        pltpu.VMEM((_GR,), jnp.int32),
        pltpu.VMEM((_GR, _DP), jnp.float32),
        pltpu.VMEM((_GR, _DP), jnp.float32),
        pltpu.VMEM((_N,), jnp.int32),
        pltpu.VMEM((_N,), jnp.float32),
        pltpu.VMEM((_N,), jnp.float32),
        pltpu.VMEM((_N,), jnp.float32),
        pltpu.VMEM((_N,), jnp.int32),
        pltpu.VMEM((_NBP,), jnp.int32),
        pltpu.VMEM((_NBP,), jnp.int32),
        pltpu.SemaphoreType.DMA,
        pltpu.SemaphoreType.DMA,
        pltpu.SemaphoreType.DMA,
        pltpu.SemaphoreType.DMA,
        pltpu.SemaphoreType.DMA,
        pltpu.SemaphoreType.DMA,
    ]
    f = pl.kernel(_sc_body, out_type=out_type, mesh=mesh, scratch_types=scratch,
                  compiler_params=pltpu.CompilerParams(
                      needs_layout_passes=False, use_tc_tiling_on_sc=False))
    nppad, idxf = f(cxt, xyzt, aug)
    nppad = nppad.reshape(_B, _P, _S, _DP)
    return (nppad[..., :_D], idxf.reshape(_B, _P, _S), nppad[..., :3])

# --- scband reference (transcript-rebuilt; emitter-appended) ---
"""Pipeline reference for scband-grouping-layer-81243601371766 (READ-ONLY COPY).

The authoritative reference and input builder live on the scoring server;
editing this copy changes nothing except your own understanding.
"""

import jax, jax.numpy as jnp
import numpy as np

B = 8
NDATA = 4096
NPOINT = 1024
NSAMPLE = 32
RADIUS = 0.2
C = 64


def setup_inputs(seed: int = 0) -> dict:
    key = jax.random.key(seed)
    k1, k2, k3 = jax.random.split(key, 3)
    new_xyz = jax.random.uniform(k1, (B, NPOINT, 3), dtype=jnp.float32)
    xyz = jax.random.uniform(k2, (B, NDATA, 3), dtype=jnp.float32)
    points = jax.random.normal(k3, (B, NDATA, C), dtype=jnp.float32)
    return {"new_xyz": new_xyz, "xyz": xyz, "points": points}


def _batched_gather(data, idx):
    # data: [B, N, D], idx: [B, P, S] -> [B, P, S, D]  (tf.gather batch_dims=1)
    Bd, N, D = data.shape
    _, P, S = idx.shape
    flat = idx.reshape(Bd, P * S)
    out = jnp.take_along_axis(data, flat[:, :, None], axis=1)
    return out.reshape(Bd, P, S, D)


def reference(new_xyz, xyz, points):
    # Vectorized over centres (same math as the per-centre TF loop).
    delta = xyz[:, None, :, :] - new_xyz[:, :, None, :]          # [B, NPOINT, NDATA, 3]
    dist = jnp.linalg.norm(delta, axis=-1)                        # [B, NPOINT, NDATA]
    sorted_indices = jnp.argsort(dist, axis=-1)                   # [B, NPOINT, NDATA]
    sorted_dist = jnp.take_along_axis(dist, sorted_indices, axis=-1)
    centroid = sorted_indices[..., :1]                            # nearest point index
    radius_indices = jnp.where(sorted_dist < RADIUS, sorted_indices,
                               jnp.broadcast_to(centroid, sorted_indices.shape))
    # ndataset >= nsample, so no padding branch
    idx = radius_indices[..., :NSAMPLE].astype(jnp.int32)         # [B, NPOINT, NSAMPLE]
    grouped_xyz = _batched_gather(xyz, idx)                       # [B, NPOINT, NSAMPLE, 3]
    grouped_points = _batched_gather(points, idx)                 # [B, NPOINT, NSAMPLE, C]
    new_points = jnp.concatenate([grouped_xyz, grouped_points], axis=-1)
    return (new_points, idx, grouped_xyz)

if __name__ == "__main__":
    import jax
    _d = setup_inputs()
    print(jax.jit(kernel)(*tuple(_d.values())))

</pallas_src>

<mosaic_0001>
#map = affine_map<(d0, d1) -> (0)>
#map1 = affine_map<(d0, d1) -> (0, 0)>
module attributes {stable_mosaic.version = 14 : i64} {
  func.func @_sc_body(%arg0: i32, %arg1: i32, %arg2: memref<24576xf32, #tpu.memory_space<hbm>>, %arg3: memref<98304xf32, #tpu.memory_space<hbm>>, %arg4: memref<32768x80xf32, #tpu.memory_space<hbm>>, %arg5: memref<262144x80xf32, #tpu.memory_space<hbm>>, %arg6: memref<262144xi32, #tpu.memory_space<hbm>>, %arg7: memref<4096xf32, #tpu.memory_space<vmem>>, %arg8: memref<4096xf32, #tpu.memory_space<vmem>>, %arg9: memref<4096xf32, #tpu.memory_space<vmem>>, %arg10: memref<256xf32, #tpu.memory_space<vmem>>, %arg11: memref<256xf32, #tpu.memory_space<vmem>>, %arg12: memref<256xf32, #tpu.memory_space<vmem>>, %arg13: memref<4112xf32, #tpu.memory_space<vmem>>, %arg14: memref<4112xi32, #tpu.memory_space<vmem>>, %arg15: memref<128xi32, #tpu.memory_space<vmem>>, %arg16: memref<128xi32, #tpu.memory_space<vmem>>, %arg17: memref<128xi32, #tpu.memory_space<vmem>>, %arg18: memref<128xi32, #tpu.memory_space<vmem>>, %arg19: memref<128x80xf32, #tpu.memory_space<vmem>>, %arg20: memref<128x80xf32, #tpu.memory_space<vmem>>, %arg21: memref<4096xi32, #tpu.memory_space<vmem>>, %arg22: memref<4096xf32, #tpu.memory_space<vmem>>, %arg23: memref<4096xf32, #tpu.memory_space<vmem>>, %arg24: memref<4096xf32, #tpu.memory_space<vmem>>, %arg25: memref<4096xi32, #tpu.memory_space<vmem>>, %arg26: memref<80xi32, #tpu.memory_space<vmem>>, %arg27: memref<80xi32, #tpu.memory_space<vmem>>, %arg28: memref<!tpu.dma_semaphore, #tpu.memory_space<semaphore_mem>>, %arg29: memref<!tpu.dma_semaphore, #tpu.memory_space<semaphore_mem>>, %arg30: memref<!tpu.dma_semaphore, #tpu.memory_space<semaphore_mem>>, %arg31: memref<!tpu.dma_semaphore, #tpu.memory_space<semaphore_mem>>, %arg32: memref<!tpu.dma_semaphore, #tpu.memory_space<semaphore_mem>>, %arg33: memref<!tpu.dma_semaphore, #tpu.memory_space<semaphore_mem>>) attributes {dimension_semantics = [#tpu.dimension_semantics<core_parallel>, #tpu.dimension_semantics<subcore_parallel>], iteration_bounds = array<i64: 2, 16>, scalar_prefetch = 0 : i64, scratch_operands = 27 : i64, tpu.core_type = #tpu.core_type<sc_vector_subcore>, window_params = [{transform_indices = #map}, {transform_indices = #map}, {transform_indices = #map1}, {transform_indices = #map1}, {transform_indices = #map}]} {
    %mul3A = arith.constant 2 : i32
    %mul3A_0 = arith.muli %arg1, %mul3A : i32
    %add3A = arith.addi %mul3A_0, %arg0 : i32
    %jit3A = arith.constant 4 : i32
    %div3A = arith.divsi %add3A, %jit3A : i32
    %sign3A = arith.constant 0 : i32
    %sign3A_1 = arith.cmpi sgt, %add3A, %sign3A : i32
    %sign3A_2 = arith.extui %sign3A_1 : i1 to i32
    %sign3A_3 = arith.constant 0 : i32
    %sign3A_4 = arith.cmpi slt, %add3A, %sign3A_3 : i32
    %sign3A_5 = arith.extui %sign3A_4 : i1 to i32
    %sign3A_6 = arith.subi %sign3A_2, %sign3A_5 : i32
    %sign3A_7 = arith.constant 0 : i32
    %sign3A_8 = arith.cmpi sgt, %jit3A, %sign3A_7 : i32
    %sign3A_9 = arith.extui %sign3A_8 : i1 to i32
    %sign3A_10 = arith.constant 0 : i32
    %sign3A_11 = arith.cmpi slt, %jit3A, %sign3A_10 : i32
    %sign3A_12 = arith.extui %sign3A_11 : i1 to i32
    %sign3A_13 = arith.subi %sign3A_9, %sign3A_12 : i32
    %ne3A = arith.cmpi ne, %sign3A_6, %sign3A_13 : i32
    %rem3A = arith.remsi %add3A, %jit3A : i32
    %ne3A_14 = arith.constant 0 : i32
    %ne3A_15 = arith.cmpi ne, %rem3A, %ne3A_14 : i32
    %and3A = arith.andi %ne3A, %ne3A_15 : i1
    %sub3A = arith.constant 1 : i32
    %sub3A_16 = arith.subi %div3A, %sub3A : i32
    %select_n3A = arith.select %and3A, %sub3A_16, %div3A : i32
    %jit3A_17 = arith.constant 4 : i32
    %eq3A = arith.constant 0 : i32
    %eq3A_18 = arith.cmpi eq, %jit3A_17, %eq3A : i32
    %jit3A_19 = arith.constant 1 : i32
    %select_n3A_20 = arith.select %eq3A_18, %jit3A_19, %jit3A_17 : i32
    %rem3A_21 = arith.remsi %add3A, %select_n3A_20 : i32
    %ne3A_22 = arith.constant 0 : i32
    %ne3A_23 = arith.cmpi ne, %rem3A_21, %ne3A_22 : i32
    %lt3A = arith.constant 0 : i32
    %lt3A_24 = arith.cmpi slt, %rem3A_21, %lt3A : i32
    %lt3A_25 = arith.constant 0 : i32
    %lt3A_26 = arith.cmpi slt, %select_n3A_20, %lt3A_25 : i32
    %ne3A_27 = arith.xori %lt3A_24, %lt3A_26 : i1
    %and3A_28 = arith.andi %ne3A_27, %ne3A_23 : i1
    %add3A_29 = arith.addi %rem3A_21, %select_n3A_20 : i32
    %select_n3A_30 = arith.select %and3A_28, %add3A_29, %rem3A_21 : i32
    %mul3A_31 = arith.constant 256 : i32
    %mul3A_32 = arith.muli %select_n3A_30, %mul3A_31 : i32
    %mul3A_33 = arith.constant 3 : i32
    %mul3A_34 = arith.muli %select_n3A, %mul3A_33 : i32
    %add3A_35 = arith.constant 0 : i32
    %add3A_36 = arith.addi %mul3A_34, %add3A_35 : i32
    %mul3A_37 = arith.constant 4096 : i32
    %mul3A_38 = arith.muli %add3A_36, %mul3A_37 : i32
    "tpu.region"() ({
      %run_scoped3A = tpu.sem_alloc : memref<!tpu.dma_semaphore, #tpu.memory_space<semaphore_mem>>
      %dma_start3A = tpu.memref_slice %arg3[%mul3A_38] : memref<98304xf32, #tpu.memory_space<hbm>> -> memref<4096xf32, #tpu.memory_space<hbm>>
      %dma_start3A_143 = tpu.memref_slice %arg3[%mul3A_38] : memref<98304xf32, #tpu.memory_space<hbm>> -> memref<4096xf32, #tpu.memory_space<hbm>>
      tpu.enqueue_dma source(%dma_start3A_143 : memref<4096xf32, #tpu.memory_space<hbm>>) target(%arg7 : memref<4096xf32, #tpu.memory_space<vmem>>) target_semaphore(%run_scoped3A : memref<!tpu.dma_semaphore, #tpu.memory_space<semaphore_mem>>)
      %dma_wait3A_144 = tpu.memref_slice %arg3[%mul3A_38] : memref<98304xf32, #tpu.memory_space<hbm>> -> memref<4096xf32, #tpu.memory_space<hbm>>
      %dma_wait3A_145 = tpu.memref_slice %arg3[%mul3A_38] : memref<98304xf32, #tpu.memory_space<hbm>> -> memref<4096xf32, #tpu.memory_space<hbm>>
      tpu.wait_dma2 semaphore(%run_scoped3A : memref<!tpu.dma_semaphore, #tpu.memory_space<semaphore_mem>>) src(%dma_wait3A_145 : memref<4096xf32, #tpu.memory_space<hbm>>) dst(%arg7 : memref<4096xf32, #tpu.memory_space<vmem>>)
      tpu.yield
    }) : () -> ()
    %mul3A_39 = arith.constant 3 : i32
    %mul3A_40 = arith.muli %select_n3A, %mul3A_39 : i32
    %add3A_41 = arith.constant 1 : i32
    %add3A_42 = arith.addi %mul3A_40, %add3A_41 : i32
    %mul3A_43 = arith.constant 4096 : i32
    %mul3A_44 = arith.muli %add3A_42, %mul3A_43 : i32
    "tpu.region"() ({
      %run_scoped3A = tpu.sem_alloc : memref<!tpu.dma_semaphore, #tpu.memory_space<semaphore_mem>>
      %dma_start3A = tpu.memref_slice %arg3[%mul3A_44] : memref<98304xf32, #tpu.memory_space<hbm>> -> memref<4096xf32, #tpu.memory_space<hbm>>
      %dma_start3A_143 = tpu.memref_slice %arg3[%mul3A_44] : memref<98304xf32, #tpu.memory_space<hbm>> -> memref<4096xf32, #tpu.memory_space<hbm>>
      tpu.enqueue_dma source(%dma_start3A_143 : memref<4096xf32, #tpu.memory_space<hbm>>) target(%arg8 : memref<4096xf32, #tpu.memory_space<vmem>>) target_semaphore(%run_scoped3A : memref<!tpu.dma_semaphore, #tpu.memory_space<semaphore_mem>>)
      %dma_wait3A_144 = tpu.memref_slice %arg3[%mul3A_44] : memref<98304xf32, #tpu.memory_space<hbm>> -> memref<4096xf32, #tpu.memory_space<hbm>>
      %dma_wait3A_145 = tpu.memref_slice %arg3[%mul3A_44] : memref<98304xf32, #tpu.memory_space<hbm>> -> memref<4096xf32, #tpu.memory_space<hbm>>
      tpu.wait_dma2 semaphore(%run_scoped3A : memref<!tpu.dma_semaphore, #tpu.memory_space<semaphore_mem>>) src(%dma_wait3A_145 : memref<4096xf32, #tpu.memory_space<hbm>>) dst(%arg8 : memref<4096xf32, #tpu.memory_space<vmem>>)
      tpu.yield
    }) : () -> ()
    %mul3A_45 = arith.constant 3 : i32
    %mul3A_46 = arith.muli %select_n3A, %mul3A_45 : i32
    %add3A_47 = arith.constant 2 : i32
    %add3A_48 = arith.addi %mul3A_46, %add3A_47 : i32
    %mul3A_49 = arith.constant 4096 : i32
    %mul3A_50 = arith.muli %add3A_48, %mul3A_49 : i32
    "tpu.region"() ({
      %run_scoped3A = tpu.sem_alloc : memref<!tpu.dma_semaphore, #tpu.memory_space<semaphore_mem>>
      %dma_start3A = tpu.memref_slice %arg3[%mul3A_50] : memref<98304xf32, #tpu.memory_space<hbm>> -> memref<4096xf32, #tpu.memory_space<hbm>>
      %dma_start3A_143 = tpu.memref_slice %arg3[%mul3A_50] : memref<98304xf32, #tpu.memory_space<hbm>> -> memref<4096xf32, #tpu.memory_space<hbm>>
      tpu.enqueue_dma source(%dma_start3A_143 : memref<4096xf32, #tpu.memory_space<hbm>>) target(%arg9 : memref<4096xf32, #tpu.memory_space<vmem>>) target_semaphore(%run_scoped3A : memref<!tpu.dma_semaphore, #tpu.memory_space<semaphore_mem>>)
      %dma_wait3A_144 = tpu.memref_slice %arg3[%mul3A_50] : memref<98304xf32, #tpu.memory_space<hbm>> -> memref<4096xf32, #tpu.memory_space<hbm>>
      %dma_wait3A_145 = tpu.memref_slice %arg3[%mul3A_50] : memref<98304xf32, #tpu.memory_space<hbm>> -> memref<4096xf32, #tpu.memory_space<hbm>>
      tpu.wait_dma2 semaphore(%run_scoped3A : memref<!tpu.dma_semaphore, #tpu.memory_space<semaphore_mem>>) src(%dma_wait3A_145 : memref<4096xf32, #tpu.memory_space<hbm>>) dst(%arg9 : memref<4096xf32, #tpu.memory_space<vmem>>)
      tpu.yield
    }) : () -> ()
    %mul3A_51 = arith.constant 3 : i32
    %mul3A_52 = arith.muli %select_n3A, %mul3A_51 : i32
    %add3A_53 = arith.constant 0 : i32
    %add3A_54 = arith.addi %mul3A_52, %add3A_53 : i32
    %mul3A_55 = arith.constant 1024 : i32
    %mul3A_56 = arith.muli %add3A_54, %mul3A_55 : i32
    %add3A_57 = arith.addi %mul3A_56, %mul3A_32 : i32
    "tpu.region"() ({
      %run_scoped3A = tpu.sem_alloc : memref<!tpu.dma_semaphore, #tpu.memory_space<semaphore_mem>>
      %dma_start3A = tpu.memref_slice %arg2[%add3A_57] : memref<24576xf32, #tpu.memory_space<hbm>> -> memref<256xf32, #tpu.memory_space<hbm>>
      %dma_start3A_143 = tpu.memref_slice %arg2[%add3A_57] : memref<24576xf32, #tpu.memory_space<hbm>> -> memref<256xf32, #tpu.memory_space<hbm>>
      tpu.enqueue_dma source(%dma_start3A_143 : memref<256xf32, #tpu.memory_space<hbm>>) target(%arg10 : memref<256xf32, #tpu.memory_space<vmem>>) target_semaphore(%run_scoped3A : memref<!tpu.dma_semaphore, #tpu.memory_space<semaphore_mem>>)
      %dma_wait3A_144 = tpu.memref_slice %arg2[%add3A_57] : memref<24576xf32, #tpu.memory_space<hbm>> -> memref<256xf32, #tpu.memory_space<hbm>>
      %dma_wait3A_145 = tpu.memref_slice %arg2[%add3A_57] : memref<24576xf32, #tpu.memory_space<hbm>> -> memref<256xf32, #tpu.memory_space<hbm>>
      tpu.wait_dma2 semaphore(%run_scoped3A : memref<!tpu.dma_semaphore, #tpu.memory_space<semaphore_mem>>) src(%dma_wait3A_145 : memref<256xf32, #tpu.memory_space<hbm>>) dst(%arg10 : memref<256xf32, #tpu.memory_space<vmem>>)
      tpu.yield
    }) : () -> ()
    %mul3A_58 = arith.constant 3 : i32
    %mul3A_59 = arith.muli %select_n3A, %mul3A_58 : i32
    %add3A_60 = arith.constant 1 : i32
    %add3A_61 = arith.addi %mul3A_59, %add3A_60 : i32
    %mul3A_62 = arith.constant 1024 : i32
    %mul3A_63 = arith.muli %add3A_61, %mul3A_62 : i32
    %add3A_64 = arith.addi %mul3A_63, %mul3A_32 : i32
    "tpu.region"() ({
      %run_scoped3A = tpu.sem_alloc : memref<!tpu.dma_semaphore, #tpu.memory_space<semaphore_mem>>
      %dma_start3A = tpu.memref_slice %arg2[%add3A_64] : memref<24576xf32, #tpu.memory_space<hbm>> -> memref<256xf32, #tpu.memory_space<hbm>>
      %dma_start3A_143 = tpu.memref_slice %arg2[%add3A_64] : memref<24576xf32, #tpu.memory_space<hbm>> -> memref<256xf32, #tpu.memory_space<hbm>>
      tpu.enqueue_dma source(%dma_start3A_143 : memref<256xf32, #tpu.memory_space<hbm>>) target(%arg11 : memref<256xf32, #tpu.memory_space<vmem>>) target_semaphore(%run_scoped3A : memref<!tpu.dma_semaphore, #tpu.memory_space<semaphore_mem>>)
      %dma_wait3A_144 = tpu.memref_slice %arg2[%add3A_64] : memref<24576xf32, #tpu.memory_space<hbm>> -> memref<256xf32, #tpu.memory_space<hbm>>
      %dma_wait3A_145 = tpu.memref_slice %arg2[%add3A_64] : memref<24576xf32, #tpu.memory_space<hbm>> -> memref<256xf32, #tpu.memory_space<hbm>>
      tpu.wait_dma2 semaphore(%run_scoped3A : memref<!tpu.dma_semaphore, #tpu.memory_space<semaphore_mem>>) src(%dma_wait3A_145 : memref<256xf32, #tpu.memory_space<hbm>>) dst(%arg11 : memref<256xf32, #tpu.memory_space<vmem>>)
      tpu.yield
    }) : () -> ()
    %mul3A_65 = arith.constant 3 : i32
    %mul3A_66 = arith.muli %select_n3A, %mul3A_65 : i32
    %add3A_67 = arith.constant 2 : i32
    %add3A_68 = arith.addi %mul3A_66, %add3A_67 : i32
    %mul3A_69 = arith.constant 1024 : i32
    %mul3A_70 = arith.muli %add3A_68, %mul3A_69 : i32
    %add3A_71 = arith.addi %mul3A_70, %mul3A_32 : i32
    "tpu.region"() ({
      %run_scoped3A = tpu.sem_alloc : memref<!tpu.dma_semaphore, #tpu.memory_space<semaphore_mem>>
      %dma_start3A = tpu.memref_slice %arg2[%add3A_71] : memref<24576xf32, #tpu.memory_space<hbm>> -> memref<256xf32, #tpu.memory_space<hbm>>
      %dma_start3A_143 = tpu.memref_slice %arg2[%add3A_71] : memref<24576xf32, #tpu.memory_space<hbm>> -> memref<256xf32, #tpu.memory_space<hbm>>
      tpu.enqueue_dma source(%dma_start3A_143 : memref<256xf32, #tpu.memory_space<hbm>>) target(%arg12 : memref<256xf32, #tpu.memory_space<vmem>>) target_semaphore(%run_scoped3A : memref<!tpu.dma_semaphore, #tpu.memory_space<semaphore_mem>>)
      %dma_wait3A_144 = tpu.memref_slice %arg2[%add3A_71] : memref<24576xf32, #tpu.memory_space<hbm>> -> memref<256xf32, #tpu.memory_space<hbm>>
      %dma_wait3A_145 = tpu.memref_slice %arg2[%add3A_71] : memref<24576xf32, #tpu.memory_space<hbm>> -> memref<256xf32, #tpu.memory_space<hbm>>
      tpu.wait_dma2 semaphore(%run_scoped3A : memref<!tpu.dma_semaphore, #tpu.memory_space<semaphore_mem>>) src(%dma_wait3A_145 : memref<256xf32, #tpu.memory_space<hbm>>) dst(%arg12 : memref<256xf32, #tpu.memory_space<vmem>>)
      tpu.yield
    }) : () -> ()
    %iota3A = tpu.iota {dimensions = array<i32: 0>} : vector<16xi32>
    %broadcast_in_dim3A = arith.constant 0x7F800000 : f32
    %broadcast_in_dim3A_72 = vector.broadcast %broadcast_in_dim3A : f32 to vector<16xf32>
    %broadcast_in_dim3A_73 = arith.constant 0 : i32
    %broadcast_in_dim3A_74 = vector.broadcast %broadcast_in_dim3A_73 : i32 to vector<16xi32>
    %broadcast_in_dim3A_75 = arith.constant 1 : i32
    %broadcast_in_dim3A_76 = vector.broadcast %broadcast_in_dim3A_75 : i32 to vector<16xi32>
    %swap3A = arith.constant 0 : index
    %swap3A_77 = tpu.vector_load %arg27[%swap3A] {strides = array<i32>} : memref<80xi32, #tpu.memory_space<vmem>>, vector<16xi32>,
    tpu.vector_store %arg27[%swap3A], %broadcast_in_dim3A_74 {strides = array<i32>} : memref<80xi32, #tpu.memory_space<vmem>>, vector<16xi32>,
    %swap3A_78 = arith.constant 16 : index
    %swap3A_79 = tpu.vector_load %arg27[%swap3A_78] {strides = array<i32>} : memref<80xi32, #tpu.memory_space<vmem>>, vector<16xi32>,
    tpu.vector_store %arg27[%swap3A_78], %broadcast_in_dim3A_74 {strides = array<i32>} : memref<80xi32, #tpu.memory_space<vmem>>, vector<16xi32>,
    %swap3A_80 = arith.constant 32 : index
    %swap3A_81 = tpu.vector_load %arg27[%swap3A_80] {strides = array<i32>} : memref<80xi32, #tpu.memory_space<vmem>>, vector<16xi32>,
    tpu.vector_store %arg27[%swap3A_80], %broadcast_in_dim3A_74 {strides = array<i32>} : memref<80xi32, #tpu.memory_space<vmem>>, vector<16xi32>,
    %swap3A_82 = arith.constant 48 : index
    %swap3A_83 = tpu.vector_load %arg27[%swap3A_82] {strides = array<i32>} : memref<80xi32, #tpu.memory_space<vmem>>, vector<16xi32>,
    tpu.vector_store %arg27[%swap3A_82], %broadcast_in_dim3A_74 {strides = array<i32>} : memref<80xi32, #tpu.memory_space<vmem>>, vector<16xi32>,
    %swap3A_84 = arith.constant 64 : index
    %swap3A_85 = tpu.vector_load %arg27[%swap3A_84] {strides = array<i32>} : memref<80xi32, #tpu.memory_space<vmem>>, vector<16xi32>,
    tpu.vector_store %arg27[%swap3A_84], %broadcast_in_dim3A_74 {strides = array<i32>} : memref<80xi32, #tpu.memory_space<vmem>>, vector<16xi32>,
    %scan3A = arith.constant 0 : i32
    %scan3A_86 = arith.constant 0 : i32
    %scan3A_87 = arith.constant 256 : i32
    %scan3A_88 = arith.addi %scan3A_86, %scan3A_87 : i32
    %scan3A_89 = arith.constant 1 : i32
    %scan3A_90 = scf.for %scan3A_143 = %scan3A_86 to %scan3A_88 step %scan3A_89 iter_args(%scan3A_144 = %scan3A) -> (i32)  : i32 {
      %mul3A_145 = arith.constant 16 : i32
      %mul3A_146 = arith.muli %scan3A_143, %mul3A_145 : i32
      %get3A = arith.index_cast %mul3A_146 : i32 to index
      %get3A_147 = tpu.vector_load %arg7[%get3A] {strides = array<i32>} : memref<4096xf32, #tpu.memory_space<vmem>>, vector<16xf32>,
      %mul3A_148 = arith.constant 8.000000e+00 : f32
      %mul3A_149 = vector.broadcast %mul3A_148 : f32 to vector<16xf32>
      %mul3A_150 = arith.mulf %get3A_147, %mul3A_149 : vector<16xf32>
      %convert_element_type3A = arith.fptosi %mul3A_150 : vector<16xf32> to vector<16xi32>
      %jit3A_151 = arith.constant 0 : i32
      %jit3A_152 = arith.constant 7 : i32
      %max3A = vector.broadcast %jit3A_151 : i32 to vector<16xi32>
      %max3A_153 = arith.maxsi %max3A, %convert_element_type3A : vector<16xi32>
      %min3A = vector.broadcast %jit3A_152 : i32 to vector<16xi32>
      %min3A_154 = arith.minsi %min3A, %max3A_153 : vector<16xi32>
      %get3A_155 = arith.index_cast %mul3A_146 : i32 to index
      %get3A_156 = tpu.vector_load %arg8[%get3A_155] {strides = array<i32>} : memref<4096xf32, #tpu.memory_space<vmem>>, vector<16xf32>,
      %mul3A_157 = arith.constant 8.000000e+00 : f32
      %mul3A_158 = vector.broadcast %mul3A_157 : f32 to vector<16xf32>
      %mul3A_159 = arith.mulf %get3A_156, %mul3A_158 : vector<16xf32>
      %convert_element_type3A_160 = arith.fptosi %mul3A_159 : vector<16xf32> to vector<16xi32>
      %jit3A_161 = arith.constant 0 : i32
      %jit3A_162 = arith.constant 7 : i32
      %max3A_163 = vector.broadcast %jit3A_161 : i32 to vector<16xi32>
      %max3A_164 = arith.maxsi %max3A_163, %convert_element_type3A_160 : vector<16xi32>
      %min3A_165 = vector.broadcast %jit3A_162 : i32 to vector<16xi32>
      %min3A_166 = arith.minsi %min3A_165, %max3A_164 : vector<16xi32>
      %mul3A_167 = arith.constant 8 : i32
      %mul3A_168 = vector.broadcast %mul3A_167 : i32 to vector<16xi32>
      %mul3A_169 = arith.muli %min3A_154, %mul3A_168 : vector<16xi32>
      %add3A_170 = arith.addi %mul3A_169, %min3A_166 : vector<16xi32>
      %swap3A_171 = arith.index_cast %mul3A_146 : i32 to index
      %swap3A_172 = tpu.vector_load %arg21[%swap3A_171] {strides = array<i32>} : memref<4096xi32, #tpu.memory_space<vmem>>, vector<16xi32>,
      tpu.vector_store %arg21[%swap3A_171], %add3A_170 {strides = array<i32>} : memref<4096xi32, #tpu.memory_space<vmem>>, vector<16xi32>,
      tpu.vector_store_idx %arg27[%add3A_170], %broadcast_in_dim3A_76 {add = true} : memref<80xi32, #tpu.memory_space<vmem>>[vector<16xi32>], vector<16xi32>,
      %scan3A_173 = arith.constant 0 : i32
      scf.yield %scan3A_173 : i32
    }
    %scan3A_91 = arith.constant 256 : i32
    %scan3A_92 = arith.constant 0 : i32
    %scan3A_93 = arith.constant 0 : i32
    %scan3A_94 = arith.constant 4 : i32
    %scan3A_95 = arith.addi %scan3A_93, %scan3A_94 : i32
    %scan3A_96 = arith.constant 1 : i32
    %scan3A_97 = scf.for %scan3A_143 = %scan3A_93 to %scan3A_95 step %scan3A_96 iter_args(%scan3A_144 = %scan3A_92) -> (i32)  : i32 {
      %mul3A_145 = arith.constant 16 : i32
      %mul3A_146 = arith.muli %scan3A_143, %mul3A_145 : i32
      %get3A = arith.index_cast %mul3A_146 : i32 to index
      %get3A_147 = tpu.vector_load %arg27[%get3A] {strides = array<i32>} : memref<80xi32, #tpu.memory_space<vmem>>, vector<16xi32>,
      %broadcast_in_dim3A_148 = arith.constant true
      %broadcast_in_dim3A_149 = vector.broadcast %broadcast_in_dim3A_148 : i1 to vector<16xi1>
      %masked_cumsum3A = tpu.scan <sum>, %get3A_147 masked %broadcast_in_dim3A_149 : vector<16xi32>, vector<16xi1> -> vector<16xi32>
      %sub3A_150 = arith.subi %masked_cumsum3A, %get3A_147 : vector<16xi32>
      %broadcast_in_dim3A_151 = vector.broadcast %scan3A_144 : i32 to vector<16xi32>
      %add3A_152 = arith.addi %sub3A_150, %broadcast_in_dim3A_151 : vector<16xi32>
      %mul3A_153 = arith.constant 16 : i32
      %mul3A_154 = arith.muli %scan3A_143, %mul3A_153 : i32
      %swap3A_155 = arith.index_cast %mul3A_154 : i32 to index
      %swap3A_156 = tpu.vector_load %arg26[%swap3A_155] {strides = array<i32>} : memref<80xi32, #tpu.memory_space<vmem>>, vector<16xi32>,
      tpu.vector_store %arg26[%swap3A_155], %add3A_152 {strides = array<i32>} : memref<80xi32, #tpu.memory_space<vmem>>, vector<16xi32>,
      %mul3A_157 = arith.constant 16 : i32
      %mul3A_158 = arith.muli %scan3A_143, %mul3A_157 : i32
      %swap3A_159 = arith.index_cast %mul3A_158 : i32 to index
      %swap3A_160 = tpu.vector_load %arg27[%swap3A_159] {strides = array<i32>} : memref<80xi32, #tpu.memory_space<vmem>>, vector<16xi32>,
      tpu.vector_store %arg27[%swap3A_159], %add3A_152 {strides = array<i32>} : memref<80xi32, #tpu.memory_space<vmem>>, vector<16xi32>,
      %reduce_sum3A = arith.constant true
      %reduce_sum3A_161 = vector.broadcast %reduce_sum3A : i1 to vector<16xi1>
      %reduce_sum3A_162 = tpu.scan <sum>, %get3A_147 masked %reduce_sum3A_161 : vector<16xi32>, vector<16xi1> -> vector<16xi32>
      %reduce_sum3A_163 = vector.extract %reduce_sum3A_162[15] : i32 from vector<16xi32>
      %add3A_164 = arith.addi %scan3A_144, %reduce_sum3A_163 : i32
      scf.yield %add3A_164 : i32
    }
    %scan3A_98 = arith.constant 4 : i32
    %broadcast_in_dim3A_99 = arith.constant 4096 : i32
    %broadcast_in_dim3A_100 = vector.broadcast %broadcast_in_dim3A_99 : i32 to vector<16xi32>
    %swap3A_101 = arith.constant 64 : index
    %swap3A_102 = tpu.vector_load %arg26[%swap3A_101] {strides = array<i32>} : memref<80xi32, #tpu.memory_space<vmem>>, vector<16xi32>,
    tpu.vector_store %arg26[%swap3A_101], %broadcast_in_dim3A_100 {strides = array<i32>} : memref<80xi32, #tpu.memory_space<vmem>>, vector<16xi32>,
    %scan3A_103 = arith.constant 0 : i32
    %scan3A_104 = arith.constant 0 : i32
    %scan3A_105 = arith.constant 256 : i32
    %scan3A_106 = arith.addi %scan3A_104, %scan3A_105 : i32
    %scan3A_107 = arith.constant 1 : i32
    %scan3A_108 = scf.for %scan3A_143 = %scan3A_104 to %scan3A_106 step %scan3A_107 iter_args(%scan3A_144 = %scan3A_103) -> (i32)  : i32 {
      %mul3A_145 = arith.constant 16 : i32
      %mul3A_146 = arith.muli %scan3A_143, %mul3A_145 : i32
      %get3A = arith.index_cast %mul3A_146 : i32 to index
      %get3A_147 = tpu.vector_load %arg21[%get3A] {strides = array<i32>} : memref<4096xi32, #tpu.memory_space<vmem>>, vector<16xi32>,
      %sub3A_148 = arith.constant 1 : i32
      %sub3A_149 = vector.broadcast %sub3A_148 : i32 to vector<16xi32>
      %sub3A_150 = arith.subi %iota3A, %sub3A_149 : vector<16xi32>
      %max3A = arith.constant 0 : i32
      %max3A_151 = vector.broadcast %max3A : i32 to vector<16xi32>
      %max3A_152 = arith.maxsi %sub3A_150, %max3A_151 : vector<16xi32>
      %add3A_153 = vector.broadcast %mul3A_146 : i32 to vector<16xi32>
      %add3A_154 = arith.addi %max3A_152, %add3A_153 : vector<16xi32>
      %gather3A = tpu.vector_load_idx %arg21[%add3A_154] : memref<4096xi32, #tpu.memory_space<vmem>>[vector<16xi32>], vector<16xi32>,
      %ge3A = arith.constant 1 : i32
      %ge3A_155 = vector.broadcast %ge3A : i32 to vector<16xi32>
      %ge3A_156 = arith.cmpi sge, %iota3A, %ge3A_155 : vector<16xi32>
      %eq3A_157 = arith.cmpi eq, %get3A_147, %gather3A : vector<16xi32>
      %and3A_158 = arith.andi %ge3A_156, %eq3A_157 : vector<16xi1>
      %jit3A_159 = arith.constant 1 : i32
      %jit3A_160 = arith.constant 0 : i32
      %broadcast_in_dim3A_161 = vector.broadcast %jit3A_159 : i32 to vector<16xi32>
      %broadcast_in_dim3A_162 = vector.broadcast %jit3A_160 : i32 to vector<16xi32>
      %select_n3A_163 = arith.select %and3A_158, %broadcast_in_dim3A_161, %broadcast_in_dim3A_162 : vector<16xi1>, vector<16xi32>
      %add3A_164 = arith.addi %broadcast_in_dim3A_74, %select_n3A_163 : vector<16xi32>
      %sub3A_165 = arith.constant 2 : i32
      %sub3A_166 = vector.broadcast %sub3A_165 : i32 to vector<16xi32>
      %sub3A_167 = arith.subi %iota3A, %sub3A_166 : vector<16xi32>
      %max3A_168 = arith.constant 0 : i32
      %max3A_169 = vector.broadcast %max3A_168 : i32 to vector<16xi32>
      %max3A_170 = arith.maxsi %sub3A_167, %max3A_169 : vector<16xi32>
      %add3A_171 = vector.broadcast %mul3A_146 : i32 to vector<16xi32>
      %add3A_172 = arith.addi %max3A_170, %add3A_171 : vector<16xi32>
      %gather3A_173 = tpu.vector_load_idx %arg21[%add3A_172] : memref<4096xi32, #tpu.memory_space<vmem>>[vector<16xi32>], vector<16xi32>,
      %ge3A_174 = arith.constant 2 : i32
      %ge3A_175 = vector.broadcast %ge3A_174 : i32 to vector<16xi32>
      %ge3A_176 = arith.cmpi sge, %iota3A, %ge3A_175 : vector<16xi32>
      %eq3A_177 = arith.cmpi eq, %get3A_147, %gather3A_173 : vector<16xi32>
      %and3A_178 = arith.andi %ge3A_176, %eq3A_177 : vector<16xi1>
      %jit3A_179 = arith.constant 1 : i32
      %jit3A_180 = arith.constant 0 : i32
      %broadcast_in_dim3A_181 = vector.broadcast %jit3A_179 : i32 to vector<16xi32>
      %broadcast_in_dim3A_182 = vector.broadcast %jit3A_180 : i32 to vector<16xi32>
      %select_n3A_183 = arith.select %and3A_178, %broadcast_in_dim3A_181, %broadcast_in_dim3A_182 : vector<16xi1>, vector<16xi32>
      %add3A_184 = arith.addi %add3A_164, %select_n3A_183 : vector<16xi32>
      %sub3A_185 = arith.constant 3 : i32
      %sub3A_186 = vector.broadcast %sub3A_185 : i32 to vector<16xi32>
      %sub3A_187 = arith.subi %iota3A, %sub3A_186 : vector<16xi32>
      %max3A_188 = arith.constant 0 : i32
      %max3A_189 = vector.broadcast %max3A_188 : i32 to vector<16xi32>
      %max3A_190 = arith.maxsi %sub3A_187, %max3A_189 : vector<16xi32>
      %add3A_191 = vector.broadcast %mul3A_146 : i32 to vector<16xi32>
      %add3A_192 = arith.addi %max3A_190, %add3A_191 : vector<16xi32>
      %gather3A_193 = tpu.vector_load_idx %arg21[%add3A_192] : memref<4096xi32, #tpu.memory_space<vmem>>[vector<16xi32>], vector<16xi32>,
      %ge3A_194 = arith.constant 3 : i32
      %ge3A_195 = vector.broadcast %ge3A_194 : i32 to vector<16xi32>
      %ge3A_196 = arith.cmpi sge, %iota3A, %ge3A_195 : vector<16xi32>
      %eq3A_197 = arith.cmpi eq, %get3A_147, %gather3A_193 : vector<16xi32>
      %and3A_198 = arith.andi %ge3A_196, %eq3A_197 : vector<16xi1>
      %jit3A_199 = arith.constant 1 : i32
      %jit3A_200 = arith.constant 0 : i32
      %broadcast_in_dim3A_201 = vector.broadcast %jit3A_199 : i32 to vector<16xi32>
      %broadcast_in_dim3A_202 = vector.broadcast %jit3A_200 : i32 to vector<16xi32>
      %select_n3A_203 = arith.select %and3A_198, %broadcast_in_dim3A_201, %broadcast_in_dim3A_202 : vector<16xi1>, vector<16xi32>
      %add3A_204 = arith.addi %add3A_184, %select_n3A_203 : vector<16xi32>
      %sub3A_205 = arith.constant 4 : i32
      %sub3A_206 = vector.broadcast %sub3A_205 : i32 to vector<16xi32>
      %sub3A_207 = arith.subi %iota3A, %sub3A_206 : vector<16xi32>
      %max3A_208 = arith.constant 0 : i32
      %max3A_209 = vector.broadcast %max3A_208 : i32 to vector<16xi32>
      %max3A_210 = arith.maxsi %sub3A_207, %max3A_209 : vector<16xi32>
      %add3A_211 = vector.broadcast %mul3A_146 : i32 to vector<16xi32>
      %add3A_212 = arith.addi %max3A_210, %add3A_211 : vector<16xi32>
      %gather3A_213 = tpu.vector_load_idx %arg21[%add3A_212] : memref<4096xi32, #tpu.memory_space<vmem>>[vector<16xi32>], vector<16xi32>,
      %ge3A_214 = arith.constant 4 : i32
      %ge3A_215 = vector.broadcast %ge3A_214 : i32 to vector<16xi32>
      %ge3A_216 = arith.cmpi sge, %iota3A, %ge3A_215 : vector<16xi32>
      %eq3A_217 = arith.cmpi eq, %get3A_147, %gather3A_213 : vector<16xi32>
      %and3A_218 = arith.andi %ge3A_216, %eq3A_217 : vector<16xi1>
      %jit3A_219 = arith.constant 1 : i32
      %jit3A_220 = arith.constant 0 : i32
      %broadcast_in_dim3A_221 = vector.broadcast %jit3A_219 : i32 to vector<16xi32>
      %broadcast_in_dim3A_222 = vector.broadcast %jit3A_220 : i32 to vector<16xi32>
      %select_n3A_223 = arith.select %and3A_218, %broadcast_in_dim3A_221, %broadcast_in_dim3A_222 : vector<16xi1>, vector<16xi32>
      %add3A_224 = arith.addi %add3A_204, %select_n3A_223 : vector<16xi32>
      %sub3A_225 = arith.constant 5 : i32
      %sub3A_226 = vector.broadcast %sub3A_225 : i32 to vector<16xi32>
      %sub3A_227 = arith.subi %iota3A, %sub3A_226 : vector<16xi32>
      %max3A_228 = arith.constant 0 : i32
      %max3A_229 = vector.broadcast %max3A_228 : i32 to vector<16xi32>
      %max3A_230 = arith.maxsi %sub3A_227, %max3A_229 : vector<16xi32>
      %add3A_231 = vector.broadcast %mul3A_146 : i32 to vector<16xi32>
      %add3A_232 = arith.addi %max3A_230, %add3A_231 : vector<16xi32>
      %gather3A_233 = tpu.vector_load_idx %arg21[%add3A_232] : memref<4096xi32, #tpu.memory_space<vmem>>[vector<16xi32>], vector<16xi32>,
      %ge3A_234 = arith.constant 5 : i32
      %ge3A_235 = vector.broadcast %ge3A_234 : i32 to vector<16xi32>
      %ge3A_236 = arith.cmpi sge, %iota3A, %ge3A_235 : vector<16xi32>
      %eq3A_237 = arith.cmpi eq, %get3A_147, %gather3A_233 : vector<16xi32>
      %and3A_238 = arith.andi %ge3A_236, %eq3A_237 : vector<16xi1>
      %jit3A_239 = arith.constant 1 : i32
      %jit3A_240 = arith.constant 0 : i32
      %broadcast_in_dim3A_241 = vector.broadcast %jit3A_239 : i32 to vector<16xi32>
      %broadcast_in_dim3A_242 = vector.broadcast %jit3A_240 : i32 to vector<16xi32>
      %select_n3A_243 = arith.select %and3A_238, %broadcast_in_dim3A_241, %broadcast_in_dim3A_242 : vector<16xi1>, vector<16xi32>
      %add3A_244 = arith.addi %add3A_224, %select_n3A_243 : vector<16xi32>
      %sub3A_245 = arith.constant 6 : i32
      %sub3A_246 = vector.broadcast %sub3A_245 : i32 to vector<16xi32>
      %sub3A_247 = arith.subi %iota3A, %sub3A_246 : vector<16xi32>
      %max3A_248 = arith.constant 0 : i32
      %max3A_249 = vector.broadcast %max3A_248 : i32 to vector<16xi32>
      %max3A_250 = arith.maxsi %sub3A_247, %max3A_249 : vector<16xi32>
      %add3A_251 = vector.broadcast %mul3A_146 : i32 to vector<16xi32>
      %add3A_252 = arith.addi %max3A_250, %add3A_251 : vector<16xi32>
      %gather3A_253 = tpu.vector_load_idx %arg21[%add3A_252] : memref<4096xi32, #tpu.memory_space<vmem>>[vector<16xi32>], vector<16xi32>,
      %ge3A_254 = arith.constant 6 : i32
      %ge3A_255 = vector.broadcast %ge3A_254 : i32 to vector<16xi32>
      %ge3A_256 = arith.cmpi sge, %iota3A, %ge3A_255 : vector<16xi32>
      %eq3A_257 = arith.cmpi eq, %get3A_147, %gather3A_253 : vector<16xi32>
      %and3A_258 = arith.andi %ge3A_256, %eq3A_257 : vector<16xi1>
      %jit3A_259 = arith.constant 1 : i32
      %jit3A_260 = arith.constant 0 : i32
      %broadcast_in_dim3A_261 = vector.broadcast %jit3A_259 : i32 to vector<16xi32>
      %broadcast_in_dim3A_262 = vector.broadcast %jit3A_260 : i32 to vector<16xi32>
      %select_n3A_263 = arith.select %and3A_258, %broadcast_in_dim3A_261, %broadcast_in_dim3A_262 : vector<16xi1>, vector<16xi32>
      %add3A_264 = arith.addi %add3A_244, %select_n3A_263 : vector<16xi32>
      %sub3A_265 = arith.constant 7 : i32
      %sub3A_266 = vector.broadcast %sub3A_265 : i32 to vector<16xi32>
      %sub3A_267 = arith.subi %iota3A, %sub3A_266 : vector<16xi32>
      %max3A_268 = arith.constant 0 : i32
      %max3A_269 = vector.broadcast %max3A_268 : i32 to vector<16xi32>
      %max3A_270 = arith.maxsi %sub3A_267, %max3A_269 : vector<16xi32>
      %add3A_271 = vector.broadcast %mul3A_146 : i32 to vector<16xi32>
      %add3A_272 = arith.addi %max3A_270, %add3A_271 : vector<16xi32>
      %gather3A_273 = tpu.vector_load_idx %arg21[%add3A_272] : memref<4096xi32, #tpu.memory_space<vmem>>[vector<16xi32>], vector<16xi32>,
      %ge3A_274 = arith.constant 7 : i32
      %ge3A_275 = vector.broadcast %ge3A_274 : i32 to vector<16xi32>
      %ge3A_276 = arith.cmpi sge, %iota3A, %ge3A_275 : vector<16xi32>
      %eq3A_277 = arith.cmpi eq, %get3A_147, %gather3A_273 : vector<16xi32>
      %and3A_278 = arith.andi %ge3A_276, %eq3A_277 : vector<16xi1>
      %jit3A_279 = arith.constant 1 : i32
      %jit3A_280 = arith.constant 0 : i32
      %broadcast_in_dim3A_281 = vector.broadcast %jit3A_279 : i32 to vector<16xi32>
      %broadcast_in_dim3A_282 = vector.broadcast %jit3A_280 : i32 to vector<16xi32>
      %select_n3A_283 = arith.select %and3A_278, %broadcast_in_dim3A_281, %broadcast_in_dim3A_282 : vector<16xi1>, vector<16xi32>
      %add3A_284 = arith.addi %add3A_264, %select_n3A_283 : vector<16xi32>
      %sub3A_285 = arith.constant 8 : i32
      %sub3A_286 = vector.broadcast %sub3A_285 : i32 to vector<16xi32>
      %sub3A_287 = arith.subi %iota3A, %sub3A_286 : vector<16xi32>
      %max3A_288 = arith.constant 0 : i32
      %max3A_289 = vector.broadcast %max3A_288 : i32 to vector<16xi32>
      %max3A_290 = arith.maxsi %sub3A_287, %max3A_289 : vector<16xi32>
      %add3A_291 = vector.broadcast %mul3A_146 : i32 to vector<16xi32>
      %add3A_292 = arith.addi %max3A_290, %add3A_291 : vector<16xi32>
      %gather3A_293 = tpu.vector_load_idx %arg21[%add3A_292] : memref<4096xi32, #tpu.memory_space<vmem>>[vector<16xi32>], vector<16xi32>,
      %ge3A_294 = arith.constant 8 : i32
      %ge3A_295 = vector.broadcast %ge3A_294 : i32 to vector<16xi32>
      %ge3A_296 = arith.cmpi sge, %iota3A, %ge3A_295 : vector<16xi32>
      %eq3A_297 = arith.cmpi eq, %get3A_147, %gather3A_293 : vector<16xi32>
      %and3A_298 = arith.andi %ge3A_296, %eq3A_297 : vector<16xi1>
      %jit3A_299 = arith.constant 1 : i32
      %jit3A_300 = arith.constant 0 : i32
      %broadcast_in_dim3A_301 = vector.broadcast %jit3A_299 : i32 to vector<16xi32>
      %broadcast_in_dim3A_302 = vector.broadcast %jit3A_300 : i32 to vector<16xi32>
      %select_n3A_303 = arith.select %and3A_298, %broadcast_in_dim3A_301, %broadcast_in_dim3A_302 : vector<16xi1>, vector<16xi32>
      %add3A_304 = arith.addi %add3A_284, %select_n3A_303 : vector<16xi32>
      %sub3A_305 = arith.constant 9 : i32
      %sub3A_306 = vector.broadcast %sub3A_305 : i32 to vector<16xi32>
      %sub3A_307 = arith.subi %iota3A, %sub3A_306 : vector<16xi32>
      %max3A_308 = arith.constant 0 : i32
      %max3A_309 = vector.broadcast %max3A_308 : i32 to vector<16xi32>
      %max3A_310 = arith.maxsi %sub3A_307, %max3A_309 : vector<16xi32>
      %add3A_311 = vector.broadcast %mul3A_146 : i32 to vector<16xi32>
      %add3A_312 = arith.addi %max3A_310, %add3A_311 : vector<16xi32>
      %gather3A_313 = tpu.vector_load_idx %arg21[%add3A_312] : memref<4096xi32, #tpu.memory_space<vmem>>[vector<16xi32>], vector<16xi32>,
      %ge3A_314 = arith.constant 9 : i32
      %ge3A_315 = vector.broadcast %ge3A_314 : i32 to vector<16xi32>
      %ge3A_316 = arith.cmpi sge, %iota3A, %ge3A_315 : vector<16xi32>
      %eq3A_317 = arith.cmpi eq, %get3A_147, %gather3A_313 : vector<16xi32>
      %and3A_318 = arith.andi %ge3A_316, %eq3A_317 : vector<16xi1>
      %jit3A_319 = arith.constant 1 : i32
      %jit3A_320 = arith.constant 0 : i32
      %broadcast_in_dim3A_321 = vector.broadcast %jit3A_319 : i32 to vector<16xi32>
      %broadcast_in_dim3A_322 = vector.broadcast %jit3A_320 : i32 to vector<16xi32>
      %select_n3A_323 = arith.select %and3A_318, %broadcast_in_dim3A_321, %broadcast_in_dim3A_322 : vector<16xi1>, vector<16xi32>
      %add3A_324 = arith.addi %add3A_304, %select_n3A_323 : vector<16xi32>
      %sub3A_325 = arith.constant 10 : i32
      %sub3A_326 = vector.broadcast %sub3A_325 : i32 to vector<16xi32>
      %sub3A_327 = arith.subi %iota3A, %sub3A_326 : vector<16xi32>
      %max3A_328 = arith.constant 0 : i32
      %max3A_329 = vector.broadcast %max3A_328 : i32 to vector<16xi32>
      %max3A_330 = arith.maxsi %sub3A_327, %max3A_329 : vector<16xi32>
      %add3A_331 = vector.broadcast %mul3A_146 : i32 to vector<16xi32>
      %add3A_332 = arith.addi %max3A_330, %add3A_331 : vector<16xi32>
      %gather3A_333 = tpu.vector_load_idx %arg21[%add3A_332] : memref<4096xi32, #tpu.memory_space<vmem>>[vector<16xi32>], vector<16xi32>,
      %ge3A_334 = arith.constant 10 : i32
      %ge3A_335 = vector.broadcast %ge3A_334 : i32 to vector<16xi32>
      %ge3A_336 = arith.cmpi sge, %iota3A, %ge3A_335 : vector<16xi32>
      %eq3A_337 = arith.cmpi eq, %get3A_147, %gather3A_333 : vector<16xi32>
      %and3A_338 = arith.andi %ge3A_336, %eq3A_337 : vector<16xi1>
      %jit3A_339 = arith.constant 1 : i32
      %jit3A_340 = arith.constant 0 : i32
      %broadcast_in_dim3A_341 = vector.broadcast %jit3A_339 : i32 to vector<16xi32>
      %broadcast_in_dim3A_342 = vector.broadcast %jit3A_340 : i32 to vector<16xi32>
      %select_n3A_343 = arith.select %and3A_338, %broadcast_in_dim3A_341, %broadcast_in_dim3A_342 : vector<16xi1>, vector<16xi32>
      %add3A_344 = arith.addi %add3A_324, %select_n3A_343 : vector<16xi32>
      %sub3A_345 = arith.constant 11 : i32
      %sub3A_346 = vector.broadcast %sub3A_345 : i32 to vector<16xi32>
      %sub3A_347 = arith.subi %iota3A, %sub3A_346 : vector<16xi32>
      %max3A_348 = arith.constant 0 : i32
      %max3A_349 = vector.broadcast %max3A_348 : i32 to vector<16xi32>
      %max3A_350 = arith.maxsi %sub3A_347, %max3A_349 : vector<16xi32>
      %add3A_351 = vector.broadcast %mul3A_146 : i32 to vector<16xi32>
      %add3A_352 = arith.addi %max3A_350, %add3A_351 : vector<16xi32>
      %gather3A_353 = tpu.vector_load_idx %arg21[%add3A_352] : memref<4096xi32, #tpu.memory_space<vmem>>[vector<16xi32>], vector<16xi32>,
      %ge3A_354 = arith.constant 11 : i32
      %ge3A_355 = vector.broadcast %ge3A_354 : i32 to vector<16xi32>
      %ge3A_356 = arith.cmpi sge, %iota3A, %ge3A_355 : vector<16xi32>
      %eq3A_357 = arith.cmpi eq, %get3A_147, %gather3A_353 : vector<16xi32>
      %and3A_358 = arith.andi %ge3A_356, %eq3A_357 : vector<16xi1>
      %jit3A_359 = arith.constant 1 : i32
      %jit3A_360 = arith.constant 0 : i32
      %broadcast_in_dim3A_361 = vector.broadcast %jit3A_359 : i32 to vector<16xi32>
      %broadcast_in_dim3A_362 = vector.broadcast %jit3A_360 : i32 to vector<16xi32>
      %select_n3A_363 = arith.select %and3A_358, %broadcast_in_dim3A_361, %broadcast_in_dim3A_362 : vector<16xi1>, vector<16xi32>
      %add3A_364 = arith.addi %add3A_344, %select_n3A_363 : vector<16xi32>
      %sub3A_365 = arith.constant 12 : i32
      %sub3A_366 = vector.broadcast %sub3A_365 : i32 to vector<16xi32>
      %sub3A_367 = arith.subi %iota3A, %sub3A_366 : vector<16xi32>
      %max3A_368 = arith.constant 0 : i32
      %max3A_369 = vector.broadcast %max3A_368 : i32 to vector<16xi32>
      %max3A_370 = arith.maxsi %sub3A_367, %max3A_369 : vector<16xi32>
      %add3A_371 = vector.broadcast %mul3A_146 : i32 to vector<16xi32>
      %add3A_372 = arith.addi %max3A_370, %add3A_371 : vector<16xi32>
      %gather3A_373 = tpu.vector_load_idx %arg21[%add3A_372] : memref<4096xi32, #tpu.memory_space<vmem>>[vector<16xi32>], vector<16xi32>,
      %ge3A_374 = arith.constant 12 : i32
      %ge3A_375 = vector.broadcast %ge3A_374 : i32 to vector<16xi32>
      %ge3A_376 = arith.cmpi sge, %iota3A, %ge3A_375 : vector<16xi32>
      %eq3A_377 = arith.cmpi eq, %get3A_147, %gather3A_373 : vector<16xi32>
      %and3A_378 = arith.andi %ge3A_376, %eq3A_377 : vector<16xi1>
      %jit3A_379 = arith.constant 1 : i32
      %jit3A_380 = arith.constant 0 : i32
      %broadcast_in_dim3A_381 = vector.broadcast %jit3A_379 : i32 to vector<16xi32>
      %broadcast_in_dim3A_382 = vector.broadcast %jit3A_380 : i32 to vector<16xi32>
      %select_n3A_383 = arith.select %and3A_378, %broadcast_in_dim3A_381, %broadcast_in_dim3A_382 : vector<16xi1>, vector<16xi32>
      %add3A_384 = arith.addi %add3A_364, %select_n3A_383 : vector<16xi32>
      %sub3A_385 = arith.constant 13 : i32
      %sub3A_386 = vector.broadcast %sub3A_385 : i32 to vector<16xi32>
      %sub3A_387 = arith.subi %iota3A, %sub3A_386 : vector<16xi32>
      %max3A_388 = arith.constant 0 : i32
      %max3A_389 = vector.broadcast %max3A_388 : i32 to vector<16xi32>
      %max3A_390 = arith.maxsi %sub3A_387, %max3A_389 : vector<16xi32>
      %add3A_391 = vector.broadcast %mul3A_146 : i32 to vector<16xi32>
      %add3A_392 = arith.addi %max3A_390, %add3A_391 : vector<16xi32>
      %gather3A_393 = tpu.vector_load_idx %arg21[%add3A_392] : memref<4096xi32, #tpu.memory_space<vmem>>[vector<16xi32>], vector<16xi32>,
      %ge3A_394 = arith.constant 13 : i32
      %ge3A_395 = vector.broadcast %ge3A_394 : i32 to vector<16xi32>
      %ge3A_396 = arith.cmpi sge, %iota3A, %ge3A_395 : vector<16xi32>
      %eq3A_397 = arith.cmpi eq, %get3A_147, %gather3A_393 : vector<16xi32>
      %and3A_398 = arith.andi %ge3A_396, %eq3A_397 : vector<16xi1>
      %jit3A_399 = arith.constant 1 : i32
      %jit3A_400 = arith.constant 0 : i32
      %broadcast_in_dim3A_401 = vector.broadcast %jit3A_399 : i32 to vector<16xi32>
      %broadcast_in_dim3A_402 = vector.broadcast %jit3A_400 : i32 to vector<16xi32>
      %select_n3A_403 = arith.select %and3A_398, %broadcast_in_dim3A_401, %broadcast_in_dim3A_402 : vector<16xi1>, vector<16xi32>
      %add3A_404 = arith.addi %add3A_384, %select_n3A_403 : vector<16xi32>
      %sub3A_405 = arith.constant 14 : i32
      %sub3A_406 = vector.broadcast %sub3A_405 : i32 to vector<16xi32>
      %sub3A_407 = arith.subi %iota3A, %sub3A_406 : vector<16xi32>
      %max3A_408 = arith.constant 0 : i32
      %max3A_409 = vector.broadcast %max3A_408 : i32 to vector<16xi32>
      %max3A_410 = arith.maxsi %sub3A_407, %max3A_409 : vector<16xi32>
      %add3A_411 = vector.broadcast %mul3A_146 : i32 to vector<16xi32>
      %add3A_412 = arith.addi %max3A_410, %add3A_411 : vector<16xi32>
      %gather3A_413 = tpu.vector_load_idx %arg21[%add3A_412] : memref<4096xi32, #tpu.memory_space<vmem>>[vector<16xi32>], vector<16xi32>,
      %ge3A_414 = arith.constant 14 : i32
      %ge3A_415 = vector.broadcast %ge3A_414 : i32 to vector<16xi32>
      %ge3A_416 = arith.cmpi sge, %iota3A, %ge3A_415 : vector<16xi32>
      %eq3A_417 = arith.cmpi eq, %get3A_147, %gather3A_413 : vector<16xi32>
      %and3A_418 = arith.andi %ge3A_416, %eq3A_417 : vector<16xi1>
      %jit3A_419 = arith.constant 1 : i32
      %jit3A_420 = arith.constant 0 : i32
      %broadcast_in_dim3A_421 = vector.broadcast %jit3A_419 : i32 to vector<16xi32>
      %broadcast_in_dim3A_422 = vector.broadcast %jit3A_420 : i32 to vector<16xi32>
      %select_n3A_423 = arith.select %and3A_418, %broadcast_in_dim3A_421, %broadcast_in_dim3A_422 : vector<16xi1>, vector<16xi32>
      %add3A_424 = arith.addi %add3A_404, %select_n3A_423 : vector<16xi32>
      %sub3A_425 = arith.constant 15 : i32
      %sub3A_426 = vector.broadcast %sub3A_425 : i32 to vector<16xi32>
      %sub3A_427 = arith.subi %iota3A, %sub3A_426 : vector<16xi32>
      %max3A_428 = arith.constant 0 : i32
      %max3A_429 = vector.broadcast %max3A_428 : i32 to vector<16xi32>
      %max3A_430 = arith.maxsi %sub3A_427, %max3A_429 : vector<16xi32>
      %add3A_431 = vector.broadcast %mul3A_146 : i32 to vector<16xi32>
      %add3A_432 = arith.addi %max3A_430, %add3A_431 : vector<16xi32>
      %gather3A_433 = tpu.vector_load_idx %arg21[%add3A_432] : memref<4096xi32, #tpu.memory_space<vmem>>[vector<16xi32>], vector<16xi32>,
      %ge3A_434 = arith.constant 15 : i32
      %ge3A_435 = vector.broadcast %ge3A_434 : i32 to vector<16xi32>
      %ge3A_436 = arith.cmpi sge, %iota3A, %ge3A_435 : vector<16xi32>
      %eq3A_437 = arith.cmpi eq, %get3A_147, %gather3A_433 : vector<16xi32>
      %and3A_438 = arith.andi %ge3A_436, %eq3A_437 : vector<16xi1>
      %jit3A_439 = arith.constant 1 : i32
      %jit3A_440 = arith.constant 0 : i32
      %broadcast_in_dim3A_441 = vector.broadcast %jit3A_439 : i32 to vector<16xi32>
      %broadcast_in_dim3A_442 = vector.broadcast %jit3A_440 : i32 to vector<16xi32>
      %select_n3A_443 = arith.select %and3A_438, %broadcast_in_dim3A_441, %broadcast_in_dim3A_442 : vector<16xi1>, vector<16xi32>
      %add3A_444 = arith.addi %add3A_424, %select_n3A_443 : vector<16xi32>
      %gather3A_445 = tpu.vector_load_idx %arg27[%get3A_147] : memref<80xi32, #tpu.memory_space<vmem>>[vector<16xi32>], vector<16xi32>,
      %add3A_446 = arith.addi %gather3A_445, %add3A_444 : vector<16xi32>
      tpu.vector_store_idx %arg27[%get3A_147], %broadcast_in_dim3A_76 {add = true} : memref<80xi32, #tpu.memory_space<vmem>>[vector<16xi32>], vector<16xi32>,
      %get3A_447 = arith.index_cast %mul3A_146 : i32 to index
      %get3A_448 = tpu.vector_load %arg7[%get3A_447] {strides = array<i32>} : memref<4096xf32, #tpu.memory_space<vmem>>, vector<16xf32>,
      tpu.vector_store_idx %arg22[%add3A_446], %get3A_448 : memref<4096xf32, #tpu.memory_space<vmem>>[vector<16xi32>], vector<16xf32>,
      %get3A_449 = arith.index_cast %mul3A_146 : i32 to index
      %get3A_450 = tpu.vector_load %arg8[%get3A_449] {strides = array<i32>} : memref<4096xf32, #tpu.memory_space<vmem>>, vector<16xf32>,
      tpu.vector_store_idx %arg23[%add3A_446], %get3A_450 : memref<4096xf32, #tpu.memory_space<vmem>>[vector<16xi32>], vector<16xf32>,
      %get3A_451 = arith.index_cast %mul3A_146 : i32 to index
      %get3A_452 = tpu.vector_load %arg9[%get3A_451] {strides = array<i32>} : memref<4096xf32, #tpu.memory_space<vmem>>, vector<16xf32>,
      tpu.vector_store_idx %arg24[%add3A_446], %get3A_452 : memref<4096xf32, #tpu.memory_space<vmem>>[vector<16xi32>], vector<16xf32>,
      %add3A_453 = vector.broadcast %mul3A_146 : i32 to vector<16xi32>
      %add3A_454 = arith.addi %iota3A, %add3A_453 : vector<16xi32>
      tpu.vector_store_idx %arg25[%add3A_446], %add3A_454 : memref<4096xi32, #tpu.memory_space<vmem>>[vector<16xi32>], vector<16xi32>,
      %scan3A_455 = arith.constant 0 : i32
      scf.yield %scan3A_455 : i32
    }
    %scan3A_109 = arith.constant 256 : i32
    %scan3A_110 = arith.constant 0 : i32
    %scan3A_111 = arith.constant 0 : i32
    %scan3A_112 = arith.constant 32 : i32
    %scan3A_113 = arith.addi %scan3A_111, %scan3A_112 : i32
    %scan3A_114 = arith.constant 1 : i32
    scf.for %scan3A_143 = %scan3A_111 to %scan3A_113 step %scan3A_114  : i32 {
      %mul3A_144 = arith.constant 2 : i32
      %mul3A_145 = arith.muli %scan3A_143, %mul3A_144 : i32
      %add3A_146 = arith.constant 0 : i32
      %add3A_147 = arith.addi %mul3A_145, %add3A_146 : i32
      %gt3A = arith.constant 0 : i32
      %gt3A_148 = arith.cmpi sgt, %scan3A_143, %gt3A : i32
      %convert_element_type3A = arith.extui %gt3A_148 : i1 to i32
      %cond3A = arith.constant 0 : i32
      %cond3A_149 = arith.cmpi ne, %convert_element_type3A, %cond3A : i32
      scf.if %cond3A_149 {
        %dma_wait3A_291 = arith.constant 0 : i32
        %dma_wait3A_292 = tpu.memref_slice %arg6[%dma_wait3A_291] : memref<262144xi32, #tpu.memory_space<hbm>> -> memref<128xi32, #tpu.memory_space<hbm>>
        %dma_wait3A_293 = arith.constant 0 : i32
        %dma_wait3A_294 = tpu.memref_slice %arg6[%dma_wait3A_293] : memref<262144xi32, #tpu.memory_space<hbm>> -> memref<128xi32, #tpu.memory_space<hbm>>
        tpu.wait_dma2 semaphore(%arg32 : memref<!tpu.dma_semaphore, #tpu.memory_space<semaphore_mem>>) src(%arg15 : memref<128xi32, #tpu.memory_space<vmem>>) dst(%dma_wait3A_294 : memref<128xi32, #tpu.memory_space<hbm>>)
        %dma_wait3A_295 = arith.constant 0 : i32
        %dma_wait3A_296 = arith.constant 0 : i32
        %dma_wait3A_297 = tpu.memref_slice %arg4[%dma_wait3A_295, %dma_wait3A_296] : memref<32768x80xf32, #tpu.memory_space<hbm>> -> memref<32768x80xf32, #tpu.memory_space<hbm>>
        tpu.wait_indirect_dma semaphore(%arg28 : memref<!tpu.dma_semaphore, #tpu.memory_space<semaphore_mem>>) src(%dma_wait3A_297 : memref<32768x80xf32, #tpu.memory_space<hbm>>) dst(%arg19 : memref<128x80xf32, #tpu.memory_space<vmem>>)
        %mul3A_298 = arith.constant 1024 : i32
        %mul3A_299 = arith.muli %select_n3A, %mul3A_298 : i32
        %add3A_300 = arith.addi %mul3A_299, %mul3A_32 : i32
        %sub3A_301 = arith.constant 2 : i32
        %sub3A_302 = arith.subi %add3A_147, %sub3A_301 : i32
        %mul3A_303 = arith.constant 4 : i32
        %mul3A_304 = arith.muli %sub3A_302, %mul3A_303 : i32
        %add3A_305 = arith.addi %add3A_300, %mul3A_304 : i32
        %mul3A_306 = arith.constant 32 : i32
        %mul3A_307 = arith.muli %add3A_305, %mul3A_306 : i32
        %dma_start3A_308 = arith.constant 0 : i32
        %dma_start3A_309 = tpu.memref_slice %arg5[%mul3A_307, %dma_start3A_308] : memref<262144x80xf32, #tpu.memory_space<hbm>> -> memref<128x80xf32, #tpu.memory_space<hbm>>
        %dma_start3A_310 = arith.constant 0 : i32
        %dma_start3A_311 = tpu.memref_slice %arg5[%mul3A_307, %dma_start3A_310] : memref<262144x80xf32, #tpu.memory_space<hbm>> -> memref<128x80xf32, #tpu.memory_space<hbm>>
        tpu.enqueue_dma source(%arg19 : memref<128x80xf32, #tpu.memory_space<vmem>>) target(%dma_start3A_311 : memref<128x80xf32, #tpu.memory_space<hbm>>) target_semaphore(%arg30 : memref<!tpu.dma_semaphore, #tpu.memory_space<semaphore_mem>>)
      } else {
      }
      %scan3A_150 = arith.constant 0 : i32
      %scan3A_151 = arith.constant 0 : i32
      %scan3A_152 = arith.constant 4 : i32
      %scan3A_153 = arith.addi %scan3A_151, %scan3A_152 : i32
      %scan3A_154 = arith.constant 1 : i32
      scf.for %scan3A_291 = %scan3A_151 to %scan3A_153 step %scan3A_154  : i32 {
        %mul3A_292 = arith.constant 4 : i32
        %mul3A_293 = arith.muli %add3A_147, %mul3A_292 : i32
        %add3A_294 = arith.addi %mul3A_293, %scan3A_291 : i32
        %mul3A_295 = arith.constant 32 : i32
        %mul3A_296 = arith.muli %scan3A_291, %mul3A_295 : i32
        %broadcast_in_dim3A_297 = vector.broadcast %add3A_294 : i32 to vector<16xi32>
        %gather3A = tpu.vector_load_idx %arg10[%broadcast_in_dim3A_297] : memref<256xf32, #tpu.memory_space<vmem>>[vector<16xi32>], vector<16xf32>,
        %gather3A_298 = tpu.vector_load_idx %arg11[%broadcast_in_dim3A_297] : memref<256xf32, #tpu.memory_space<vmem>>[vector<16xi32>], vector<16xf32>,
        %gather3A_299 = tpu.vector_load_idx %arg12[%broadcast_in_dim3A_297] : memref<256xf32, #tpu.memory_space<vmem>>[vector<16xi32>], vector<16xf32>,
        %sub3A_300 = arith.constant 2.000000e-01 : f32
        %sub3A_301 = vector.broadcast %sub3A_300 : f32 to vector<16xf32>
        %sub3A_302 = arith.subf %gather3A, %sub3A_301 : vector<16xf32>
        %max3A = arith.constant 0.000000e+00 : f32
        %max3A_303 = vector.broadcast %max3A : f32 to vector<16xf32>
        %max3A_304 = arith.maximumf %sub3A_302, %max3A_303 : vector<16xf32>
        %mul3A_305 = arith.constant 8.000000e+00 : f32
        %mul3A_306 = vector.broadcast %mul3A_305 : f32 to vector<16xf32>
        %mul3A_307 = arith.mulf %max3A_304, %mul3A_306 : vector<16xf32>
        %convert_element_type3A_308 = arith.fptosi %mul3A_307 : vector<16xf32> to vector<16xi32>
        %add3A_309 = arith.constant 2.000000e-01 : f32
        %add3A_310 = vector.broadcast %add3A_309 : f32 to vector<16xf32>
        %add3A_311 = arith.addf %gather3A, %add3A_310 : vector<16xf32>
        %min3A = arith.constant 0.99999994 : f32
        %min3A_312 = vector.broadcast %min3A : f32 to vector<16xf32>
        %min3A_313 = arith.minimumf %add3A_311, %min3A_312 : vector<16xf32>
        %mul3A_314 = arith.constant 8.000000e+00 : f32
        %mul3A_315 = vector.broadcast %mul3A_314 : f32 to vector<16xf32>
        %mul3A_316 = arith.mulf %min3A_313, %mul3A_315 : vector<16xf32>
        %convert_element_type3A_317 = arith.fptosi %mul3A_316 : vector<16xf32> to vector<16xi32>
        %sub3A_318 = arith.constant 2.000000e-01 : f32
        %sub3A_319 = vector.broadcast %sub3A_318 : f32 to vector<16xf32>
        %sub3A_320 = arith.subf %gather3A_298, %sub3A_319 : vector<16xf32>
        %max3A_321 = arith.constant 0.000000e+00 : f32
        %max3A_322 = vector.broadcast %max3A_321 : f32 to vector<16xf32>
        %max3A_323 = arith.maximumf %sub3A_320, %max3A_322 : vector<16xf32>
        %mul3A_324 = arith.constant 8.000000e+00 : f32
        %mul3A_325 = vector.broadcast %mul3A_324 : f32 to vector<16xf32>
        %mul3A_326 = arith.mulf %max3A_323, %mul3A_325 : vector<16xf32>
        %convert_element_type3A_327 = arith.fptosi %mul3A_326 : vector<16xf32> to vector<16xi32>
        %add3A_328 = arith.constant 2.000000e-01 : f32
        %add3A_329 = vector.broadcast %add3A_328 : f32 to vector<16xf32>
        %add3A_330 = arith.addf %gather3A_298, %add3A_329 : vector<16xf32>
        %min3A_331 = arith.constant 0.99999994 : f32
        %min3A_332 = vector.broadcast %min3A_331 : f32 to vector<16xf32>
        %min3A_333 = arith.minimumf %add3A_330, %min3A_332 : vector<16xf32>
        %mul3A_334 = arith.constant 8.000000e+00 : f32
        %mul3A_335 = vector.broadcast %mul3A_334 : f32 to vector<16xf32>
        %mul3A_336 = arith.mulf %min3A_333, %mul3A_335 : vector<16xf32>
        %convert_element_type3A_337 = arith.fptosi %mul3A_336 : vector<16xf32> to vector<16xi32>
        %eq3A_338 = arith.constant 0 : i32
        %eq3A_339 = vector.broadcast %eq3A_338 : i32 to vector<16xi32>
        %eq3A_340 = arith.cmpi eq, %iota3A, %eq3A_339 : vector<16xi32>
        %jit3A_341 = arith.constant 0 : i32
        %broadcast_in_dim3A_342 = vector.broadcast %jit3A_341 : i32 to vector<16xi32>
        %select_n3A_343 = arith.select %eq3A_340, %convert_element_type3A_308, %broadcast_in_dim3A_342 : vector<16xi1>, vector<16xi32>
        %reduce_sum3A = arith.constant true
        %reduce_sum3A_344 = vector.broadcast %reduce_sum3A : i1 to vector<16xi1>
        %reduce_sum3A_345 = tpu.scan <sum>, %select_n3A_343 masked %reduce_sum3A_344 : vector<16xi32>, vector<16xi1> -> vector<16xi32>
        %reduce_sum3A_346 = vector.extract %reduce_sum3A_345[15] : i32 from vector<16xi32>
        %eq3A_347 = arith.constant 0 : i32
        %eq3A_348 = vector.broadcast %eq3A_347 : i32 to vector<16xi32>
        %eq3A_349 = arith.cmpi eq, %iota3A, %eq3A_348 : vector<16xi32>
        %jit3A_350 = arith.constant 0 : i32
        %broadcast_in_dim3A_351 = vector.broadcast %jit3A_350 : i32 to vector<16xi32>
        %select_n3A_352 = arith.select %eq3A_349, %convert_element_type3A_317, %broadcast_in_dim3A_351 : vector<16xi1>, vector<16xi32>
        %reduce_sum3A_353 = arith.constant true
        %reduce_sum3A_354 = vector.broadcast %reduce_sum3A_353 : i1 to vector<16xi1>
        %reduce_sum3A_355 = tpu.scan <sum>, %select_n3A_352 masked %reduce_sum3A_354 : vector<16xi32>, vector<16xi1> -> vector<16xi32>
        %reduce_sum3A_356 = vector.extract %reduce_sum3A_355[15] : i32 from vector<16xi32>
        %eq3A_357 = arith.constant 0 : i32
        %eq3A_358 = vector.broadcast %eq3A_357 : i32 to vector<16xi32>
        %eq3A_359 = arith.cmpi eq, %iota3A, %eq3A_358 : vector<16xi32>
        %jit3A_360 = arith.constant 0 : i32
        %broadcast_in_dim3A_361 = vector.broadcast %jit3A_360 : i32 to vector<16xi32>
        %select_n3A_362 = arith.select %eq3A_359, %convert_element_type3A_327, %broadcast_in_dim3A_361 : vector<16xi1>, vector<16xi32>
        %reduce_sum3A_363 = arith.constant true
        %reduce_sum3A_364 = vector.broadcast %reduce_sum3A_363 : i1 to vector<16xi1>
        %reduce_sum3A_365 = tpu.scan <sum>, %select_n3A_362 masked %reduce_sum3A_364 : vector<16xi32>, vector<16xi1> -> vector<16xi32>
        %reduce_sum3A_366 = vector.extract %reduce_sum3A_365[15] : i32 from vector<16xi32>
        %eq3A_367 = arith.constant 0 : i32
        %eq3A_368 = vector.broadcast %eq3A_367 : i32 to vector<16xi32>
        %eq3A_369 = arith.cmpi eq, %iota3A, %eq3A_368 : vector<16xi32>
        %jit3A_370 = arith.constant 0 : i32
        %broadcast_in_dim3A_371 = vector.broadcast %jit3A_370 : i32 to vector<16xi32>
        %select_n3A_372 = arith.select %eq3A_369, %convert_element_type3A_337, %broadcast_in_dim3A_371 : vector<16xi1>, vector<16xi32>
        %reduce_sum3A_373 = arith.constant true
        %reduce_sum3A_374 = vector.broadcast %reduce_sum3A_373 : i1 to vector<16xi1>
        %reduce_sum3A_375 = tpu.scan <sum>, %select_n3A_372 masked %reduce_sum3A_374 : vector<16xi32>, vector<16xi1> -> vector<16xi32>
        %reduce_sum3A_376 = vector.extract %reduce_sum3A_375[15] : i32 from vector<16xi32>
        %add3A_377 = arith.constant 1 : i32
        %add3A_378 = arith.addi %reduce_sum3A_356, %add3A_377 : i32
        %while3A = arith.subi %add3A_378, %reduce_sum3A_346 : i32
        %while3A_379 = arith.addi %reduce_sum3A_346, %while3A : i32
        %while3A_380 = arith.constant 1 : i32
        %while3A_381 = arith.divsi %while3A, %while3A_380 : i32
        %while3A_382 = arith.muli %while3A_381, %while3A_380 : i32
        %while3A_383 = arith.addi %reduce_sum3A_346, %while3A_382 : i32
        %while3A_384 = arith.constant 1 : i32
        %while3A_385 = scf.for %while3A_469 = %reduce_sum3A_346 to %while3A_383 step %while3A_384 iter_args(%while3A_470 = %broadcast_in_dim3A_74) -> (vector<16xi32>)  : i32 {
          %eq3A_471 = arith.constant 0 : i32
          %eq3A_472 = vector.broadcast %eq3A_471 : i32 to vector<16xi32>
          %eq3A_473 = arith.cmpi eq, %iota3A, %eq3A_472 : vector<16xi32>
          %mul3A_474 = arith.constant 8 : i32
          %mul3A_475 = arith.muli %while3A_469, %mul3A_474 : i32
          %add3A_476 = arith.addi %mul3A_475, %reduce_sum3A_366 : i32
          %broadcast_in_dim3A_477 = vector.broadcast %add3A_476 : i32 to vector<16xi32>
          %gather3A_478 = tpu.vector_load_idx %arg26[%broadcast_in_dim3A_477] : memref<80xi32, #tpu.memory_space<vmem>>[vector<16xi32>], vector<16xi32>,
          %jit3A_479 = arith.constant 0 : i32
          %broadcast_in_dim3A_480 = vector.broadcast %jit3A_479 : i32 to vector<16xi32>
          %select_n3A_481 = arith.select %eq3A_473, %gather3A_478, %broadcast_in_dim3A_480 : vector<16xi1>, vector<16xi32>
          %reduce_sum3A_482 = arith.constant true
          %reduce_sum3A_483 = vector.broadcast %reduce_sum3A_482 : i1 to vector<16xi1>
          %reduce_sum3A_484 = tpu.scan <sum>, %select_n3A_481 masked %reduce_sum3A_483 : vector<16xi32>, vector<16xi1> -> vector<16xi32>
          %reduce_sum3A_485 = vector.extract %reduce_sum3A_484[15] : i32 from vector<16xi32>
          %eq3A_486 = arith.constant 0 : i32
          %eq3A_487 = vector.broadcast %eq3A_486 : i32 to vector<16xi32>
          %eq3A_488 = arith.cmpi eq, %iota3A, %eq3A_487 : vector<16xi32>
          %mul3A_489 = arith.constant 8 : i32
          %mul3A_490 = arith.muli %while3A_469, %mul3A_489 : i32
          %add3A_491 = arith.addi %mul3A_490, %reduce_sum3A_376 : i32
          %add3A_492 = arith.constant 1 : i32
          %add3A_493 = arith.addi %add3A_491, %add3A_492 : i32
          %broadcast_in_dim3A_494 = vector.broadcast %add3A_493 : i32 to vector<16xi32>
          %gather3A_495 = tpu.vector_load_idx %arg26[%broadcast_in_dim3A_494] : memref<80xi32, #tpu.memory_space<vmem>>[vector<16xi32>], vector<16xi32>,
          %jit3A_496 = arith.constant 0 : i32
          %broadcast_in_dim3A_497 = vector.broadcast %jit3A_496 : i32 to vector<16xi32>
          %select_n3A_498 = arith.select %eq3A_488, %gather3A_495, %broadcast_in_dim3A_497 : vector<16xi1>, vector<16xi32>
          %reduce_sum3A_499 = arith.constant true
          %reduce_sum3A_500 = vector.broadcast %reduce_sum3A_499 : i1 to vector<16xi1>
          %reduce_sum3A_501 = tpu.scan <sum>, %select_n3A_498 masked %reduce_sum3A_500 : vector<16xi32>, vector<16xi1> -> vector<16xi32>
          %reduce_sum3A_502 = vector.extract %reduce_sum3A_501[15] : i32 from vector<16xi32>
          %jit3A_503 = arith.constant 16 : i32
          %div3A_504 = arith.divsi %reduce_sum3A_485, %jit3A_503 : i32
          %sign3A_505 = arith.constant 0 : i32
          %sign3A_506 = arith.cmpi sgt, %reduce_sum3A_485, %sign3A_505 : i32
          %sign3A_507 = arith.extui %sign3A_506 : i1 to i32
          %sign3A_508 = arith.constant 0 : i32
          %sign3A_509 = arith.cmpi slt, %reduce_sum3A_485, %sign3A_508 : i32
          %sign3A_510 = arith.extui %sign3A_509 : i1 to i32
          %sign3A_511 = arith.subi %sign3A_507, %sign3A_510 : i32
          %sign3A_512 = arith.constant 0 : i32
          %sign3A_513 = arith.cmpi sgt, %jit3A_503, %sign3A_512 : i32
          %sign3A_514 = arith.extui %sign3A_513 : i1 to i32
          %sign3A_515 = arith.constant 0 : i32
          %sign3A_516 = arith.cmpi slt, %jit3A_503, %sign3A_515 : i32
          %sign3A_517 = arith.extui %sign3A_516 : i1 to i32
          %sign3A_518 = arith.subi %sign3A_514, %sign3A_517 : i32
          %ne3A_519 = arith.cmpi ne, %sign3A_511, %sign3A_518 : i32
          %rem3A_520 = arith.remsi %reduce_sum3A_485, %jit3A_503 : i32
          %ne3A_521 = arith.constant 0 : i32
          %ne3A_522 = arith.cmpi ne, %rem3A_520, %ne3A_521 : i32
          %and3A_523 = arith.andi %ne3A_519, %ne3A_522 : i1
          %sub3A_524 = arith.constant 1 : i32
          %sub3A_525 = arith.subi %div3A_504, %sub3A_524 : i32
          %select_n3A_526 = arith.select %and3A_523, %sub3A_525, %div3A_504 : i32
          %add3A_527 = arith.constant 16 : i32
          %add3A_528 = arith.addi %reduce_sum3A_502, %add3A_527 : i32
          %sub3A_529 = arith.constant 1 : i32
          %sub3A_530 = arith.subi %add3A_528, %sub3A_529 : i32
          %jit3A_531 = arith.constant 16 : i32
          %div3A_532 = arith.divsi %sub3A_530, %jit3A_531 : i32
          %sign3A_533 = arith.constant 0 : i32
          %sign3A_534 = arith.cmpi sgt, %sub3A_530, %sign3A_533 : i32
          %sign3A_535 = arith.extui %sign3A_534 : i1 to i32
          %sign3A_536 = arith.constant 0 : i32
          %sign3A_537 = arith.cmpi slt, %sub3A_530, %sign3A_536 : i32
          %sign3A_538 = arith.extui %sign3A_537 : i1 to i32
          %sign3A_539 = arith.subi %sign3A_535, %sign3A_538 : i32
          %sign3A_540 = arith.constant 0 : i32
          %sign3A_541 = arith.cmpi sgt, %jit3A_531, %sign3A_540 : i32
          %sign3A_542 = arith.extui %sign3A_541 : i1 to i32
          %sign3A_543 = arith.constant 0 : i32
          %sign3A_544 = arith.cmpi slt, %jit3A_531, %sign3A_543 : i32
          %sign3A_545 = arith.extui %sign3A_544 : i1 to i32
          %sign3A_546 = arith.subi %sign3A_542, %sign3A_545 : i32
          %ne3A_547 = arith.cmpi ne, %sign3A_539, %sign3A_546 : i32
          %rem3A_548 = arith.remsi %sub3A_530, %jit3A_531 : i32
          %ne3A_549 = arith.constant 0 : i32
          %ne3A_550 = arith.cmpi ne, %rem3A_548, %ne3A_549 : i32
          %and3A_551 = arith.andi %ne3A_547, %ne3A_550 : i1
          %sub3A_552 = arith.constant 1 : i32
          %sub3A_553 = arith.subi %div3A_532, %sub3A_552 : i32
          %select_n3A_554 = arith.select %and3A_551, %sub3A_553, %div3A_532 : i32
          %while3A_555 = arith.subi %select_n3A_554, %select_n3A_526 : i32
          %while3A_556 = arith.addi %select_n3A_526, %while3A_555 : i32
          %while3A_557 = arith.constant 1 : i32
          %while3A_558 = arith.divsi %while3A_555, %while3A_557 : i32
          %while3A_559 = arith.muli %while3A_558, %while3A_557 : i32
          %while3A_560 = arith.addi %select_n3A_526, %while3A_559 : i32
          %while3A_561 = arith.constant 1 : i32
          %while3A_562 = scf.for %while3A_565 = %select_n3A_526 to %while3A_560 step %while3A_561 iter_args(%while3A_566 = %while3A_470) -> (vector<16xi32>)  : i32 {
            %mul3A_567 = arith.constant 16 : i32
            %mul3A_568 = arith.muli %while3A_565, %mul3A_567 : i32
            %add3A_569 = vector.broadcast %mul3A_568 : i32 to vector<16xi32>
            %add3A_570 = arith.addi %iota3A, %add3A_569 : vector<16xi32>
            %get3A_571 = arith.index_cast %mul3A_568 : i32 to index
            %get3A_572 = tpu.vector_load %arg22[%get3A_571] {strides = array<i32>} : memref<4096xf32, #tpu.memory_space<vmem>>, vector<16xf32>,
            %sub3A_573 = arith.subf %get3A_572, %gather3A : vector<16xf32>
            %get3A_574 = arith.index_cast %mul3A_568 : i32 to index
            %get3A_575 = tpu.vector_load %arg23[%get3A_574] {strides = array<i32>} : memref<4096xf32, #tpu.memory_space<vmem>>, vector<16xf32>,
            %sub3A_576 = arith.subf %get3A_575, %gather3A_298 : vector<16xf32>
            %get3A_577 = arith.index_cast %mul3A_568 : i32 to index
            %get3A_578 = tpu.vector_load %arg24[%get3A_577] {strides = array<i32>} : memref<4096xf32, #tpu.memory_space<vmem>>, vector<16xf32>,
            %sub3A_579 = arith.subf %get3A_578, %gather3A_299 : vector<16xf32>
            %mul3A_580 = arith.mulf %sub3A_573, %sub3A_573 : vector<16xf32>
            %mul3A_581 = arith.mulf %sub3A_576, %sub3A_576 : vector<16xf32>
            %add3A_582 = arith.addf %mul3A_580, %mul3A_581 : vector<16xf32>
            %mul3A_583 = arith.mulf %sub3A_579, %sub3A_579 : vector<16xf32>
            %add3A_584 = arith.addf %add3A_582, %mul3A_583 : vector<16xf32>
            %lt3A_585 = arith.constant 4.000000e-02 : f32
            %lt3A_586 = vector.broadcast %lt3A_585 : f32 to vector<16xf32>
            %lt3A_587 = arith.cmpf olt, %add3A_584, %lt3A_586 : vector<16xf32>
            %ge3A = vector.broadcast %reduce_sum3A_485 : i32 to vector<16xi32>
            %ge3A_588 = arith.cmpi sge, %add3A_570, %ge3A : vector<16xi32>
            %and3A_589 = arith.andi %lt3A_587, %ge3A_588 : vector<16xi1>
            %lt3A_590 = vector.broadcast %reduce_sum3A_502 : i32 to vector<16xi32>
            %lt3A_591 = arith.cmpi slt, %add3A_570, %lt3A_590 : vector<16xi32>
            %and3A_592 = arith.andi %and3A_589, %lt3A_591 : vector<16xi1>
            %convert_element_type3A_593 = arith.extui %and3A_592 : vector<16xi1> to vector<16xi32>
            %broadcast_in_dim3A_594 = arith.constant true
            %broadcast_in_dim3A_595 = vector.broadcast %broadcast_in_dim3A_594 : i1 to vector<16xi1>
            %masked_cumsum3A = tpu.scan <sum>, %convert_element_type3A_593 masked %broadcast_in_dim3A_595 : vector<16xi32>, vector<16xi1> -> vector<16xi32>
            %add3A_596 = arith.addi %while3A_566, %masked_cumsum3A : vector<16xi32>
            %sub3A_597 = arith.constant 1 : i32
            %sub3A_598 = vector.broadcast %sub3A_597 : i32 to vector<16xi32>
            %sub3A_599 = arith.subi %add3A_596, %sub3A_598 : vector<16xi32>
            tpu.vector_store_idx %arg13[%sub3A_599], %add3A_584 masked %and3A_592 : memref<4112xf32, #tpu.memory_space<vmem>>[vector<16xi32>], vector<16xf32>, vector<16xi1>
            %get3A_600 = arith.index_cast %mul3A_568 : i32 to index
            %get3A_601 = tpu.vector_load %arg25[%get3A_600] {strides = array<i32>} : memref<4096xi32, #tpu.memory_space<vmem>>, vector<16xi32>,
            tpu.vector_store_idx %arg14[%sub3A_599], %get3A_601 masked %and3A_592 : memref<4112xi32, #tpu.memory_space<vmem>>[vector<16xi32>], vector<16xi32>, vector<16xi1>
            %all_reduce_population_count3A = tpu.all_reduce %and3A_592 {dim = 0 : i64, kind = #tpu.reduction_kind<sum>} : vector<16xi1> -> vector<16xi32>
            %add3A_602 = arith.addi %while3A_566, %all_reduce_population_count3A : vector<16xi32>
            scf.yield %add3A_602 : vector<16xi32>
          }
          %while3A_563 = arith.constant 1 : i32
          %while3A_564 = scf.for %while3A_565 = %while3A_560 to %while3A_556 step %while3A_563 iter_args(%while3A_566 = %while3A_562) -> (vector<16xi32>)  : i32 {
            %mul3A_567 = arith.constant 16 : i32
            %mul3A_568 = arith.muli %while3A_565, %mul3A_567 : i32
            %add3A_569 = vector.broadcast %mul3A_568 : i32 to vector<16xi32>
            %add3A_570 = arith.addi %iota3A, %add3A_569 : vector<16xi32>
            %get3A_571 = arith.index_cast %mul3A_568 : i32 to index
            %get3A_572 = tpu.vector_load %arg22[%get3A_571] {strides = array<i32>} : memref<4096xf32, #tpu.memory_space<vmem>>, vector<16xf32>,
            %sub3A_573 = arith.subf %get3A_572, %gather3A : vector<16xf32>
            %get3A_574 = arith.index_cast %mul3A_568 : i32 to index
            %get3A_575 = tpu.vector_load %arg23[%get3A_574] {strides = array<i32>} : memref<4096xf32, #tpu.memory_space<vmem>>, vector<16xf32>,
            %sub3A_576 = arith.subf %get3A_575, %gather3A_298 : vector<16xf32>
            %get3A_577 = arith.index_cast %mul3A_568 : i32 to index
            %get3A_578 = tpu.vector_load %arg24[%get3A_577] {strides = array<i32>} : memref<4096xf32, #tpu.memory_space<vmem>>, vector<16xf32>,
            %sub3A_579 = arith.subf %get3A_578, %gather3A_299 : vector<16xf32>
            %mul3A_580 = arith.mulf %sub3A_573, %sub3A_573 : vector<16xf32>
            %mul3A_581 = arith.mulf %sub3A_576, %sub3A_576 : vector<16xf32>
            %add3A_582 = arith.addf %mul3A_580, %mul3A_581 : vector<16xf32>
            %mul3A_583 = arith.mulf %sub3A_579, %sub3A_579 : vector<16xf32>
            %add3A_584 = arith.addf %add3A_582, %mul3A_583 : vector<16xf32>
            %lt3A_585 = arith.constant 4.000000e-02 : f32
            %lt3A_586 = vector.broadcast %lt3A_585 : f32 to vector<16xf32>
            %lt3A_587 = arith.cmpf olt, %add3A_584, %lt3A_586 : vector<16xf32>
            %ge3A = vector.broadcast %reduce_sum3A_485 : i32 to vector<16xi32>
            %ge3A_588 = arith.cmpi sge, %add3A_570, %ge3A : vector<16xi32>
            %and3A_589 = arith.andi %lt3A_587, %ge3A_588 : vector<16xi1>
            %lt3A_590 = vector.broadcast %reduce_sum3A_502 : i32 to vector<16xi32>
            %lt3A_591 = arith.cmpi slt, %add3A_570, %lt3A_590 : vector<16xi32>
            %and3A_592 = arith.andi %and3A_589, %lt3A_591 : vector<16xi1>
            %convert_element_type3A_593 = arith.extui %and3A_592 : vector<16xi1> to vector<16xi32>
            %broadcast_in_dim3A_594 = arith.constant true
            %broadcast_in_dim3A_595 = vector.broadcast %broadcast_in_dim3A_594 : i1 to vector<16xi1>
            %masked_cumsum3A = tpu.scan <sum>, %convert_element_type3A_593 masked %broadcast_in_dim3A_595 : vector<16xi32>, vector<16xi1> -> vector<16xi32>
            %add3A_596 = arith.addi %while3A_566, %masked_cumsum3A : vector<16xi32>
            %sub3A_597 = arith.constant 1 : i32
            %sub3A_598 = vector.broadcast %sub3A_597 : i32 to vector<16xi32>
            %sub3A_599 = arith.subi %add3A_596, %sub3A_598 : vector<16xi32>
            tpu.vector_store_idx %arg13[%sub3A_599], %add3A_584 masked %and3A_592 : memref<4112xf32, #tpu.memory_space<vmem>>[vector<16xi32>], vector<16xf32>, vector<16xi1>
            %get3A_600 = arith.index_cast %mul3A_568 : i32 to index
            %get3A_601 = tpu.vector_load %arg25[%get3A_600] {strides = array<i32>} : memref<4096xi32, #tpu.memory_space<vmem>>, vector<16xi32>,
            tpu.vector_store_idx %arg14[%sub3A_599], %get3A_601 masked %and3A_592 : memref<4112xi32, #tpu.memory_space<vmem>>[vector<16xi32>], vector<16xi32>, vector<16xi1>
            %all_reduce_population_count3A = tpu.all_reduce %and3A_592 {dim = 0 : i64, kind = #tpu.reduction_kind<sum>} : vector<16xi1> -> vector<16xi32>
            %add3A_602 = arith.addi %while3A_566, %all_reduce_population_count3A : vector<16xi32>
            scf.yield %add3A_602 : vector<16xi32>
          }
          scf.yield %while3A_564 : vector<16xi32>
        }
        %while3A_386 = arith.constant 1 : i32
        %while3A_387 = scf.for %while3A_469 = %while3A_383 to %while3A_379 step %while3A_386 iter_args(%while3A_470 = %while3A_385) -> (vector<16xi32>)  : i32 {
          %eq3A_471 = arith.constant 0 : i32
          %eq3A_472 = vector.broadcast %eq3A_471 : i32 to vector<16xi32>
          %eq3A_473 = arith.cmpi eq, %iota3A, %eq3A_472 : vector<16xi32>
          %mul3A_474 = arith.constant 8 : i32
          %mul3A_475 = arith.muli %while3A_469, %mul3A_474 : i32
          %add3A_476 = arith.addi %mul3A_475, %reduce_sum3A_366 : i32
          %broadcast_in_dim3A_477 = vector.broadcast %add3A_476 : i32 to vector<16xi32>
          %gather3A_478 = tpu.vector_load_idx %arg26[%broadcast_in_dim3A_477] : memref<80xi32, #tpu.memory_space<vmem>>[vector<16xi32>], vector<16xi32>,
          %jit3A_479 = arith.constant 0 : i32
          %broadcast_in_dim3A_480 = vector.broadcast %jit3A_479 : i32 to vector<16xi32>
          %select_n3A_481 = arith.select %eq3A_473, %gather3A_478, %broadcast_in_dim3A_480 : vector<16xi1>, vector<16xi32>
          %reduce_sum3A_482 = arith.constant true
          %reduce_sum3A_483 = vector.broadcast %reduce_sum3A_482 : i1 to vector<16xi1>
          %reduce_sum3A_484 = tpu.scan <sum>, %select_n3A_481 masked %reduce_sum3A_483 : vector<16xi32>, vector<16xi1> -> vector<16xi32>
          %reduce_sum3A_485 = vector.extract %reduce_sum3A_484[15] : i32 from vector<16xi32>
          %eq3A_486 = arith.constant 0 : i32
          %eq3A_487 = vector.broadcast %eq3A_486 : i32 to vector<16xi32>
          %eq3A_488 = arith.cmpi eq, %iota3A, %eq3A_487 : vector<16xi32>
          %mul3A_489 = arith.constant 8 : i32
          %mul3A_490 = arith.muli %while3A_469, %mul3A_489 : i32
          %add3A_491 = arith.addi %mul3A_490, %reduce_sum3A_376 : i32
          %add3A_492 = arith.constant 1 : i32
          %add3A_493 = arith.addi %add3A_491, %add3A_492 : i32
          %broadcast_in_dim3A_494 = vector.broadcast %add3A_493 : i32 to vector<16xi32>
          %gather3A_495 = tpu.vector_load_idx %arg26[%broadcast_in_dim3A_494] : memref<80xi32, #tpu.memory_space<vmem>>[vector<16xi32>], vector<16xi32>,
          %jit3A_496 = arith.constant 0 : i32
          %broadcast_in_dim3A_497 = vector.broadcast %jit3A_496 : i32 to vector<16xi32>
          %select_n3A_498 = arith.select %eq3A_488, %gather3A_495, %broadcast_in_dim3A_497 : vector<16xi1>, vector<16xi32>
          %reduce_sum3A_499 = arith.constant true
          %reduce_sum3A_500 = vector.broadcast %reduce_sum3A_499 : i1 to vector<16xi1>
          %reduce_sum3A_501 = tpu.scan <sum>, %select_n3A_498 masked %reduce_sum3A_500 : vector<16xi32>, vector<16xi1> -> vector<16xi32>
          %reduce_sum3A_502 = vector.extract %reduce_sum3A_501[15] : i32 from vector<16xi32>
          %jit3A_503 = arith.constant 16 : i32
          %div3A_504 = arith.divsi %reduce_sum3A_485, %jit3A_503 : i32
          %sign3A_505 = arith.constant 0 : i32
          %sign3A_506 = arith.cmpi sgt, %reduce_sum3A_485, %sign3A_505 : i32
          %sign3A_507 = arith.extui %sign3A_506 : i1 to i32
          %sign3A_508 = arith.constant 0 : i32
          %sign3A_509 = arith.cmpi slt, %reduce_sum3A_485, %sign3A_508 : i32
          %sign3A_510 = arith.extui %sign3A_509 : i1 to i32
          %sign3A_511 = arith.subi %sign3A_507, %sign3A_510 : i32
          %sign3A_512 = arith.constant 0 : i32
          %sign3A_513 = arith.cmpi sgt, %jit3A_503, %sign3A_512 : i32
          %sign3A_514 = arith.extui %sign3A_513 : i1 to i32
          %sign3A_515 = arith.constant 0 : i32
          %sign3A_516 = arith.cmpi slt, %jit3A_503, %sign3A_515 : i32
          %sign3A_517 = arith.extui %sign3A_516 : i1 to i32
          %sign3A_518 = arith.subi %sign3A_514, %sign3A_517 : i32
          %ne3A_519 = arith.cmpi ne, %sign3A_511, %sign3A_518 : i32
          %rem3A_520 = arith.remsi %reduce_sum3A_485, %jit3A_503 : i32
          %ne3A_521 = arith.constant 0 : i32
          %ne3A_522 = arith.cmpi ne, %rem3A_520, %ne3A_521 : i32
          %and3A_523 = arith.andi %ne3A_519, %ne3A_522 : i1
          %sub3A_524 = arith.constant 1 : i32
          %sub3A_525 = arith.subi %div3A_504, %sub3A_524 : i32
          %select_n3A_526 = arith.select %and3A_523, %sub3A_525, %div3A_504 : i32
          %add3A_527 = arith.constant 16 : i32
          %add3A_528 = arith.addi %reduce_sum3A_502, %add3A_527 : i32
          %sub3A_529 = arith.constant 1 : i32
          %sub3A_530 = arith.subi %add3A_528, %sub3A_529 : i32
          %jit3A_531 = arith.constant 16 : i32
          %div3A_532 = arith.divsi %sub3A_530, %jit3A_531 : i32
          %sign3A_533 = arith.constant 0 : i32
          %sign3A_534 = arith.cmpi sgt, %sub3A_530, %sign3A_533 : i32
          %sign3A_535 = arith.extui %sign3A_534 : i1 to i32
          %sign3A_536 = arith.constant 0 : i32
          %sign3A_537 = arith.cmpi slt, %sub3A_530, %sign3A_536 : i32
          %sign3A_538 = arith.extui %sign3A_537 : i1 to i32
          %sign3A_539 = arith.subi %sign3A_535, %sign3A_538 : i32
          %sign3A_540 = arith.constant 0 : i32
          %sign3A_541 = arith.cmpi sgt, %jit3A_531, %sign3A_540 : i32
          %sign3A_542 = arith.extui %sign3A_541 : i1 to i32
          %sign3A_543 = arith.constant 0 : i32
          %sign3A_544 = arith.cmpi slt, %jit3A_531, %sign3A_543 : i32
          %sign3A_545 = arith.extui %sign3A_544 : i1 to i32
          %sign3A_546 = arith.subi %sign3A_542, %sign3A_545 : i32
          %ne3A_547 = arith.cmpi ne, %sign3A_539, %sign3A_546 : i32
          %rem3A_548 = arith.remsi %sub3A_530, %jit3A_531 : i32
          %ne3A_549 = arith.constant 0 : i32
          %ne3A_550 = arith.cmpi ne, %rem3A_548, %ne3A_549 : i32
          %and3A_551 = arith.andi %ne3A_547, %ne3A_550 : i1
          %sub3A_552 = arith.constant 1 : i32
          %sub3A_553 = arith.subi %div3A_532, %sub3A_552 : i32
          %select_n3A_554 = arith.select %and3A_551, %sub3A_553, %div3A_532 : i32
          %while3A_555 = arith.subi %select_n3A_554, %select_n3A_526 : i32
          %while3A_556 = arith.addi %select_n3A_526, %while3A_555 : i32
          %while3A_557 = arith.constant 1 : i32
          %while3A_558 = arith.divsi %while3A_555, %while3A_557 : i32
          %while3A_559 = arith.muli %while3A_558, %while3A_557 : i32
          %while3A_560 = arith.addi %select_n3A_526, %while3A_559 : i32
          %while3A_561 = arith.constant 1 : i32
          %while3A_562 = scf.for %while3A_565 = %select_n3A_526 to %while3A_560 step %while3A_561 iter_args(%while3A_566 = %while3A_470) -> (vector<16xi32>)  : i32 {
            %mul3A_567 = arith.constant 16 : i32
            %mul3A_568 = arith.muli %while3A_565, %mul3A_567 : i32
            %add3A_569 = vector.broadcast %mul3A_568 : i32 to vector<16xi32>
            %add3A_570 = arith.addi %iota3A, %add3A_569 : vector<16xi32>
            %get3A_571 = arith.index_cast %mul3A_568 : i32 to index
            %get3A_572 = tpu.vector_load %arg22[%get3A_571] {strides = array<i32>} : memref<4096xf32, #tpu.memory_space<vmem>>, vector<16xf32>,
            %sub3A_573 = arith.subf %get3A_572, %gather3A : vector<16xf32>
            %get3A_574 = arith.index_cast %mul3A_568 : i32 to index
            %get3A_575 = tpu.vector_load %arg23[%get3A_574] {strides = array<i32>} : memref<4096xf32, #tpu.memory_space<vmem>>, vector<16xf32>,
            %sub3A_576 = arith.subf %get3A_575, %gather3A_298 : vector<16xf32>
            %get3A_577 = arith.index_cast %mul3A_568 : i32 to index
            %get3A_578 = tpu.vector_load %arg24[%get3A_577] {strides = array<i32>} : memref<4096xf32, #tpu.memory_space<vmem>>, vector<16xf32>,
            %sub3A_579 = arith.subf %get3A_578, %gather3A_299 : vector<16xf32>
            %mul3A_580 = arith.mulf %sub3A_573, %sub3A_573 : vector<16xf32>
            %mul3A_581 = arith.mulf %sub3A_576, %sub3A_576 : vector<16xf32>
            %add3A_582 = arith.addf %mul3A_580, %mul3A_581 : vector<16xf32>
            %mul3A_583 = arith.mulf %sub3A_579, %sub3A_579 : vector<16xf32>
            %add3A_584 = arith.addf %add3A_582, %mul3A_583 : vector<16xf32>
            %lt3A_585 = arith.constant 4.000000e-02 : f32
            %lt3A_586 = vector.broadcast %lt3A_585 : f32 to vector<16xf32>
            %lt3A_587 = arith.cmpf olt, %add3A_584, %lt3A_586 : vector<16xf32>
            %ge3A = vector.broadcast %reduce_sum3A_485 : i32 to vector<16xi32>
            %ge3A_588 = arith.cmpi sge, %add3A_570, %ge3A : vector<16xi32>
            %and3A_589 = arith.andi %lt3A_587, %ge3A_588 : vector<16xi1>
            %lt3A_590 = vector.broadcast %reduce_sum3A_502 : i32 to vector<16xi32>
            %lt3A_591 = arith.cmpi slt, %add3A_570, %lt3A_590 : vector<16xi32>
            %and3A_592 = arith.andi %and3A_589, %lt3A_591 : vector<16xi1>
            %convert_element_type3A_593 = arith.extui %and3A_592 : vector<16xi1> to vector<16xi32>
            %broadcast_in_dim3A_594 = arith.constant true
            %broadcast_in_dim3A_595 = vector.broadcast %broadcast_in_dim3A_594 : i1 to vector<16xi1>
            %masked_cumsum3A = tpu.scan <sum>, %convert_element_type3A_593 masked %broadcast_in_dim3A_595 : vector<16xi32>, vector<16xi1> -> vector<16xi32>
            %add3A_596 = arith.addi %while3A_566, %masked_cumsum3A : vector<16xi32>
            %sub3A_597 = arith.constant 1 : i32
            %sub3A_598 = vector.broadcast %sub3A_597 : i32 to vector<16xi32>
            %sub3A_599 = arith.subi %add3A_596, %sub3A_598 : vector<16xi32>
            tpu.vector_store_idx %arg13[%sub3A_599], %add3A_584 masked %and3A_592 : memref<4112xf32, #tpu.memory_space<vmem>>[vector<16xi32>], vector<16xf32>, vector<16xi1>
            %get3A_600 = arith.index_cast %mul3A_568 : i32 to index
            %get3A_601 = tpu.vector_load %arg25[%get3A_600] {strides = array<i32>} : memref<4096xi32, #tpu.memory_space<vmem>>, vector<16xi32>,
            tpu.vector_store_idx %arg14[%sub3A_599], %get3A_601 masked %and3A_592 : memref<4112xi32, #tpu.memory_space<vmem>>[vector<16xi32>], vector<16xi32>, vector<16xi1>
            %all_reduce_population_count3A = tpu.all_reduce %and3A_592 {dim = 0 : i64, kind = #tpu.reduction_kind<sum>} : vector<16xi1> -> vector<16xi32>
            %add3A_602 = arith.addi %while3A_566, %all_reduce_population_count3A : vector<16xi32>
            scf.yield %add3A_602 : vector<16xi32>
          }
          %while3A_563 = arith.constant 1 : i32
          %while3A_564 = scf.for %while3A_565 = %while3A_560 to %while3A_556 step %while3A_563 iter_args(%while3A_566 = %while3A_562) -> (vector<16xi32>)  : i32 {
            %mul3A_567 = arith.constant 16 : i32
            %mul3A_568 = arith.muli %while3A_565, %mul3A_567 : i32
            %add3A_569 = vector.broadcast %mul3A_568 : i32 to vector<16xi32>
            %add3A_570 = arith.addi %iota3A, %add3A_569 : vector<16xi32>
            %get3A_571 = arith.index_cast %mul3A_568 : i32 to index
            %get3A_572 = tpu.vector_load %arg22[%get3A_571] {strides = array<i32>} : memref<4096xf32, #tpu.memory_space<vmem>>, vector<16xf32>,
            %sub3A_573 = arith.subf %get3A_572, %gather3A : vector<16xf32>
            %get3A_574 = arith.index_cast %mul3A_568 : i32 to index
            %get3A_575 = tpu.vector_load %arg23[%get3A_574] {strides = array<i32>} : memref<4096xf32, #tpu.memory_space<vmem>>, vector<16xf32>,
            %sub3A_576 = arith.subf %get3A_575, %gather3A_298 : vector<16xf32>
            %get3A_577 = arith.index_cast %mul3A_568 : i32 to index
            %get3A_578 = tpu.vector_load %arg24[%get3A_577] {strides = array<i32>} : memref<4096xf32, #tpu.memory_space<vmem>>, vector<16xf32>,
            %sub3A_579 = arith.subf %get3A_578, %gather3A_299 : vector<16xf32>
            %mul3A_580 = arith.mulf %sub3A_573, %sub3A_573 : vector<16xf32>
            %mul3A_581 = arith.mulf %sub3A_576, %sub3A_576 : vector<16xf32>
            %add3A_582 = arith.addf %mul3A_580, %mul3A_581 : vector<16xf32>
            %mul3A_583 = arith.mulf %sub3A_579, %sub3A_579 : vector<16xf32>
            %add3A_584 = arith.addf %add3A_582, %mul3A_583 : vector<16xf32>
            %lt3A_585 = arith.constant 4.000000e-02 : f32
            %lt3A_586 = vector.broadcast %lt3A_585 : f32 to vector<16xf32>
            %lt3A_587 = arith.cmpf olt, %add3A_584, %lt3A_586 : vector<16xf32>
            %ge3A = vector.broadcast %reduce_sum3A_485 : i32 to vector<16xi32>
            %ge3A_588 = arith.cmpi sge, %add3A_570, %ge3A : vector<16xi32>
            %and3A_589 = arith.andi %lt3A_587, %ge3A_588 : vector<16xi1>
            %lt3A_590 = vector.broadcast %reduce_sum3A_502 : i32 to vector<16xi32>
            %lt3A_591 = arith.cmpi slt, %add3A_570, %lt3A_590 : vector<16xi32>
            %and3A_592 = arith.andi %and3A_589, %lt3A_591 : vector<16xi1>
            %convert_element_type3A_593 = arith.extui %and3A_592 : vector<16xi1> to vector<16xi32>
            %broadcast_in_dim3A_594 = arith.constant true
            %broadcast_in_dim3A_595 = vector.broadcast %broadcast_in_dim3A_594 : i1 to vector<16xi1>
            %masked_cumsum3A = tpu.scan <sum>, %convert_element_type3A_593 masked %broadcast_in_dim3A_595 : vector<16xi32>, vector<16xi1> -> vector<16xi32>
            %add3A_596 = arith.addi %while3A_566, %masked_cumsum3A : vector<16xi32>
            %sub3A_597 = arith.constant 1 : i32
            %sub3A_598 = vector.broadcast %sub3A_597 : i32 to vector<16xi32>
            %sub3A_599 = arith.subi %add3A_596, %sub3A_598 : vector<16xi32>
            tpu.vector_store_idx %arg13[%sub3A_599], %add3A_584 masked %and3A_592 : memref<4112xf32, #tpu.memory_space<vmem>>[vector<16xi32>], vector<16xf32>, vector<16xi1>
            %get3A_600 = arith.index_cast %mul3A_568 : i32 to index
            %get3A_601 = tpu.vector_load %arg25[%get3A_600] {strides = array<i32>} : memref<4096xi32, #tpu.memory_space<vmem>>, vector<16xi32>,
            tpu.vector_store_idx %arg14[%sub3A_599], %get3A_601 masked %and3A_592 : memref<4112xi32, #tpu.memory_space<vmem>>[vector<16xi32>], vector<16xi32>, vector<16xi1>
            %all_reduce_population_count3A = tpu.all_reduce %and3A_592 {dim = 0 : i64, kind = #tpu.reduction_kind<sum>} : vector<16xi1> -> vector<16xi32>
            %add3A_602 = arith.addi %while3A_566, %all_reduce_population_count3A : vector<16xi32>
            scf.yield %add3A_602 : vector<16xi32>
          }
          scf.yield %while3A_564 : vector<16xi32>
        }
        %eq3A_388 = arith.constant 0 : i32
        %eq3A_389 = vector.broadcast %eq3A_388 : i32 to vector<16xi32>
        %eq3A_390 = arith.cmpi eq, %iota3A, %eq3A_389 : vector<16xi32>
        %jit3A_391 = arith.constant 0 : i32
        %broadcast_in_dim3A_392 = vector.broadcast %jit3A_391 : i32 to vector<16xi32>
        %select_n3A_393 = arith.select %eq3A_390, %while3A_387, %broadcast_in_dim3A_392 : vector<16xi1>, vector<16xi32>
        %reduce_sum3A_394 = arith.constant true
        %reduce_sum3A_395 = vector.broadcast %reduce_sum3A_394 : i1 to vector<16xi1>
        %reduce_sum3A_396 = tpu.scan <sum>, %select_n3A_393 masked %reduce_sum3A_395 : vector<16xi32>, vector<16xi1> -> vector<16xi32>
        %reduce_sum3A_397 = vector.extract %reduce_sum3A_396[15] : i32 from vector<16xi32>
        %eq3A_398 = arith.constant 0 : i32
        %eq3A_399 = arith.cmpi eq, %reduce_sum3A_397, %eq3A_398 : i32
        %convert_element_type3A_400 = arith.extui %eq3A_399 : i1 to i32
        %cond3A_401 = arith.constant 0 : i32
        %cond3A_402 = arith.constant 0 : i32
        %cond3A_403 = arith.cmpi ne, %convert_element_type3A_400, %cond3A_402 : i32
        %cond3A_404 = scf.if %cond3A_403 -> (i32) {
          %scan3A_469 = arith.constant 0 : i32
          %scan3A_470 = arith.constant 256 : i32
          %scan3A_471 = arith.addi %scan3A_469, %scan3A_470 : i32
          %scan3A_472 = arith.constant 1 : i32
          %scan3A_473:2 = scf.for %scan3A_503 = %scan3A_469 to %scan3A_471 step %scan3A_472 iter_args(%scan3A_504 = %broadcast_in_dim3A_72, %scan3A_505 = %broadcast_in_dim3A_74) -> (vector<16xf32>, vector<16xi32>)  : i32 {
            %mul3A_506 = arith.constant 16 : i32
            %mul3A_507 = arith.muli %scan3A_503, %mul3A_506 : i32
            %get3A_508 = arith.index_cast %mul3A_507 : i32 to index
            %get3A_509 = tpu.vector_load %arg7[%get3A_508] {strides = array<i32>} : memref<4096xf32, #tpu.memory_space<vmem>>, vector<16xf32>,
            %sub3A_510 = arith.subf %get3A_509, %gather3A : vector<16xf32>
            %get3A_511 = arith.index_cast %mul3A_507 : i32 to index
            %get3A_512 = tpu.vector_load %arg8[%get3A_511] {strides = array<i32>} : memref<4096xf32, #tpu.memory_space<vmem>>, vector<16xf32>,
            %sub3A_513 = arith.subf %get3A_512, %gather3A_298 : vector<16xf32>
            %get3A_514 = arith.index_cast %mul3A_507 : i32 to index
            %get3A_515 = tpu.vector_load %arg9[%get3A_514] {strides = array<i32>} : memref<4096xf32, #tpu.memory_space<vmem>>, vector<16xf32>,
            %sub3A_516 = arith.subf %get3A_515, %gather3A_299 : vector<16xf32>
            %mul3A_517 = arith.mulf %sub3A_510, %sub3A_510 : vector<16xf32>
            %mul3A_518 = arith.mulf %sub3A_513, %sub3A_513 : vector<16xf32>
            %add3A_519 = arith.addf %mul3A_517, %mul3A_518 : vector<16xf32>
            %mul3A_520 = arith.mulf %sub3A_516, %sub3A_516 : vector<16xf32>
            %add3A_521 = arith.addf %add3A_519, %mul3A_520 : vector<16xf32>
            %lt3A_522 = arith.cmpf olt, %add3A_521, %scan3A_504 : vector<16xf32>
            %select_n3A_523 = arith.select %lt3A_522, %add3A_521, %scan3A_504 : vector<16xi1>, vector<16xf32>
            %add3A_524 = vector.broadcast %mul3A_507 : i32 to vector<16xi32>
            %add3A_525 = arith.addi %iota3A, %add3A_524 : vector<16xi32>
            %select_n3A_526 = arith.select %lt3A_522, %add3A_525, %scan3A_505 : vector<16xi1>, vector<16xi32>
            scf.yield %select_n3A_523, %select_n3A_526 : vector<16xf32>, vector<16xi32>
          }
          %scan3A_474 = arith.constant 256 : i32
          %reduce_min3A = arith.constant true
          %reduce_min3A_475 = vector.broadcast %reduce_min3A : i1 to vector<16xi1>
          %reduce_min3A_476 = tpu.scan <min>, %scan3A_473#0 masked %reduce_min3A_475 : vector<16xf32>, vector<16xi1> -> vector<16xf32>
          %reduce_min3A_477 = vector.extract %reduce_min3A_476[15] : f32 from vector<16xf32>
          %eq3A_478 = vector.broadcast %reduce_min3A_477 : f32 to vector<16xf32>
          %eq3A_479 = arith.cmpf oeq, %scan3A_473#0, %eq3A_478 : vector<16xf32>
          %jit3A_480 = arith.constant 1073741824 : i32
          %broadcast_in_dim3A_481 = vector.broadcast %jit3A_480 : i32 to vector<16xi32>
          %select_n3A_482 = arith.select %eq3A_479, %scan3A_473#1, %broadcast_in_dim3A_481 : vector<16xi1>, vector<16xi32>
          %reduce_min3A_483 = arith.constant true
          %reduce_min3A_484 = vector.broadcast %reduce_min3A_483 : i1 to vector<16xi1>
          %reduce_min3A_485 = arith.constant -2147483648 : i32
          %reduce_min3A_486 = vector.broadcast %reduce_min3A_485 : i32 to vector<16xi32>
          %reduce_min3A_487 = arith.xori %select_n3A_482, %reduce_min3A_486 : vector<16xi32>
          %reduce_min3A_488 = tpu.scan <min>, %reduce_min3A_487 masked %reduce_min3A_484 : vector<16xi32>, vector<16xi1> -> vector<16xi32>
          %reduce_min3A_489 = arith.xori %reduce_min3A_488, %reduce_min3A_486 : vector<16xi32>
          %reduce_min3A_490 = vector.extract %reduce_min3A_489[15] : i32 from vector<16xi32>
          %eq3A_491 = arith.constant 0 : i32
          %eq3A_492 = vector.broadcast %eq3A_491 : i32 to vector<16xi32>
          %eq3A_493 = arith.cmpi eq, %iota3A, %eq3A_492 : vector<16xi32>
          %jit3A_494 = arith.constant 0.000000e+00 : f32
          %broadcast_in_dim3A_495 = vector.broadcast %jit3A_494 : f32 to vector<16xf32>
          %select_n3A_496 = arith.select %eq3A_493, %broadcast_in_dim3A_495, %broadcast_in_dim3A_72 : vector<16xi1>, vector<16xf32>
          %swap3A_497 = arith.constant 0 : index
          %swap3A_498 = tpu.vector_load %arg13[%swap3A_497] {strides = array<i32>} : memref<4112xf32, #tpu.memory_space<vmem>>, vector<16xf32>,
          tpu.vector_store %arg13[%swap3A_497], %select_n3A_496 {strides = array<i32>} : memref<4112xf32, #tpu.memory_space<vmem>>, vector<16xf32>,
          %broadcast_in_dim3A_499 = vector.broadcast %reduce_min3A_490 : i32 to vector<16xi32>
          %swap3A_500 = arith.constant 0 : index
          %swap3A_501 = tpu.vector_load %arg14[%swap3A_500] {strides = array<i32>} : memref<4112xi32, #tpu.memory_space<vmem>>, vector<16xi32>,
          tpu.vector_store %arg14[%swap3A_500], %broadcast_in_dim3A_499 {strides = array<i32>} : memref<4112xi32, #tpu.memory_space<vmem>>, vector<16xi32>,
          %cond3A_502 = arith.constant 1 : i32
          scf.yield %cond3A_502 : i32
        } else {
          %swap3A_469 = arith.index_cast %reduce_sum3A_397 : i32 to index
          %swap3A_470 = tpu.vector_load %arg13[%swap3A_469] {strides = array<i32>} : memref<4112xf32, #tpu.memory_space<vmem>>, vector<16xf32>,
          tpu.vector_store %arg13[%swap3A_469], %broadcast_in_dim3A_72 {strides = array<i32>} : memref<4112xf32, #tpu.memory_space<vmem>>, vector<16xf32>,
          scf.yield %reduce_sum3A_397 : i32
        }
        %add3A_405 = arith.constant 16 : i32
        %add3A_406 = arith.addi %cond3A_404, %add3A_405 : i32
        %sub3A_407 = arith.constant 1 : i32
        %sub3A_408 = arith.subi %add3A_406, %sub3A_407 : i32
        %jit3A_409 = arith.constant 16 : i32
        %div3A_410 = arith.divsi %sub3A_408, %jit3A_409 : i32
        %sign3A_411 = arith.constant 0 : i32
        %sign3A_412 = arith.cmpi sgt, %sub3A_408, %sign3A_411 : i32
        %sign3A_413 = arith.extui %sign3A_412 : i1 to i32
        %sign3A_414 = arith.constant 0 : i32
        %sign3A_415 = arith.cmpi slt, %sub3A_408, %sign3A_414 : i32
        %sign3A_416 = arith.extui %sign3A_415 : i1 to i32
        %sign3A_417 = arith.subi %sign3A_413, %sign3A_416 : i32
        %sign3A_418 = arith.constant 0 : i32
        %sign3A_419 = arith.cmpi sgt, %jit3A_409, %sign3A_418 : i32
        %sign3A_420 = arith.extui %sign3A_419 : i1 to i32
        %sign3A_421 = arith.constant 0 : i32
        %sign3A_422 = arith.cmpi slt, %jit3A_409, %sign3A_421 : i32
        %sign3A_423 = arith.extui %sign3A_422 : i1 to i32
        %sign3A_424 = arith.subi %sign3A_420, %sign3A_423 : i32
        %ne3A_425 = arith.cmpi ne, %sign3A_417, %sign3A_424 : i32
        %rem3A_426 = arith.remsi %sub3A_408, %jit3A_409 : i32
        %ne3A_427 = arith.constant 0 : i32
        %ne3A_428 = arith.cmpi ne, %rem3A_426, %ne3A_427 : i32
        %and3A_429 = arith.andi %ne3A_425, %ne3A_428 : i1
        %sub3A_430 = arith.constant 1 : i32
        %sub3A_431 = arith.subi %div3A_410, %sub3A_430 : i32
        %select_n3A_432 = arith.select %and3A_429, %sub3A_431, %div3A_410 : i32
        %while3A_433 = arith.constant 0 : i32
        %while3A_434 = arith.subi %select_n3A_432, %while3A_433 : i32
        %while3A_435 = arith.addi %while3A_433, %while3A_434 : i32
        %while3A_436 = arith.constant 1 : i32
        %while3A_437 = arith.divsi %while3A_434, %while3A_436 : i32
        %while3A_438 = arith.muli %while3A_437, %while3A_436 : i32
        %while3A_439 = arith.addi %while3A_433, %while3A_438 : i32
        %while3A_440 = arith.constant 1 : i32
        %while3A_441:4 = scf.for %while3A_469 = %while3A_433 to %while3A_439 step %while3A_440 iter_args(%while3A_470 = %broadcast_in_dim3A_72, %while3A_471 = %broadcast_in_dim3A_74, %while3A_472 = %broadcast_in_dim3A_72, %while3A_473 = %broadcast_in_dim3A_74) -> (vector<16xf32>, vector<16xi32>, vector<16xf32>, vector<16xi32>)  : i32 {
          %mul3A_474 = arith.constant 16 : i32
          %mul3A_475 = arith.muli %while3A_469, %mul3A_474 : i32
          %get3A_476 = arith.index_cast %mul3A_475 : i32 to index
          %get3A_477 = tpu.vector_load %arg13[%get3A_476] {strides = array<i32>} : memref<4112xf32, #tpu.memory_space<vmem>>, vector<16xf32>,
          %mul3A_478 = arith.constant 16 : i32
          %mul3A_479 = arith.muli %while3A_469, %mul3A_478 : i32
          %get3A_480 = arith.index_cast %mul3A_479 : i32 to index
          %get3A_481 = tpu.vector_load %arg14[%get3A_480] {strides = array<i32>} : memref<4112xi32, #tpu.memory_space<vmem>>, vector<16xi32>,
          %masked_sort3A = arith.constant dense<true> : vector<16xi1>
          %masked_sort3A_482, %masked_sort3A_483, %masked_sort3A_484 = tpu.sort %get3A_477, %get3A_481 masked %masked_sort3A {descending = true} : (vector<16xf32>, vector<16xi32>, vector<16xi1>) -> (vector<16xi1>, vector<16xf32>, vector<16xi32>)
          %le3A = arith.cmpf ole, %while3A_472, %masked_sort3A_483 : vector<16xf32>
          %select_n3A_485 = arith.select %le3A, %while3A_472, %masked_sort3A_483 : vector<16xi1>, vector<16xf32>
          %select_n3A_486 = arith.select %le3A, %while3A_473, %masked_sort3A_484 : vector<16xi1>, vector<16xi32>
          %masked_sort3A_487 = arith.constant dense<true> : vector<16xi1>
          %masked_sort3A_488, %masked_sort3A_489, %masked_sort3A_490 = tpu.sort %select_n3A_485, %select_n3A_486 masked %masked_sort3A_487 {descending = true} : (vector<16xf32>, vector<16xi32>, vector<16xi1>) -> (vector<16xi1>, vector<16xf32>, vector<16xi32>)
          %le3A_491 = arith.cmpf ole, %while3A_470, %masked_sort3A_489 : vector<16xf32>
          %select_n3A_492 = arith.select %le3A_491, %while3A_470, %masked_sort3A_489 : vector<16xi1>, vector<16xf32>
          %select_n3A_493 = arith.select %le3A_491, %while3A_471, %masked_sort3A_490 : vector<16xi1>, vector<16xi32>
          %select_n3A_494 = arith.select %le3A_491, %masked_sort3A_489, %while3A_470 : vector<16xi1>, vector<16xf32>
          %select_n3A_495 = arith.select %le3A_491, %masked_sort3A_490, %while3A_471 : vector<16xi1>, vector<16xi32>
          %masked_sort3A_496 = arith.constant dense<true> : vector<16xi1>
          %masked_sort3A_497, %masked_sort3A_498, %masked_sort3A_499 = tpu.sort %select_n3A_492, %select_n3A_493 masked %masked_sort3A_496 : (vector<16xf32>, vector<16xi32>, vector<16xi1>) -> (vector<16xi1>, vector<16xf32>, vector<16xi32>)
          %masked_sort3A_500 = arith.constant dense<true> : vector<16xi1>
          %masked_sort3A_501, %masked_sort3A_502, %masked_sort3A_503 = tpu.sort %select_n3A_494, %select_n3A_495 masked %masked_sort3A_500 : (vector<16xf32>, vector<16xi32>, vector<16xi1>) -> (vector<16xi1>, vector<16xf32>, vector<16xi32>)
          scf.yield %masked_sort3A_498, %masked_sort3A_499, %masked_sort3A_502, %masked_sort3A_503 : vector<16xf32>, vector<16xi32>, vector<16xf32>, vector<16xi32>
        }
        %while3A_442 = arith.constant 1 : i32
        %while3A_443:4 = scf.for %while3A_469 = %while3A_439 to %while3A_435 step %while3A_442 iter_args(%while3A_470 = %while3A_441#0, %while3A_471 = %while3A_441#1, %while3A_472 = %while3A_441#2, %while3A_473 = %while3A_441#3) -> (vector<16xf32>, vector<16xi32>, vector<16xf32>, vector<16xi32>)  : i32 {
          %mul3A_474 = arith.constant 16 : i32
          %mul3A_475 = arith.muli %while3A_469, %mul3A_474 : i32
          %get3A_476 = arith.index_cast %mul3A_475 : i32 to index
          %get3A_477 = tpu.vector_load %arg13[%get3A_476] {strides = array<i32>} : memref<4112xf32, #tpu.memory_space<vmem>>, vector<16xf32>,
          %mul3A_478 = arith.constant 16 : i32
          %mul3A_479 = arith.muli %while3A_469, %mul3A_478 : i32
          %get3A_480 = arith.index_cast %mul3A_479 : i32 to index
          %get3A_481 = tpu.vector_load %arg14[%get3A_480] {strides = array<i32>} : memref<4112xi32, #tpu.memory_space<vmem>>, vector<16xi32>,
          %masked_sort3A = arith.constant dense<true> : vector<16xi1>
          %masked_sort3A_482, %masked_sort3A_483, %masked_sort3A_484 = tpu.sort %get3A_477, %get3A_481 masked %masked_sort3A {descending = true} : (vector<16xf32>, vector<16xi32>, vector<16xi1>) -> (vector<16xi1>, vector<16xf32>, vector<16xi32>)
          %le3A = arith.cmpf ole, %while3A_472, %masked_sort3A_483 : vector<16xf32>
          %select_n3A_485 = arith.select %le3A, %while3A_472, %masked_sort3A_483 : vector<16xi1>, vector<16xf32>
          %select_n3A_486 = arith.select %le3A, %while3A_473, %masked_sort3A_484 : vector<16xi1>, vector<16xi32>
          %masked_sort3A_487 = arith.constant dense<true> : vector<16xi1>
          %masked_sort3A_488, %masked_sort3A_489, %masked_sort3A_490 = tpu.sort %select_n3A_485, %select_n3A_486 masked %masked_sort3A_487 {descending = true} : (vector<16xf32>, vector<16xi32>, vector<16xi1>) -> (vector<16xi1>, vector<16xf32>, vector<16xi32>)
          %le3A_491 = arith.cmpf ole, %while3A_470, %masked_sort3A_489 : vector<16xf32>
          %select_n3A_492 = arith.select %le3A_491, %while3A_470, %masked_sort3A_489 : vector<16xi1>, vector<16xf32>
          %select_n3A_493 = arith.select %le3A_491, %while3A_471, %masked_sort3A_490 : vector<16xi1>, vector<16xi32>
          %select_n3A_494 = arith.select %le3A_491, %masked_sort3A_489, %while3A_470 : vector<16xi1>, vector<16xf32>
          %select_n3A_495 = arith.select %le3A_491, %masked_sort3A_490, %while3A_471 : vector<16xi1>, vector<16xi32>
          %masked_sort3A_496 = arith.constant dense<true> : vector<16xi1>
          %masked_sort3A_497, %masked_sort3A_498, %masked_sort3A_499 = tpu.sort %select_n3A_492, %select_n3A_493 masked %masked_sort3A_496 : (vector<16xf32>, vector<16xi32>, vector<16xi1>) -> (vector<16xi1>, vector<16xf32>, vector<16xi32>)
          %masked_sort3A_500 = arith.constant dense<true> : vector<16xi1>
          %masked_sort3A_501, %masked_sort3A_502, %masked_sort3A_503 = tpu.sort %select_n3A_494, %select_n3A_495 masked %masked_sort3A_500 : (vector<16xf32>, vector<16xi32>, vector<16xi1>) -> (vector<16xi1>, vector<16xf32>, vector<16xi32>)
          scf.yield %masked_sort3A_498, %masked_sort3A_499, %masked_sort3A_502, %masked_sort3A_503 : vector<16xf32>, vector<16xi32>, vector<16xf32>, vector<16xi32>
        }
        %eq3A_444 = arith.constant 0 : i32
        %eq3A_445 = vector.broadcast %eq3A_444 : i32 to vector<16xi32>
        %eq3A_446 = arith.cmpi eq, %iota3A, %eq3A_445 : vector<16xi32>
        %jit3A_447 = arith.constant 0 : i32
        %broadcast_in_dim3A_448 = vector.broadcast %jit3A_447 : i32 to vector<16xi32>
        %select_n3A_449 = arith.select %eq3A_446, %while3A_443#1, %broadcast_in_dim3A_448 : vector<16xi1>, vector<16xi32>
        %reduce_sum3A_450 = arith.constant true
        %reduce_sum3A_451 = vector.broadcast %reduce_sum3A_450 : i1 to vector<16xi1>
        %reduce_sum3A_452 = tpu.scan <sum>, %select_n3A_449 masked %reduce_sum3A_451 : vector<16xi32>, vector<16xi1> -> vector<16xi32>
        %reduce_sum3A_453 = vector.extract %reduce_sum3A_452[15] : i32 from vector<16xi32>
        %broadcast_in_dim3A_454 = vector.broadcast %reduce_sum3A_453 : i32 to vector<16xi32>
        %eq3A_455 = arith.constant 0x7F800000 : f32
        %eq3A_456 = vector.broadcast %eq3A_455 : f32 to vector<16xf32>
        %eq3A_457 = arith.cmpf oeq, %while3A_443#0, %eq3A_456 : vector<16xf32>
        %select_n3A_458 = arith.select %eq3A_457, %broadcast_in_dim3A_454, %while3A_443#1 : vector<16xi1>, vector<16xi32>
        %swap3A_459 = arith.index_cast %mul3A_296 : i32 to index
        %swap3A_460 = tpu.vector_load %arg15[%swap3A_459] {strides = array<i32>} : memref<128xi32, #tpu.memory_space<vmem>>, vector<16xi32>,
        tpu.vector_store %arg15[%swap3A_459], %select_n3A_458 {strides = array<i32>} : memref<128xi32, #tpu.memory_space<vmem>>, vector<16xi32>,
        %eq3A_461 = arith.constant 0x7F800000 : f32
        %eq3A_462 = vector.broadcast %eq3A_461 : f32 to vector<16xf32>
        %eq3A_463 = arith.cmpf oeq, %while3A_443#2, %eq3A_462 : vector<16xf32>
        %select_n3A_464 = arith.select %eq3A_463, %broadcast_in_dim3A_454, %while3A_443#3 : vector<16xi1>, vector<16xi32>
        %add3A_465 = arith.constant 16 : i32
        %add3A_466 = arith.addi %mul3A_296, %add3A_465 : i32
        %swap3A_467 = arith.index_cast %add3A_466 : i32 to index
        %swap3A_468 = tpu.vector_load %arg15[%swap3A_467] {strides = array<i32>} : memref<128xi32, #tpu.memory_space<vmem>>, vector<16xi32>,
        tpu.vector_store %arg15[%swap3A_467], %select_n3A_464 {strides = array<i32>} : memref<128xi32, #tpu.memory_space<vmem>>, vector<16xi32>,
      }
      %scan3A_155 = arith.constant 4 : i32
      %mul3A_156 = arith.constant 4096 : i32
      %mul3A_157 = arith.muli %select_n3A, %mul3A_156 : i32
      %broadcast_in_dim3A_158 = vector.broadcast %mul3A_157 : i32 to vector<16xi32>
      %get3A = arith.constant 0 : index
      %get3A_159 = tpu.vector_load %arg15[%get3A] {strides = array<i32>} : memref<128xi32, #tpu.memory_space<vmem>>, vector<16xi32>,
      %add3A_160 = arith.addi %get3A_159, %broadcast_in_dim3A_158 : vector<16xi32>
      %swap3A_161 = arith.constant 0 : index
      %swap3A_162 = tpu.vector_load %arg17[%swap3A_161] {strides = array<i32>} : memref<128xi32, #tpu.memory_space<vmem>>, vector<16xi32>,
      tpu.vector_store %arg17[%swap3A_161], %add3A_160 {strides = array<i32>} : memref<128xi32, #tpu.memory_space<vmem>>, vector<16xi32>,
      %get3A_163 = arith.constant 16 : index
      %get3A_164 = tpu.vector_load %arg15[%get3A_163] {strides = array<i32>} : memref<128xi32, #tpu.memory_space<vmem>>, vector<16xi32>,
      %add3A_165 = arith.addi %get3A_164, %broadcast_in_dim3A_158 : vector<16xi32>
      %swap3A_166 = arith.constant 16 : index
      %swap3A_167 = tpu.vector_load %arg17[%swap3A_166] {strides = array<i32>} : memref<128xi32, #tpu.memory_space<vmem>>, vector<16xi32>,
      tpu.vector_store %arg17[%swap3A_166], %add3A_165 {strides = array<i32>} : memref<128xi32, #tpu.memory_space<vmem>>, vector<16xi32>,
      %get3A_168 = arith.constant 32 : index
      %get3A_169 = tpu.vector_load %arg15[%get3A_168] {strides = array<i32>} : memref<128xi32, #tpu.memory_space<vmem>>, vector<16xi32>,
      %add3A_170 = arith.addi %get3A_169, %broadcast_in_dim3A_158 : vector<16xi32>
      %swap3A_171 = arith.constant 32 : index
      %swap3A_172 = tpu.vector_load %arg17[%swap3A_171] {strides = array<i32>} : memref<128xi32, #tpu.memory_space<vmem>>, vector<16xi32>,
      tpu.vector_store %arg17[%swap3A_171], %add3A_170 {strides = array<i32>} : memref<128xi32, #tpu.memory_space<vmem>>, vector<16xi32>,
      %get3A_173 = arith.constant 48 : index
      %get3A_174 = tpu.vector_load %arg15[%get3A_173] {strides = array<i32>} : memref<128xi32, #tpu.memory_space<vmem>>, vector<16xi32>,
      %add3A_175 = arith.addi %get3A_174, %broadcast_in_dim3A_158 : vector<16xi32>
      %swap3A_176 = arith.constant 48 : index
      %swap3A_177 = tpu.vector_load %arg17[%swap3A_176] {strides = array<i32>} : memref<128xi32, #tpu.memory_space<vmem>>, vector<16xi32>,
      tpu.vector_store %arg17[%swap3A_176], %add3A_175 {strides = array<i32>} : memref<128xi32, #tpu.memory_space<vmem>>, vector<16xi32>,
      %get3A_178 = arith.constant 64 : index
      %get3A_179 = tpu.vector_load %arg15[%get3A_178] {strides = array<i32>} : memref<128xi32, #tpu.memory_space<vmem>>, vector<16xi32>,
      %add3A_180 = arith.addi %get3A_179, %broadcast_in_dim3A_158 : vector<16xi32>
      %swap3A_181 = arith.constant 64 : index
      %swap3A_182 = tpu.vector_load %arg17[%swap3A_181] {strides = array<i32>} : memref<128xi32, #tpu.memory_space<vmem>>, vector<16xi32>,
      tpu.vector_store %arg17[%swap3A_181], %add3A_180 {strides = array<i32>} : memref<128xi32, #tpu.memory_space<vmem>>, vector<16xi32>,
      %get3A_183 = arith.constant 80 : index
      %get3A_184 = tpu.vector_load %arg15[%get3A_183] {strides = array<i32>} : memref<128xi32, #tpu.memory_space<vmem>>, vector<16xi32>,
      %add3A_185 = arith.addi %get3A_184, %broadcast_in_dim3A_158 : vector<16xi32>
      %swap3A_186 = arith.constant 80 : index
      %swap3A_187 = tpu.vector_load %arg17[%swap3A_186] {strides = array<i32>} : memref<128xi32, #tpu.memory_space<vmem>>, vector<16xi32>,
      tpu.vector_store %arg17[%swap3A_186], %add3A_185 {strides = array<i32>} : memref<128xi32, #tpu.memory_space<vmem>>, vector<16xi32>,
      %get3A_188 = arith.constant 96 : index
      %get3A_189 = tpu.vector_load %arg15[%get3A_188] {strides = array<i32>} : memref<128xi32, #tpu.memory_space<vmem>>, vector<16xi32>,
      %add3A_190 = arith.addi %get3A_189, %broadcast_in_dim3A_158 : vector<16xi32>
      %swap3A_191 = arith.constant 96 : index
      %swap3A_192 = tpu.vector_load %arg17[%swap3A_191] {strides = array<i32>} : memref<128xi32, #tpu.memory_space<vmem>>, vector<16xi32>,
      tpu.vector_store %arg17[%swap3A_191], %add3A_190 {strides = array<i32>} : memref<128xi32, #tpu.memory_space<vmem>>, vector<16xi32>,
      %get3A_193 = arith.constant 112 : index
      %get3A_194 = tpu.vector_load %arg15[%get3A_193] {strides = array<i32>} : memref<128xi32, #tpu.memory_space<vmem>>, vector<16xi32>,
      %add3A_195 = arith.addi %get3A_194, %broadcast_in_dim3A_158 : vector<16xi32>
      %swap3A_196 = arith.constant 112 : index
      %swap3A_197 = tpu.vector_load %arg17[%swap3A_196] {strides = array<i32>} : memref<128xi32, #tpu.memory_space<vmem>>, vector<16xi32>,
      tpu.vector_store %arg17[%swap3A_196], %add3A_195 {strides = array<i32>} : memref<128xi32, #tpu.memory_space<vmem>>, vector<16xi32>,
      %mul3A_198 = arith.constant 1024 : i32
      %mul3A_199 = arith.muli %select_n3A, %mul3A_198 : i32
      %add3A_200 = arith.addi %mul3A_199, %mul3A_32 : i32
      %mul3A_201 = arith.constant 4 : i32
      %mul3A_202 = arith.muli %add3A_147, %mul3A_201 : i32
      %add3A_203 = arith.addi %add3A_200, %mul3A_202 : i32
      %mul3A_204 = arith.constant 32 : i32
      %mul3A_205 = arith.muli %add3A_203, %mul3A_204 : i32
      %dma_start3A = tpu.memref_slice %arg6[%mul3A_205] : memref<262144xi32, #tpu.memory_space<hbm>> -> memref<128xi32, #tpu.memory_space<hbm>>
      %dma_start3A_206 = tpu.memref_slice %arg6[%mul3A_205] : memref<262144xi32, #tpu.memory_space<hbm>> -> memref<128xi32, #tpu.memory_space<hbm>>
      tpu.enqueue_dma source(%arg15 : memref<128xi32, #tpu.memory_space<vmem>>) target(%dma_start3A_206 : memref<128xi32, #tpu.memory_space<hbm>>) target_semaphore(%arg32 : memref<!tpu.dma_semaphore, #tpu.memory_space<semaphore_mem>>)
      %gt3A_207 = arith.constant 0 : i32
      %gt3A_208 = arith.cmpi sgt, %scan3A_143, %gt3A_207 : i32
      %convert_element_type3A_209 = arith.extui %gt3A_208 : i1 to i32
      %cond3A_210 = arith.constant 0 : i32
      %cond3A_211 = arith.cmpi ne, %convert_element_type3A_209, %cond3A_210 : i32
      scf.if %cond3A_211 {
        %dma_wait3A_291 = arith.constant 0 : i32
        %dma_wait3A_292 = arith.constant 0 : i32
        %dma_wait3A_293 = tpu.memref_slice %arg5[%dma_wait3A_291, %dma_wait3A_292] : memref<262144x80xf32, #tpu.memory_space<hbm>> -> memref<128x80xf32, #tpu.memory_space<hbm>>
        %dma_wait3A_294 = arith.constant 0 : i32
        %dma_wait3A_295 = arith.constant 0 : i32
        %dma_wait3A_296 = tpu.memref_slice %arg5[%dma_wait3A_294, %dma_wait3A_295] : memref<262144x80xf32, #tpu.memory_space<hbm>> -> memref<128x80xf32, #tpu.memory_space<hbm>>
        tpu.wait_dma2 semaphore(%arg30 : memref<!tpu.dma_semaphore, #tpu.memory_space<semaphore_mem>>) src(%arg19 : memref<128x80xf32, #tpu.memory_space<vmem>>) dst(%dma_wait3A_296 : memref<128x80xf32, #tpu.memory_space<hbm>>)
      } else {
      }
      %dma_start3A_212 = arith.constant 0 : i32
      %dma_start3A_213 = arith.constant 0 : i32
      %dma_start3A_214 = tpu.memref_slice %arg4[%dma_start3A_212, %dma_start3A_213] : memref<32768x80xf32, #tpu.memory_space<hbm>> -> memref<32768x80xf32, #tpu.memory_space<hbm>>
      tpu.enqueue_indirect_dma source(%dma_start3A_214 : memref<32768x80xf32, #tpu.memory_space<hbm>>) target(%arg19 : memref<128x80xf32, #tpu.memory_space<vmem>>) offsets(%arg17 : memref<128xi32, #tpu.memory_space<vmem>>) semaphore(%arg28 : memref<!tpu.dma_semaphore, #tpu.memory_space<semaphore_mem>>)
      %mul3A_215 = arith.constant 2 : i32
      %mul3A_216 = arith.muli %scan3A_143, %mul3A_215 : i32
      %add3A_217 = arith.constant 1 : i32
      %add3A_218 = arith.addi %mul3A_216, %add3A_217 : i32
      %gt3A_219 = arith.constant 0 : i32
      %gt3A_220 = arith.cmpi sgt, %scan3A_143, %gt3A_219 : i32
      %convert_element_type3A_221 = arith.extui %gt3A_220 : i1 to i32
      %cond3A_222 = arith.constant 0 : i32
      %cond3A_223 = arith.cmpi ne, %convert_element_type3A_221, %cond3A_222 : i32
      scf.if %cond3A_223 {
        %dma_wait3A_291 = arith.constant 0 : i32
        %dma_wait3A_292 = tpu.memref_slice %arg6[%dma_wait3A_291] : memref<262144xi32, #tpu.memory_space<hbm>> -> memref<128xi32, #tpu.memory_space<hbm>>
        %dma_wait3A_293 = arith.constant 0 : i32
        %dma_wait3A_294 = tpu.memref_slice %arg6[%dma_wait3A_293] : memref<262144xi32, #tpu.memory_space<hbm>> -> memref<128xi32, #tpu.memory_space<hbm>>
        tpu.wait_dma2 semaphore(%arg33 : memref<!tpu.dma_semaphore, #tpu.memory_space<semaphore_mem>>) src(%arg16 : memref<128xi32, #tpu.memory_space<vmem>>) dst(%dma_wait3A_294 : memref<128xi32, #tpu.memory_space<hbm>>)
        %dma_wait3A_295 = arith.constant 0 : i32
        %dma_wait3A_296 = arith.constant 0 : i32
        %dma_wait3A_297 = tpu.memref_slice %arg4[%dma_wait3A_295, %dma_wait3A_296] : memref<32768x80xf32, #tpu.memory_space<hbm>> -> memref<32768x80xf32, #tpu.memory_space<hbm>>
        tpu.wait_indirect_dma semaphore(%arg29 : memref<!tpu.dma_semaphore, #tpu.memory_space<semaphore_mem>>) src(%dma_wait3A_297 : memref<32768x80xf32, #tpu.memory_space<hbm>>) dst(%arg20 : memref<128x80xf32, #tpu.memory_space<vmem>>)
        %mul3A_298 = arith.constant 1024 : i32
        %mul3A_299 = arith.muli %select_n3A, %mul3A_298 : i32
        %add3A_300 = arith.addi %mul3A_299, %mul3A_32 : i32
        %sub3A_301 = arith.constant 2 : i32
        %sub3A_302 = arith.subi %add3A_218, %sub3A_301 : i32
        %mul3A_303 = arith.constant 4 : i32
        %mul3A_304 = arith.muli %sub3A_302, %mul3A_303 : i32
        %add3A_305 = arith.addi %add3A_300, %mul3A_304 : i32
        %mul3A_306 = arith.constant 32 : i32
        %mul3A_307 = arith.muli %add3A_305, %mul3A_306 : i32
        %dma_start3A_308 = arith.constant 0 : i32
        %dma_start3A_309 = tpu.memref_slice %arg5[%mul3A_307, %dma_start3A_308] : memref<262144x80xf32, #tpu.memory_space<hbm>> -> memref<128x80xf32, #tpu.memory_space<hbm>>
        %dma_start3A_310 = arith.constant 0 : i32
        %dma_start3A_311 = tpu.memref_slice %arg5[%mul3A_307, %dma_start3A_310] : memref<262144x80xf32, #tpu.memory_space<hbm>> -> memref<128x80xf32, #tpu.memory_space<hbm>>
        tpu.enqueue_dma source(%arg20 : memref<128x80xf32, #tpu.memory_space<vmem>>) target(%dma_start3A_311 : memref<128x80xf32, #tpu.memory_space<hbm>>) target_semaphore(%arg31 : memref<!tpu.dma_semaphore, #tpu.memory_space<semaphore_mem>>)
      } else {
      }
      %scan3A_224 = arith.constant 0 : i32
      %scan3A_225 = arith.constant 0 : i32
      %scan3A_226 = arith.constant 4 : i32
      %scan3A_227 = arith.addi %scan3A_225, %scan3A_226 : i32
      %scan3A_228 = arith.constant 1 : i32
      scf.for %scan3A_291 = %scan3A_225 to %scan3A_227 step %scan3A_228  : i32 {
        %mul3A_292 = arith.constant 4 : i32
        %mul3A_293 = arith.muli %add3A_218, %mul3A_292 : i32
        %add3A_294 = arith.addi %mul3A_293, %scan3A_291 : i32
        %mul3A_295 = arith.constant 32 : i32
        %mul3A_296 = arith.muli %scan3A_291, %mul3A_295 : i32
        %broadcast_in_dim3A_297 = vector.broadcast %add3A_294 : i32 to vector<16xi32>
        %gather3A = tpu.vector_load_idx %arg10[%broadcast_in_dim3A_297] : memref<256xf32, #tpu.memory_space<vmem>>[vector<16xi32>], vector<16xf32>,
        %gather3A_298 = tpu.vector_load_idx %arg11[%broadcast_in_dim3A_297] : memref<256xf32, #tpu.memory_space<vmem>>[vector<16xi32>], vector<16xf32>,
        %gather3A_299 = tpu.vector_load_idx %arg12[%broadcast_in_dim3A_297] : memref<256xf32, #tpu.memory_space<vmem>>[vector<16xi32>], vector<16xf32>,
        %sub3A_300 = arith.constant 2.000000e-01 : f32
        %sub3A_301 = vector.broadcast %sub3A_300 : f32 to vector<16xf32>
        %sub3A_302 = arith.subf %gather3A, %sub3A_301 : vector<16xf32>
        %max3A = arith.constant 0.000000e+00 : f32
        %max3A_303 = vector.broadcast %max3A : f32 to vector<16xf32>
        %max3A_304 = arith.maximumf %sub3A_302, %max3A_303 : vector<16xf32>
        %mul3A_305 = arith.constant 8.000000e+00 : f32
        %mul3A_306 = vector.broadcast %mul3A_305 : f32 to vector<16xf32>
        %mul3A_307 = arith.mulf %max3A_304, %mul3A_306 : vector<16xf32>
        %convert_element_type3A_308 = arith.fptosi %mul3A_307 : vector<16xf32> to vector<16xi32>
        %add3A_309 = arith.constant 2.000000e-01 : f32
        %add3A_310 = vector.broadcast %add3A_309 : f32 to vector<16xf32>
        %add3A_311 = arith.addf %gather3A, %add3A_310 : vector<16xf32>
        %min3A = arith.constant 0.99999994 : f32
        %min3A_312 = vector.broadcast %min3A : f32 to vector<16xf32>
        %min3A_313 = arith.minimumf %add3A_311, %min3A_312 : vector<16xf32>
        %mul3A_314 = arith.constant 8.000000e+00 : f32
        %mul3A_315 = vector.broadcast %mul3A_314 : f32 to vector<16xf32>
        %mul3A_316 = arith.mulf %min3A_313, %mul3A_315 : vector<16xf32>
        %convert_element_type3A_317 = arith.fptosi %mul3A_316 : vector<16xf32> to vector<16xi32>
        %sub3A_318 = arith.constant 2.000000e-01 : f32
        %sub3A_319 = vector.broadcast %sub3A_318 : f32 to vector<16xf32>
        %sub3A_320 = arith.subf %gather3A_298, %sub3A_319 : vector<16xf32>
        %max3A_321 = arith.constant 0.000000e+00 : f32
        %max3A_322 = vector.broadcast %max3A_321 : f32 to vector<16xf32>
        %max3A_323 = arith.maximumf %sub3A_320, %max3A_322 : vector<16xf32>
        %mul3A_324 = arith.constant 8.000000e+00 : f32
        %mul3A_325 = vector.broadcast %mul3A_324 : f32 to vector<16xf32>
        %mul3A_326 = arith.mulf %max3A_323, %mul3A_325 : vector<16xf32>
        %convert_element_type3A_327 = arith.fptosi %mul3A_326 : vector<16xf32> to vector<16xi32>
        %add3A_328 = arith.constant 2.000000e-01 : f32
        %add3A_329 = vector.broadcast %add3A_328 : f32 to vector<16xf32>
        %add3A_330 = arith.addf %gather3A_298, %add3A_329 : vector<16xf32>
        %min3A_331 = arith.constant 0.99999994 : f32
        %min3A_332 = vector.broadcast %min3A_331 : f32 to vector<16xf32>
        %min3A_333 = arith.minimumf %add3A_330, %min3A_332 : vector<16xf32>
        %mul3A_334 = arith.constant 8.000000e+00 : f32
        %mul3A_335 = vector.broadcast %mul3A_334 : f32 to vector<16xf32>
        %mul3A_336 = arith.mulf %min3A_333, %mul3A_335 : vector<16xf32>
        %convert_element_type3A_337 = arith.fptosi %mul3A_336 : vector<16xf32> to vector<16xi32>
        %eq3A_338 = arith.constant 0 : i32
        %eq3A_339 = vector.broadcast %eq3A_338 : i32 to vector<16xi32>
        %eq3A_340 = arith.cmpi eq, %iota3A, %eq3A_339 : vector<16xi32>
        %jit3A_341 = arith.constant 0 : i32
        %broadcast_in_dim3A_342 = vector.broadcast %jit3A_341 : i32 to vector<16xi32>
        %select_n3A_343 = arith.select %eq3A_340, %convert_element_type3A_308, %broadcast_in_dim3A_342 : vector<16xi1>, vector<16xi32>
        %reduce_sum3A = arith.constant true
        %reduce_sum3A_344 = vector.broadcast %reduce_sum3A : i1 to vector<16xi1>
        %reduce_sum3A_345 = tpu.scan <sum>, %select_n3A_343 masked %reduce_sum3A_344 : vector<16xi32>, vector<16xi1> -> vector<16xi32>
        %reduce_sum3A_346 = vector.extract %reduce_sum3A_345[15] : i32 from vector<16xi32>
        %eq3A_347 = arith.constant 0 : i32
        %eq3A_348 = vector.broadcast %eq3A_347 : i32 to vector<16xi32>
        %eq3A_349 = arith.cmpi eq, %iota3A, %eq3A_348 : vector<16xi32>
        %jit3A_350 = arith.constant 0 : i32
        %broadcast_in_dim3A_351 = vector.broadcast %jit3A_350 : i32 to vector<16xi32>
        %select_n3A_352 = arith.select %eq3A_349, %convert_element_type3A_317, %broadcast_in_dim3A_351 : vector<16xi1>, vector<16xi32>
        %reduce_sum3A_353 = arith.constant true
        %reduce_sum3A_354 = vector.broadcast %reduce_sum3A_353 : i1 to vector<16xi1>
        %reduce_sum3A_355 = tpu.scan <sum>, %select_n3A_352 masked %reduce_sum3A_354 : vector<16xi32>, vector<16xi1> -> vector<16xi32>
        %reduce_sum3A_356 = vector.extract %reduce_sum3A_355[15] : i32 from vector<16xi32>
        %eq3A_357 = arith.constant 0 : i32
        %eq3A_358 = vector.broadcast %eq3A_357 : i32 to vector<16xi32>
        %eq3A_359 = arith.cmpi eq, %iota3A, %eq3A_358 : vector<16xi32>
        %jit3A_360 = arith.constant 0 : i32
        %broadcast_in_dim3A_361 = vector.broadcast %jit3A_360 : i32 to vector<16xi32>
        %select_n3A_362 = arith.select %eq3A_359, %convert_element_type3A_327, %broadcast_in_dim3A_361 : vector<16xi1>, vector<16xi32>
        %reduce_sum3A_363 = arith.constant true
        %reduce_sum3A_364 = vector.broadcast %reduce_sum3A_363 : i1 to vector<16xi1>
        %reduce_sum3A_365 = tpu.scan <sum>, %select_n3A_362 masked %reduce_sum3A_364 : vector<16xi32>, vector<16xi1> -> vector<16xi32>
        %reduce_sum3A_366 = vector.extract %reduce_sum3A_365[15] : i32 from vector<16xi32>
        %eq3A_367 = arith.constant 0 : i32
        %eq3A_368 = vector.broadcast %eq3A_367 : i32 to vector<16xi32>
        %eq3A_369 = arith.cmpi eq, %iota3A, %eq3A_368 : vector<16xi32>
        %jit3A_370 = arith.constant 0 : i32
        %broadcast_in_dim3A_371 = vector.broadcast %jit3A_370 : i32 to vector<16xi32>
        %select_n3A_372 = arith.select %eq3A_369, %convert_element_type3A_337, %broadcast_in_dim3A_371 : vector<16xi1>, vector<16xi32>
        %reduce_sum3A_373 = arith.constant true
        %reduce_sum3A_374 = vector.broadcast %reduce_sum3A_373 : i1 to vector<16xi1>
        %reduce_sum3A_375 = tpu.scan <sum>, %select_n3A_372 masked %reduce_sum3A_374 : vector<16xi32>, vector<16xi1> -> vector<16xi32>
        %reduce_sum3A_376 = vector.extract %reduce_sum3A_375[15] : i32 from vector<16xi32>
        %add3A_377 = arith.constant 1 : i32
        %add3A_378 = arith.addi %reduce_sum3A_356, %add3A_377 : i32
        %while3A = arith.subi %add3A_378, %reduce_sum3A_346 : i32
        %while3A_379 = arith.addi %reduce_sum3A_346, %while3A : i32
        %while3A_380 = arith.constant 1 : i32
        %while3A_381 = arith.divsi %while3A, %while3A_380 : i32
        %while3A_382 = arith.muli %while3A_381, %while3A_380 : i32
        %while3A_383 = arith.addi %reduce_sum3A_346, %while3A_382 : i32
        %while3A_384 = arith.constant 1 : i32
        %while3A_385 = scf.for %while3A_469 = %reduce_sum3A_346 to %while3A_383 step %while3A_384 iter_args(%while3A_470 = %broadcast_in_dim3A_74) -> (vector<16xi32>)  : i32 {
          %eq3A_471 = arith.constant 0 : i32
          %eq3A_472 = vector.broadcast %eq3A_471 : i32 to vector<16xi32>
          %eq3A_473 = arith.cmpi eq, %iota3A, %eq3A_472 : vector<16xi32>
          %mul3A_474 = arith.constant 8 : i32
          %mul3A_475 = arith.muli %while3A_469, %mul3A_474 : i32
          %add3A_476 = arith.addi %mul3A_475, %reduce_sum3A_366 : i32
          %broadcast_in_dim3A_477 = vector.broadcast %add3A_476 : i32 to vector<16xi32>
          %gather3A_478 = tpu.vector_load_idx %arg26[%broadcast_in_dim3A_477] : memref<80xi32, #tpu.memory_space<vmem>>[vector<16xi32>], vector<16xi32>,
          %jit3A_479 = arith.constant 0 : i32
          %broadcast_in_dim3A_480 = vector.broadcast %jit3A_479 : i32 to vector<16xi32>
          %select_n3A_481 = arith.select %eq3A_473, %gather3A_478, %broadcast_in_dim3A_480 : vector<16xi1>, vector<16xi32>
          %reduce_sum3A_482 = arith.constant true
          %reduce_sum3A_483 = vector.broadcast %reduce_sum3A_482 : i1 to vector<16xi1>
          %reduce_sum3A_484 = tpu.scan <sum>, %select_n3A_481 masked %reduce_sum3A_483 : vector<16xi32>, vector<16xi1> -> vector<16xi32>
          %reduce_sum3A_485 = vector.extract %reduce_sum3A_484[15] : i32 from vector<16xi32>
          %eq3A_486 = arith.constant 0 : i32
          %eq3A_487 = vector.broadcast %eq3A_486 : i32 to vector<16xi32>
          %eq3A_488 = arith.cmpi eq, %iota3A, %eq3A_487 : vector<16xi32>
          %mul3A_489 = arith.constant 8 : i32
          %mul3A_490 = arith.muli %while3A_469, %mul3A_489 : i32
          %add3A_491 = arith.addi %mul3A_490, %reduce_sum3A_376 : i32
          %add3A_492 = arith.constant 1 : i32
          %add3A_493 = arith.addi %add3A_491, %add3A_492 : i32
          %broadcast_in_dim3A_494 = vector.broadcast %add3A_493 : i32 to vector<16xi32>
          %gather3A_495 = tpu.vector_load_idx %arg26[%broadcast_in_dim3A_494] : memref<80xi32, #tpu.memory_space<vmem>>[vector<16xi32>], vector<16xi32>,
          %jit3A_496 = arith.constant 0 : i32
          %broadcast_in_dim3A_497 = vector.broadcast %jit3A_496 : i32 to vector<16xi32>
          %select_n3A_498 = arith.select %eq3A_488, %gather3A_495, %broadcast_in_dim3A_497 : vector<16xi1>, vector<16xi32>
          %reduce_sum3A_499 = arith.constant true
          %reduce_sum3A_500 = vector.broadcast %reduce_sum3A_499 : i1 to vector<16xi1>
          %reduce_sum3A_501 = tpu.scan <sum>, %select_n3A_498 masked %reduce_sum3A_500 : vector<16xi32>, vector<16xi1> -> vector<16xi32>
          %reduce_sum3A_502 = vector.extract %reduce_sum3A_501[15] : i32 from vector<16xi32>
          %jit3A_503 = arith.constant 16 : i32
          %div3A_504 = arith.divsi %reduce_sum3A_485, %jit3A_503 : i32
          %sign3A_505 = arith.constant 0 : i32
          %sign3A_506 = arith.cmpi sgt, %reduce_sum3A_485, %sign3A_505 : i32
          %sign3A_507 = arith.extui %sign3A_506 : i1 to i32
          %sign3A_508 = arith.constant 0 : i32
          %sign3A_509 = arith.cmpi slt, %reduce_sum3A_485, %sign3A_508 : i32
          %sign3A_510 = arith.extui %sign3A_509 : i1 to i32
          %sign3A_511 = arith.subi %sign3A_507, %sign3A_510 : i32
          %sign3A_512 = arith.constant 0 : i32
          %sign3A_513 = arith.cmpi sgt, %jit3A_503, %sign3A_512 : i32
          %sign3A_514 = arith.extui %sign3A_513 : i1 to i32
          %sign3A_515 = arith.constant 0 : i32
          %sign3A_516 = arith.cmpi slt, %jit3A_503, %sign3A_515 : i32
          %sign3A_517 = arith.extui %sign3A_516 : i1 to i32
          %sign3A_518 = arith.subi %sign3A_514, %sign3A_517 : i32
          %ne3A_519 = arith.cmpi ne, %sign3A_511, %sign3A_518 : i32
          %rem3A_520 = arith.remsi %reduce_sum3A_485, %jit3A_503 : i32
          %ne3A_521 = arith.constant 0 : i32
          %ne3A_522 = arith.cmpi ne, %rem3A_520, %ne3A_521 : i32
          %and3A_523 = arith.andi %ne3A_519, %ne3A_522 : i1
          %sub3A_524 = arith.constant 1 : i32
          %sub3A_525 = arith.subi %div3A_504, %sub3A_524 : i32
          %select_n3A_526 = arith.select %and3A_523, %sub3A_525, %div3A_504 : i32
          %add3A_527 = arith.constant 16 : i32
          %add3A_528 = arith.addi %reduce_sum3A_502, %add3A_527 : i32
          %sub3A_529 = arith.constant 1 : i32
          %sub3A_530 = arith.subi %add3A_528, %sub3A_529 : i32
          %jit3A_531 = arith.constant 16 : i32
          %div3A_532 = arith.divsi %sub3A_530, %jit3A_531 : i32
          %sign3A_533 = arith.constant 0 : i32
          %sign3A_534 = arith.cmpi sgt, %sub3A_530, %sign3A_533 : i32
          %sign3A_535 = arith.extui %sign3A_534 : i1 to i32
          %sign3A_536 = arith.constant 0 : i32
          %sign3A_537 = arith.cmpi slt, %sub3A_530, %sign3A_536 : i32
          %sign3A_538 = arith.extui %sign3A_537 : i1 to i32
          %sign3A_539 = arith.subi %sign3A_535, %sign3A_538 : i32
          %sign3A_540 = arith.constant 0 : i32
          %sign3A_541 = arith.cmpi sgt, %jit3A_531, %sign3A_540 : i32
          %sign3A_542 = arith.extui %sign3A_541 : i1 to i32
          %sign3A_543 = arith.constant 0 : i32
          %sign3A_544 = arith.cmpi slt, %jit3A_531, %sign3A_543 : i32
          %sign3A_545 = arith.extui %sign3A_544 : i1 to i32
          %sign3A_546 = arith.subi %sign3A_542, %sign3A_545 : i32
          %ne3A_547 = arith.cmpi ne, %sign3A_539, %sign3A_546 : i32
          %rem3A_548 = arith.remsi %sub3A_530, %jit3A_531 : i32
          %ne3A_549 = arith.constant 0 : i32
          %ne3A_550 = arith.cmpi ne, %rem3A_548, %ne3A_549 : i32
          %and3A_551 = arith.andi %ne3A_547, %ne3A_550 : i1
          %sub3A_552 = arith.constant 1 : i32
          %sub3A_553 = arith.subi %div3A_532, %sub3A_552 : i32
          %select_n3A_554 = arith.select %and3A_551, %sub3A_553, %div3A_532 : i32
          %while3A_555 = arith.subi %select_n3A_554, %select_n3A_526 : i32
          %while3A_556 = arith.addi %select_n3A_526, %while3A_555 : i32
          %while3A_557 = arith.constant 1 : i32
          %while3A_558 = arith.divsi %while3A_555, %while3A_557 : i32
          %while3A_559 = arith.muli %while3A_558, %while3A_557 : i32
          %while3A_560 = arith.addi %select_n3A_526, %while3A_559 : i32
          %while3A_561 = arith.constant 1 : i32
          %while3A_562 = scf.for %while3A_565 = %select_n3A_526 to %while3A_560 step %while3A_561 iter_args(%while3A_566 = %while3A_470) -> (vector<16xi32>)  : i32 {
            %mul3A_567 = arith.constant 16 : i32
            %mul3A_568 = arith.muli %while3A_565, %mul3A_567 : i32
            %add3A_569 = vector.broadcast %mul3A_568 : i32 to vector<16xi32>
            %add3A_570 = arith.addi %iota3A, %add3A_569 : vector<16xi32>
            %get3A_571 = arith.index_cast %mul3A_568 : i32 to index
            %get3A_572 = tpu.vector_load %arg22[%get3A_571] {strides = array<i32>} : memref<4096xf32, #tpu.memory_space<vmem>>, vector<16xf32>,
            %sub3A_573 = arith.subf %get3A_572, %gather3A : vector<16xf32>
            %get3A_574 = arith.index_cast %mul3A_568 : i32 to index
            %get3A_575 = tpu.vector_load %arg23[%get3A_574] {strides = array<i32>} : memref<4096xf32, #tpu.memory_space<vmem>>, vector<16xf32>,
            %sub3A_576 = arith.subf %get3A_575, %gather3A_298 : vector<16xf32>
            %get3A_577 = arith.index_cast %mul3A_568 : i32 to index
            %get3A_578 = tpu.vector_load %arg24[%get3A_577] {strides = array<i32>} : memref<4096xf32, #tpu.memory_space<vmem>>, vector<16xf32>,
            %sub3A_579 = arith.subf %get3A_578, %gather3A_299 : vector<16xf32>
            %mul3A_580 = arith.mulf %sub3A_573, %sub3A_573 : vector<16xf32>
            %mul3A_581 = arith.mulf %sub3A_576, %sub3A_576 : vector<16xf32>
            %add3A_582 = arith.addf %mul3A_580, %mul3A_581 : vector<16xf32>
            %mul3A_583 = arith.mulf %sub3A_579, %sub3A_579 : vector<16xf32>
            %add3A_584 = arith.addf %add3A_582, %mul3A_583 : vector<16xf32>
            %lt3A_585 = arith.constant 4.000000e-02 : f32
            %lt3A_586 = vector.broadcast %lt3A_585 : f32 to vector<16xf32>
            %lt3A_587 = arith.cmpf olt, %add3A_584, %lt3A_586 : vector<16xf32>
            %ge3A = vector.broadcast %reduce_sum3A_485 : i32 to vector<16xi32>
            %ge3A_588 = arith.cmpi sge, %add3A_570, %ge3A : vector<16xi32>
            %and3A_589 = arith.andi %lt3A_587, %ge3A_588 : vector<16xi1>
            %lt3A_590 = vector.broadcast %reduce_sum3A_502 : i32 to vector<16xi32>
            %lt3A_591 = arith.cmpi slt, %add3A_570, %lt3A_590 : vector<16xi32>
            %and3A_592 = arith.andi %and3A_589, %lt3A_591 : vector<16xi1>
            %convert_element_type3A_593 = arith.extui %and3A_592 : vector<16xi1> to vector<16xi32>
            %broadcast_in_dim3A_594 = arith.constant true
            %broadcast_in_dim3A_595 = vector.broadcast %broadcast_in_dim3A_594 : i1 to vector<16xi1>
            %masked_cumsum3A = tpu.scan <sum>, %convert_element_type3A_593 masked %broadcast_in_dim3A_595 : vector<16xi32>, vector<16xi1> -> vector<16xi32>
            %add3A_596 = arith.addi %while3A_566, %masked_cumsum3A : vector<16xi32>
            %sub3A_597 = arith.constant 1 : i32
            %sub3A_598 = vector.broadcast %sub3A_597 : i32 to vector<16xi32>
            %sub3A_599 = arith.subi %add3A_596, %sub3A_598 : vector<16xi32>
            tpu.vector_store_idx %arg13[%sub3A_599], %add3A_584 masked %and3A_592 : memref<4112xf32, #tpu.memory_space<vmem>>[vector<16xi32>], vector<16xf32>, vector<16xi1>
            %get3A_600 = arith.index_cast %mul3A_568 : i32 to index
            %get3A_601 = tpu.vector_load %arg25[%get3A_600] {strides = array<i32>} : memref<4096xi32, #tpu.memory_space<vmem>>, vector<16xi32>,
            tpu.vector_store_idx %arg14[%sub3A_599], %get3A_601 masked %and3A_592 : memref<4112xi32, #tpu.memory_space<vmem>>[vector<16xi32>], vector<16xi32>, vector<16xi1>
            %all_reduce_population_count3A = tpu.all_reduce %and3A_592 {dim = 0 : i64, kind = #tpu.reduction_kind<sum>} : vector<16xi1> -> vector<16xi32>
            %add3A_602 = arith.addi %while3A_566, %all_reduce_population_count3A : vector<16xi32>
            scf.yield %add3A_602 : vector<16xi32>
          }
          %while3A_563 = arith.constant 1 : i32
          %while3A_564 = scf.for %while3A_565 = %while3A_560 to %while3A_556 step %while3A_563 iter_args(%while3A_566 = %while3A_562) -> (vector<16xi32>)  : i32 {
            %mul3A_567 = arith.constant 16 : i32
            %mul3A_568 = arith.muli %while3A_565, %mul3A_567 : i32
            %add3A_569 = vector.broadcast %mul3A_568 : i32 to vector<16xi32>
            %add3A_570 = arith.addi %iota3A, %add3A_569 : vector<16xi32>
            %get3A_571 = arith.index_cast %mul3A_568 : i32 to index
            %get3A_572 = tpu.vector_load %arg22[%get3A_571] {strides = array<i32>} : memref<4096xf32, #tpu.memory_space<vmem>>, vector<16xf32>,
            %sub3A_573 = arith.subf %get3A_572, %gather3A : vector<16xf32>
            %get3A_574 = arith.index_cast %mul3A_568 : i32 to index
            %get3A_575 = tpu.vector_load %arg23[%get3A_574] {strides = array<i32>} : memref<4096xf32, #tpu.memory_space<vmem>>, vector<16xf32>,
            %sub3A_576 = arith.subf %get3A_575, %gather3A_298 : vector<16xf32>
            %get3A_577 = arith.index_cast %mul3A_568 : i32 to index
            %get3A_578 = tpu.vector_load %arg24[%get3A_577] {strides = array<i32>} : memref<4096xf32, #tpu.memory_space<vmem>>, vector<16xf32>,
            %sub3A_579 = arith.subf %get3A_578, %gather3A_299 : vector<16xf32>
            %mul3A_580 = arith.mulf %sub3A_573, %sub3A_573 : vector<16xf32>
            %mul3A_581 = arith.mulf %sub3A_576, %sub3A_576 : vector<16xf32>
            %add3A_582 = arith.addf %mul3A_580, %mul3A_581 : vector<16xf32>
            %mul3A_583 = arith.mulf %sub3A_579, %sub3A_579 : vector<16xf32>
            %add3A_584 = arith.addf %add3A_582, %mul3A_583 : vector<16xf32>
            %lt3A_585 = arith.constant 4.000000e-02 : f32
            %lt3A_586 = vector.broadcast %lt3A_585 : f32 to vector<16xf32>
            %lt3A_587 = arith.cmpf olt, %add3A_584, %lt3A_586 : vector<16xf32>
            %ge3A = vector.broadcast %reduce_sum3A_485 : i32 to vector<16xi32>
            %ge3A_588 = arith.cmpi sge, %add3A_570, %ge3A : vector<16xi32>
            %and3A_589 = arith.andi %lt3A_587, %ge3A_588 : vector<16xi1>
            %lt3A_590 = vector.broadcast %reduce_sum3A_502 : i32 to vector<16xi32>
            %lt3A_591 = arith.cmpi slt, %add3A_570, %lt3A_590 : vector<16xi32>
            %and3A_592 = arith.andi %and3A_589, %lt3A_591 : vector<16xi1>
            %convert_element_type3A_593 = arith.extui %and3A_592 : vector<16xi1> to vector<16xi32>
            %broadcast_in_dim3A_594 = arith.constant true
            %broadcast_in_dim3A_595 = vector.broadcast %broadcast_in_dim3A_594 : i1 to vector<16xi1>
            %masked_cumsum3A = tpu.scan <sum>, %convert_element_type3A_593 masked %broadcast_in_dim3A_595 : vector<16xi32>, vector<16xi1> -> vector<16xi32>
            %add3A_596 = arith.addi %while3A_566, %masked_cumsum3A : vector<16xi32>
            %sub3A_597 = arith.constant 1 : i32
            %sub3A_598 = vector.broadcast %sub3A_597 : i32 to vector<16xi32>
            %sub3A_599 = arith.subi %add3A_596, %sub3A_598 : vector<16xi32>
            tpu.vector_store_idx %arg13[%sub3A_599], %add3A_584 masked %and3A_592 : memref<4112xf32, #tpu.memory_space<vmem>>[vector<16xi32>], vector<16xf32>, vector<16xi1>
            %get3A_600 = arith.index_cast %mul3A_568 : i32 to index
            %get3A_601 = tpu.vector_load %arg25[%get3A_600] {strides = array<i32>} : memref<4096xi32, #tpu.memory_space<vmem>>, vector<16xi32>,
            tpu.vector_store_idx %arg14[%sub3A_599], %get3A_601 masked %and3A_592 : memref<4112xi32, #tpu.memory_space<vmem>>[vector<16xi32>], vector<16xi32>, vector<16xi1>
            %all_reduce_population_count3A = tpu.all_reduce %and3A_592 {dim = 0 : i64, kind = #tpu.reduction_kind<sum>} : vector<16xi1> -> vector<16xi32>
            %add3A_602 = arith.addi %while3A_566, %all_reduce_population_count3A : vector<16xi32>
            scf.yield %add3A_602 : vector<16xi32>
          }
          scf.yield %while3A_564 : vector<16xi32>
        }
        %while3A_386 = arith.constant 1 : i32
        %while3A_387 = scf.for %while3A_469 = %while3A_383 to %while3A_379 step %while3A_386 iter_args(%while3A_470 = %while3A_385) -> (vector<16xi32>)  : i32 {
          %eq3A_471 = arith.constant 0 : i32
          %eq3A_472 = vector.broadcast %eq3A_471 : i32 to vector<16xi32>
          %eq3A_473 = arith.cmpi eq, %iota3A, %eq3A_472 : vector<16xi32>
          %mul3A_474 = arith.constant 8 : i32
          %mul3A_475 = arith.muli %while3A_469, %mul3A_474 : i32
          %add3A_476 = arith.addi %mul3A_475, %reduce_sum3A_366 : i32
          %broadcast_in_dim3A_477 = vector.broadcast %add3A_476 : i32 to vector<16xi32>
          %gather3A_478 = tpu.vector_load_idx %arg26[%broadcast_in_dim3A_477] : memref<80xi32, #tpu.memory_space<vmem>>[vector<16xi32>], vector<16xi32>,
          %jit3A_479 = arith.constant 0 : i32
          %broadcast_in_dim3A_480 = vector.broadcast %jit3A_479 : i32 to vector<16xi32>
          %select_n3A_481 = arith.select %eq3A_473, %gather3A_478, %broadcast_in_dim3A_480 : vector<16xi1>, vector<16xi32>
          %reduce_sum3A_482 = arith.constant true
          %reduce_sum3A_483 = vector.broadcast %reduce_sum3A_482 : i1 to vector<16xi1>
          %reduce_sum3A_484 = tpu.scan <sum>, %select_n3A_481 masked %reduce_sum3A_483 : vector<16xi32>, vector<16xi1> -> vector<16xi32>
          %reduce_sum3A_485 = vector.extract %reduce_sum3A_484[15] : i32 from vector<16xi32>
          %eq3A_486 = arith.constant 0 : i32
          %eq3A_487 = vector.broadcast %eq3A_486 : i32 to vector<16xi32>
          %eq3A_488 = arith.cmpi eq, %iota3A, %eq3A_487 : vector<16xi32>
          %mul3A_489 = arith.constant 8 : i32
          %mul3A_490 = arith.muli %while3A_469, %mul3A_489 : i32
          %add3A_491 = arith.addi %mul3A_490, %reduce_sum3A_376 : i32
          %add3A_492 = arith.constant 1 : i32
          %add3A_493 = arith.addi %add3A_491, %add3A_492 : i32
          %broadcast_in_dim3A_494 = vector.broadcast %add3A_493 : i32 to vector<16xi32>
          %gather3A_495 = tpu.vector_load_idx %arg26[%broadcast_in_dim3A_494] : memref<80xi32, #tpu.memory_space<vmem>>[vector<16xi32>], vector<16xi32>,
          %jit3A_496 = arith.constant 0 : i32
          %broadcast_in_dim3A_497 = vector.broadcast %jit3A_496 : i32 to vector<16xi32>
          %select_n3A_498 = arith.select %eq3A_488, %gather3A_495, %broadcast_in_dim3A_497 : vector<16xi1>, vector<16xi32>
          %reduce_sum3A_499 = arith.constant true
          %reduce_sum3A_500 = vector.broadcast %reduce_sum3A_499 : i1 to vector<16xi1>
          %reduce_sum3A_501 = tpu.scan <sum>, %select_n3A_498 masked %reduce_sum3A_500 : vector<16xi32>, vector<16xi1> -> vector<16xi32>
          %reduce_sum3A_502 = vector.extract %reduce_sum3A_501[15] : i32 from vector<16xi32>
          %jit3A_503 = arith.constant 16 : i32
          %div3A_504 = arith.divsi %reduce_sum3A_485, %jit3A_503 : i32
          %sign3A_505 = arith.constant 0 : i32
          %sign3A_506 = arith.cmpi sgt, %reduce_sum3A_485, %sign3A_505 : i32
          %sign3A_507 = arith.extui %sign3A_506 : i1 to i32
          %sign3A_508 = arith.constant 0 : i32
          %sign3A_509 = arith.cmpi slt, %reduce_sum3A_485, %sign3A_508 : i32
          %sign3A_510 = arith.extui %sign3A_509 : i1 to i32
          %sign3A_511 = arith.subi %sign3A_507, %sign3A_510 : i32
          %sign3A_512 = arith.constant 0 : i32
          %sign3A_513 = arith.cmpi sgt, %jit3A_503, %sign3A_512 : i32
          %sign3A_514 = arith.extui %sign3A_513 : i1 to i32
          %sign3A_515 = arith.constant 0 : i32
          %sign3A_516 = arith.cmpi slt, %jit3A_503, %sign3A_515 : i32
          %sign3A_517 = arith.extui %sign3A_516 : i1 to i32
          %sign3A_518 = arith.subi %sign3A_514, %sign3A_517 : i32
          %ne3A_519 = arith.cmpi ne, %sign3A_511, %sign3A_518 : i32
          %rem3A_520 = arith.remsi %reduce_sum3A_485, %jit3A_503 : i32
          %ne3A_521 = arith.constant 0 : i32
          %ne3A_522 = arith.cmpi ne, %rem3A_520, %ne3A_521 : i32
          %and3A_523 = arith.andi %ne3A_519, %ne3A_522 : i1
          %sub3A_524 = arith.constant 1 : i32
          %sub3A_525 = arith.subi %div3A_504, %sub3A_524 : i32
          %select_n3A_526 = arith.select %and3A_523, %sub3A_525, %div3A_504 : i32
          %add3A_527 = arith.constant 16 : i32
          %add3A_528 = arith.addi %reduce_sum3A_502, %add3A_527 : i32
          %sub3A_529 = arith.constant 1 : i32
          %sub3A_530 = arith.subi %add3A_528, %sub3A_529 : i32
          %jit3A_531 = arith.constant 16 : i32
          %div3A_532 = arith.divsi %sub3A_530, %jit3A_531 : i32
          %sign3A_533 = arith.constant 0 : i32
          %sign3A_534 = arith.cmpi sgt, %sub3A_530, %sign3A_533 : i32
          %sign3A_535 = arith.extui %sign3A_534 : i1 to i32
          %sign3A_536 = arith.constant 0 : i32
          %sign3A_537 = arith.cmpi slt, %sub3A_530, %sign3A_536 : i32
          %sign3A_538 = arith.extui %sign3A_537 : i1 to i32
          %sign3A_539 = arith.subi %sign3A_535, %sign3A_538 : i32
          %sign3A_540 = arith.constant 0 : i32
          %sign3A_541 = arith.cmpi sgt, %jit3A_531, %sign3A_540 : i32
          %sign3A_542 = arith.extui %sign3A_541 : i1 to i32
          %sign3A_543 = arith.constant 0 : i32
          %sign3A_544 = arith.cmpi slt, %jit3A_531, %sign3A_543 : i32
          %sign3A_545 = arith.extui %sign3A_544 : i1 to i32
          %sign3A_546 = arith.subi %sign3A_542, %sign3A_545 : i32
          %ne3A_547 = arith.cmpi ne, %sign3A_539, %sign3A_546 : i32
          %rem3A_548 = arith.remsi %sub3A_530, %jit3A_531 : i32
          %ne3A_549 = arith.constant 0 : i32
          %ne3A_550 = arith.cmpi ne, %rem3A_548, %ne3A_549 : i32
          %and3A_551 = arith.andi %ne3A_547, %ne3A_550 : i1
          %sub3A_552 = arith.constant 1 : i32
          %sub3A_553 = arith.subi %div3A_532, %sub3A_552 : i32
          %select_n3A_554 = arith.select %and3A_551, %sub3A_553, %div3A_532 : i32
          %while3A_555 = arith.subi %select_n3A_554, %select_n3A_526 : i32
          %while3A_556 = arith.addi %select_n3A_526, %while3A_555 : i32
          %while3A_557 = arith.constant 1 : i32
          %while3A_558 = arith.divsi %while3A_555, %while3A_557 : i32
          %while3A_559 = arith.muli %while3A_558, %while3A_557 : i32
          %while3A_560 = arith.addi %select_n3A_526, %while3A_559 : i32
          %while3A_561 = arith.constant 1 : i32
          %while3A_562 = scf.for %while3A_565 = %select_n3A_526 to %while3A_560 step %while3A_561 iter_args(%while3A_566 = %while3A_470) -> (vector<16xi32>)  : i32 {
            %mul3A_567 = arith.constant 16 : i32
            %mul3A_568 = arith.muli %while3A_565, %mul3A_567 : i32
            %add3A_569 = vector.broadcast %mul3A_568 : i32 to vector<16xi32>
            %add3A_570 = arith.addi %iota3A, %add3A_569 : vector<16xi32>
            %get3A_571 = arith.index_cast %mul3A_568 : i32 to index
            %get3A_572 = tpu.vector_load %arg22[%get3A_571] {strides = array<i32>} : memref<4096xf32, #tpu.memory_space<vmem>>, vector<16xf32>,
            %sub3A_573 = arith.subf %get3A_572, %gather3A : vector<16xf32>
            %get3A_574 = arith.index_cast %mul3A_568 : i32 to index
            %get3A_575 = tpu.vector_load %arg23[%get3A_574] {strides = array<i32>} : memref<4096xf32, #tpu.memory_space<vmem>>, vector<16xf32>,
            %sub3A_576 = arith.subf %get3A_575, %gather3A_298 : vector<16xf32>
            %get3A_577 = arith.index_cast %mul3A_568 : i32 to index
            %get3A_578 = tpu.vector_load %arg24[%get3A_577] {strides = array<i32>} : memref<4096xf32, #tpu.memory_space<vmem>>, vector<16xf32>,
            %sub3A_579 = arith.subf %get3A_578, %gather3A_299 : vector<16xf32>
            %mul3A_580 = arith.mulf %sub3A_573, %sub3A_573 : vector<16xf32>
            %mul3A_581 = arith.mulf %sub3A_576, %sub3A_576 : vector<16xf32>
            %add3A_582 = arith.addf %mul3A_580, %mul3A_581 : vector<16xf32>
            %mul3A_583 = arith.mulf %sub3A_579, %sub3A_579 : vector<16xf32>
            %add3A_584 = arith.addf %add3A_582, %mul3A_583 : vector<16xf32>
            %lt3A_585 = arith.constant 4.000000e-02 : f32
            %lt3A_586 = vector.broadcast %lt3A_585 : f32 to vector<16xf32>
            %lt3A_587 = arith.cmpf olt, %add3A_584, %lt3A_586 : vector<16xf32>
            %ge3A = vector.broadcast %reduce_sum3A_485 : i32 to vector<16xi32>
            %ge3A_588 = arith.cmpi sge, %add3A_570, %ge3A : vector<16xi32>
            %and3A_589 = arith.andi %lt3A_587, %ge3A_588 : vector<16xi1>
            %lt3A_590 = vector.broadcast %reduce_sum3A_502 : i32 to vector<16xi32>
            %lt3A_591 = arith.cmpi slt, %add3A_570, %lt3A_590 : vector<16xi32>
            %and3A_592 = arith.andi %and3A_589, %lt3A_591 : vector<16xi1>
            %convert_element_type3A_593 = arith.extui %and3A_592 : vector<16xi1> to vector<16xi32>
            %broadcast_in_dim3A_594 = arith.constant true
            %broadcast_in_dim3A_595 = vector.broadcast %broadcast_in_dim3A_594 : i1 to vector<16xi1>
            %masked_cumsum3A = tpu.scan <sum>, %convert_element_type3A_593 masked %broadcast_in_dim3A_595 : vector<16xi32>, vector<16xi1> -> vector<16xi32>
            %add3A_596 = arith.addi %while3A_566, %masked_cumsum3A : vector<16xi32>
            %sub3A_597 = arith.constant 1 : i32
            %sub3A_598 = vector.broadcast %sub3A_597 : i32 to vector<16xi32>
            %sub3A_599 = arith.subi %add3A_596, %sub3A_598 : vector<16xi32>
            tpu.vector_store_idx %arg13[%sub3A_599], %add3A_584 masked %and3A_592 : memref<4112xf32, #tpu.memory_space<vmem>>[vector<16xi32>], vector<16xf32>, vector<16xi1>
            %get3A_600 = arith.index_cast %mul3A_568 : i32 to index
            %get3A_601 = tpu.vector_load %arg25[%get3A_600] {strides = array<i32>} : memref<4096xi32, #tpu.memory_space<vmem>>, vector<16xi32>,
            tpu.vector_store_idx %arg14[%sub3A_599], %get3A_601 masked %and3A_592 : memref<4112xi32, #tpu.memory_space<vmem>>[vector<16xi32>], vector<16xi32>, vector<16xi1>
            %all_reduce_population_count3A = tpu.all_reduce %and3A_592 {dim = 0 : i64, kind = #tpu.reduction_kind<sum>} : vector<16xi1> -> vector<16xi32>
            %add3A_602 = arith.addi %while3A_566, %all_reduce_population_count3A : vector<16xi32>
            scf.yield %add3A_602 : vector<16xi32>
          }
          %while3A_563 = arith.constant 1 : i32
          %while3A_564 = scf.for %while3A_565 = %while3A_560 to %while3A_556 step %while3A_563 iter_args(%while3A_566 = %while3A_562) -> (vector<16xi32>)  : i32 {
            %mul3A_567 = arith.constant 16 : i32
            %mul3A_568 = arith.muli %while3A_565, %mul3A_567 : i32
            %add3A_569 = vector.broadcast %mul3A_568 : i32 to vector<16xi32>
            %add3A_570 = arith.addi %iota3A, %add3A_569 : vector<16xi32>
            %get3A_571 = arith.index_cast %mul3A_568 : i32 to index
            %get3A_572 = tpu.vector_load %arg22[%get3A_571] {strides = array<i32>} : memref<4096xf32, #tpu.memory_space<vmem>>, vector<16xf32>,
            %sub3A_573 = arith.subf %get3A_572, %gather3A : vector<16xf32>
            %get3A_574 = arith.index_cast %mul3A_568 : i32 to index
            %get3A_575 = tpu.vector_load %arg23[%get3A_574] {strides = array<i32>} : memref<4096xf32, #tpu.memory_space<vmem>>, vector<16xf32>,
            %sub3A_576 = arith.subf %get3A_575, %gather3A_298 : vector<16xf32>
            %get3A_577 = arith.index_cast %mul3A_568 : i32 to index
            %get3A_578 = tpu.vector_load %arg24[%get3A_577] {strides = array<i32>} : memref<4096xf32, #tpu.memory_space<vmem>>, vector<16xf32>,
            %sub3A_579 = arith.subf %get3A_578, %gather3A_299 : vector<16xf32>
            %mul3A_580 = arith.mulf %sub3A_573, %sub3A_573 : vector<16xf32>
            %mul3A_581 = arith.mulf %sub3A_576, %sub3A_576 : vector<16xf32>
            %add3A_582 = arith.addf %mul3A_580, %mul3A_581 : vector<16xf32>
            %mul3A_583 = arith.mulf %sub3A_579, %sub3A_579 : vector<16xf32>
            %add3A_584 = arith.addf %add3A_582, %mul3A_583 : vector<16xf32>
            %lt3A_585 = arith.constant 4.000000e-02 : f32
            %lt3A_586 = vector.broadcast %lt3A_585 : f32 to vector<16xf32>
            %lt3A_587 = arith.cmpf olt, %add3A_584, %lt3A_586 : vector<16xf32>
            %ge3A = vector.broadcast %reduce_sum3A_485 : i32 to vector<16xi32>
            %ge3A_588 = arith.cmpi sge, %add3A_570, %ge3A : vector<16xi32>
            %and3A_589 = arith.andi %lt3A_587, %ge3A_588 : vector<16xi1>
            %lt3A_590 = vector.broadcast %reduce_sum3A_502 : i32 to vector<16xi32>
            %lt3A_591 = arith.cmpi slt, %add3A_570, %lt3A_590 : vector<16xi32>
            %and3A_592 = arith.andi %and3A_589, %lt3A_591 : vector<16xi1>
            %convert_element_type3A_593 = arith.extui %and3A_592 : vector<16xi1> to vector<16xi32>
            %broadcast_in_dim3A_594 = arith.constant true
            %broadcast_in_dim3A_595 = vector.broadcast %broadcast_in_dim3A_594 : i1 to vector<16xi1>
            %masked_cumsum3A = tpu.scan <sum>, %convert_element_type3A_593 masked %broadcast_in_dim3A_595 : vector<16xi32>, vector<16xi1> -> vector<16xi32>
            %add3A_596 = arith.addi %while3A_566, %masked_cumsum3A : vector<16xi32>
            %sub3A_597 = arith.constant 1 : i32
            %sub3A_598 = vector.broadcast %sub3A_597 : i32 to vector<16xi32>
            %sub3A_599 = arith.subi %add3A_596, %sub3A_598 : vector<16xi32>
            tpu.vector_store_idx %arg13[%sub3A_599], %add3A_584 masked %and3A_592 : memref<4112xf32, #tpu.memory_space<vmem>>[vector<16xi32>], vector<16xf32>, vector<16xi1>
            %get3A_600 = arith.index_cast %mul3A_568 : i32 to index
            %get3A_601 = tpu.vector_load %arg25[%get3A_600] {strides = array<i32>} : memref<4096xi32, #tpu.memory_space<vmem>>, vector<16xi32>,
            tpu.vector_store_idx %arg14[%sub3A_599], %get3A_601 masked %and3A_592 : memref<4112xi32, #tpu.memory_space<vmem>>[vector<16xi32>], vector<16xi32>, vector<16xi1>
            %all_reduce_population_count3A = tpu.all_reduce %and3A_592 {dim = 0 : i64, kind = #tpu.reduction_kind<sum>} : vector<16xi1> -> vector<16xi32>
            %add3A_602 = arith.addi %while3A_566, %all_reduce_population_count3A : vector<16xi32>
            scf.yield %add3A_602 : vector<16xi32>
          }
          scf.yield %while3A_564 : vector<16xi32>
        }
        %eq3A_388 = arith.constant 0 : i32
        %eq3A_389 = vector.broadcast %eq3A_388 : i32 to vector<16xi32>
        %eq3A_390 = arith.cmpi eq, %iota3A, %eq3A_389 : vector<16xi32>
        %jit3A_391 = arith.constant 0 : i32
        %broadcast_in_dim3A_392 = vector.broadcast %jit3A_391 : i32 to vector<16xi32>
        %select_n3A_393 = arith.select %eq3A_390, %while3A_387, %broadcast_in_dim3A_392 : vector<16xi1>, vector<16xi32>
        %reduce_sum3A_394 = arith.constant true
        %reduce_sum3A_395 = vector.broadcast %reduce_sum3A_394 : i1 to vector<16xi1>
        %reduce_sum3A_396 = tpu.scan <sum>, %select_n3A_393 masked %reduce_sum3A_395 : vector<16xi32>, vector<16xi1> -> vector<16xi32>
        %reduce_sum3A_397 = vector.extract %reduce_sum3A_396[15] : i32 from vector<16xi32>
        %eq3A_398 = arith.constant 0 : i32
        %eq3A_399 = arith.cmpi eq, %reduce_sum3A_397, %eq3A_398 : i32
        %convert_element_type3A_400 = arith.extui %eq3A_399 : i1 to i32
        %cond3A_401 = arith.constant 0 : i32
        %cond3A_402 = arith.constant 0 : i32
        %cond3A_403 = arith.cmpi ne, %convert_element_type3A_400, %cond3A_402 : i32
        %cond3A_404 = scf.if %cond3A_403 -> (i32) {
          %scan3A_469 = arith.constant 0 : i32
          %scan3A_470 = arith.constant 256 : i32
          %scan3A_471 = arith.addi %scan3A_469, %scan3A_470 : i32
          %scan3A_472 = arith.constant 1 : i32
          %scan3A_473:2 = scf.for %scan3A_503 = %scan3A_469 to %scan3A_471 step %scan3A_472 iter_args(%scan3A_504 = %broadcast_in_dim3A_72, %scan3A_505 = %broadcast_in_dim3A_74) -> (vector<16xf32>, vector<16xi32>)  : i32 {
            %mul3A_506 = arith.constant 16 : i32
            %mul3A_507 = arith.muli %scan3A_503, %mul3A_506 : i32
            %get3A_508 = arith.index_cast %mul3A_507 : i32 to index
            %get3A_509 = tpu.vector_load %arg7[%get3A_508] {strides = array<i32>} : memref<4096xf32, #tpu.memory_space<vmem>>, vector<16xf32>,
            %sub3A_510 = arith.subf %get3A_509, %gather3A : vector<16xf32>
            %get3A_511 = arith.index_cast %mul3A_507 : i32 to index
            %get3A_512 = tpu.vector_load %arg8[%get3A_511] {strides = array<i32>} : memref<4096xf32, #tpu.memory_space<vmem>>, vector<16xf32>,
            %sub3A_513 = arith.subf %get3A_512, %gather3A_298 : vector<16xf32>
            %get3A_514 = arith.index_cast %mul3A_507 : i32 to index
            %get3A_515 = tpu.vector_load %arg9[%get3A_514] {strides = array<i32>} : memref<4096xf32, #tpu.memory_space<vmem>>, vector<16xf32>,
            %sub3A_516 = arith.subf %get3A_515, %gather3A_299 : vector<16xf32>
            %mul3A_517 = arith.mulf %sub3A_510, %sub3A_510 : vector<16xf32>
            %mul3A_518 = arith.mulf %sub3A_513, %sub3A_513 : vector<16xf32>
            %add3A_519 = arith.addf %mul3A_517, %mul3A_518 : vector<16xf32>
            %mul3A_520 = arith.mulf %sub3A_516, %sub3A_516 : vector<16xf32>
            %add3A_521 = arith.addf %add3A_519, %mul3A_520 : vector<16xf32>
            %lt3A_522 = arith.cmpf olt, %add3A_521, %scan3A_504 : vector<16xf32>
            %select_n3A_523 = arith.select %lt3A_522, %add3A_521, %scan3A_504 : vector<16xi1>, vector<16xf32>
            %add3A_524 = vector.broadcast %mul3A_507 : i32 to vector<16xi32>
            %add3A_525 = arith.addi %iota3A, %add3A_524 : vector<16xi32>
            %select_n3A_526 = arith.select %lt3A_522, %add3A_525, %scan3A_505 : vector<16xi1>, vector<16xi32>
            scf.yield %select_n3A_523, %select_n3A_526 : vector<16xf32>, vector<16xi32>
          }
          %scan3A_474 = arith.constant 256 : i32
          %reduce_min3A = arith.constant true
          %reduce_min3A_475 = vector.broadcast %reduce_min3A : i1 to vector<16xi1>
          %reduce_min3A_476 = tpu.scan <min>, %scan3A_473#0 masked %reduce_min3A_475 : vector<16xf32>, vector<16xi1> -> vector<16xf32>
          %reduce_min3A_477 = vector.extract %reduce_min3A_476[15] : f32 from vector<16xf32>
          %eq3A_478 = vector.broadcast %reduce_min3A_477 : f32 to vector<16xf32>
          %eq3A_479 = arith.cmpf oeq, %scan3A_473#0, %eq3A_478 : vector<16xf32>
          %jit3A_480 = arith.constant 1073741824 : i32
          %broadcast_in_dim3A_481 = vector.broadcast %jit3A_480 : i32 to vector<16xi32>
          %select_n3A_482 = arith.select %eq3A_479, %scan3A_473#1, %broadcast_in_dim3A_481 : vector<16xi1>, vector<16xi32>
          %reduce_min3A_483 = arith.constant true
          %reduce_min3A_484 = vector.broadcast %reduce_min3A_483 : i1 to vector<16xi1>
          %reduce_min3A_485 = arith.constant -2147483648 : i32
          %reduce_min3A_486 = vector.broadcast %reduce_min3A_485 : i32 to vector<16xi32>
          %reduce_min3A_487 = arith.xori %select_n3A_482, %reduce_min3A_486 : vector<16xi32>
          %reduce_min3A_488 = tpu.scan <min>, %reduce_min3A_487 masked %reduce_min3A_484 : vector<16xi32>, vector<16xi1> -> vector<16xi32>
          %reduce_min3A_489 = arith.xori %reduce_min3A_488, %reduce_min3A_486 : vector<16xi32>
          %reduce_min3A_490 = vector.extract %reduce_min3A_489[15] : i32 from vector<16xi32>
          %eq3A_491 = arith.constant 0 : i32
          %eq3A_492 = vector.broadcast %eq3A_491 : i32 to vector<16xi32>
          %eq3A_493 = arith.cmpi eq, %iota3A, %eq3A_492 : vector<16xi32>
          %jit3A_494 = arith.constant 0.000000e+00 : f32
          %broadcast_in_dim3A_495 = vector.broadcast %jit3A_494 : f32 to vector<16xf32>
          %select_n3A_496 = arith.select %eq3A_493, %broadcast_in_dim3A_495, %broadcast_in_dim3A_72 : vector<16xi1>, vector<16xf32>
          %swap3A_497 = arith.constant 0 : index
          %swap3A_498 = tpu.vector_load %arg13[%swap3A_497] {strides = array<i32>} : memref<4112xf32, #tpu.memory_space<vmem>>, vector<16xf32>,
          tpu.vector_store %arg13[%swap3A_497], %select_n3A_496 {strides = array<i32>} : memref<4112xf32, #tpu.memory_space<vmem>>, vector<16xf32>,
          %broadcast_in_dim3A_499 = vector.broadcast %reduce_min3A_490 : i32 to vector<16xi32>
          %swap3A_500 = arith.constant 0 : index
          %swap3A_501 = tpu.vector_load %arg14[%swap3A_500] {strides = array<i32>} : memref<4112xi32, #tpu.memory_space<vmem>>, vector<16xi32>,
          tpu.vector_store %arg14[%swap3A_500], %broadcast_in_dim3A_499 {strides = array<i32>} : memref<4112xi32, #tpu.memory_space<vmem>>, vector<16xi32>,
          %cond3A_502 = arith.constant 1 : i32
          scf.yield %cond3A_502 : i32
        } else {
          %swap3A_469 = arith.index_cast %reduce_sum3A_397 : i32 to index
          %swap3A_470 = tpu.vector_load %arg13[%swap3A_469] {strides = array<i32>} : memref<4112xf32, #tpu.memory_space<vmem>>, vector<16xf32>,
          tpu.vector_store %arg13[%swap3A_469], %broadcast_in_dim3A_72 {strides = array<i32>} : memref<4112xf32, #tpu.memory_space<vmem>>, vector<16xf32>,
          scf.yield %reduce_sum3A_397 : i32
        }
        %add3A_405 = arith.constant 16 : i32
        %add3A_406 = arith.addi %cond3A_404, %add3A_405 : i32
        %sub3A_407 = arith.constant 1 : i32
        %sub3A_408 = arith.subi %add3A_406, %sub3A_407 : i32
        %jit3A_409 = arith.constant 16 : i32
        %div3A_410 = arith.divsi %sub3A_408, %jit3A_409 : i32
        %sign3A_411 = arith.constant 0 : i32
        %sign3A_412 = arith.cmpi sgt, %sub3A_408, %sign3A_411 : i32
        %sign3A_413 = arith.extui %sign3A_412 : i1 to i32
        %sign3A_414 = arith.constant 0 : i32
        %sign3A_415 = arith.cmpi slt, %sub3A_408, %sign3A_414 : i32
        %sign3A_416 = arith.extui %sign3A_415 : i1 to i32
        %sign3A_417 = arith.subi %sign3A_413, %sign3A_416 : i32
        %sign3A_418 = arith.constant 0 : i32
        %sign3A_419 = arith.cmpi sgt, %jit3A_409, %sign3A_418 : i32
        %sign3A_420 = arith.extui %sign3A_419 : i1 to i32
        %sign3A_421 = arith.constant 0 : i32
        %sign3A_422 = arith.cmpi slt, %jit3A_409, %sign3A_421 : i32
        %sign3A_423 = arith.extui %sign3A_422 : i1 to i32
        %sign3A_424 = arith.subi %sign3A_420, %sign3A_423 : i32
        %ne3A_425 = arith.cmpi ne, %sign3A_417, %sign3A_424 : i32
        %rem3A_426 = arith.remsi %sub3A_408, %jit3A_409 : i32
        %ne3A_427 = arith.constant 0 : i32
        %ne3A_428 = arith.cmpi ne, %rem3A_426, %ne3A_427 : i32
        %and3A_429 = arith.andi %ne3A_425, %ne3A_428 : i1
        %sub3A_430 = arith.constant 1 : i32
        %sub3A_431 = arith.subi %div3A_410, %sub3A_430 : i32
        %select_n3A_432 = arith.select %and3A_429, %sub3A_431, %div3A_410 : i32
        %while3A_433 = arith.constant 0 : i32
        %while3A_434 = arith.subi %select_n3A_432, %while3A_433 : i32
        %while3A_435 = arith.addi %while3A_433, %while3A_434 : i32
        %while3A_436 = arith.constant 1 : i32
        %while3A_437 = arith.divsi %while3A_434, %while3A_436 : i32
        %while3A_438 = arith.muli %while3A_437, %while3A_436 : i32
        %while3A_439 = arith.addi %while3A_433, %while3A_438 : i32
        %while3A_440 = arith.constant 1 : i32
        %while3A_441:4 = scf.for %while3A_469 = %while3A_433 to %while3A_439 step %while3A_440 iter_args(%while3A_470 = %broadcast_in_dim3A_72, %while3A_471 = %broadcast_in_dim3A_74, %while3A_472 = %broadcast_in_dim3A_72, %while3A_473 = %broadcast_in_dim3A_74) -> (vector<16xf32>, vector<16xi32>, vector<16xf32>, vector<16xi32>)  : i32 {
          %mul3A_474 = arith.constant 16 : i32
          %mul3A_475 = arith.muli %while3A_469, %mul3A_474 : i32
          %get3A_476 = arith.index_cast %mul3A_475 : i32 to index
          %get3A_477 = tpu.vector_load %arg13[%get3A_476] {strides = array<i32>} : memref<4112xf32, #tpu.memory_space<vmem>>, vector<16xf32>,
          %mul3A_478 = arith.constant 16 : i32
          %mul3A_479 = arith.muli %while3A_469, %mul3A_478 : i32
          %get3A_480 = arith.index_cast %mul3A_479 : i32 to index
          %get3A_481 = tpu.vector_load %arg14[%get3A_480] {strides = array<i32>} : memref<4112xi32, #tpu.memory_space<vmem>>, vector<16xi32>,
          %masked_sort3A = arith.constant dense<true> : vector<16xi1>
          %masked_sort3A_482, %masked_sort3A_483, %masked_sort3A_484 = tpu.sort %get3A_477, %get3A_481 masked %masked_sort3A {descending = true} : (vector<16xf32>, vector<16xi32>, vector<16xi1>) -> (vector<16xi1>, vector<16xf32>, vector<16xi32>)
          %le3A = arith.cmpf ole, %while3A_472, %masked_sort3A_483 : vector<16xf32>
          %select_n3A_485 = arith.select %le3A, %while3A_472, %masked_sort3A_483 : vector<16xi1>, vector<16xf32>
          %select_n3A_486 = arith.select %le3A, %while3A_473, %masked_sort3A_484 : vector<16xi1>, vector<16xi32>
          %masked_sort3A_487 = arith.constant dense<true> : vector<16xi1>
          %masked_sort3A_488, %masked_sort3A_489, %masked_sort3A_490 = tpu.sort %select_n3A_485, %select_n3A_486 masked %masked_sort3A_487 {descending = true} : (vector<16xf32>, vector<16xi32>, vector<16xi1>) -> (vector<16xi1>, vector<16xf32>, vector<16xi32>)
          %le3A_491 = arith.cmpf ole, %while3A_470, %masked_sort3A_489 : vector<16xf32>
          %select_n3A_492 = arith.select %le3A_491, %while3A_470, %masked_sort3A_489 : vector<16xi1>, vector<16xf32>
          %select_n3A_493 = arith.select %le3A_491, %while3A_471, %masked_sort3A_490 : vector<16xi1>, vector<16xi32>
          %select_n3A_494 = arith.select %le3A_491, %masked_sort3A_489, %while3A_470 : vector<16xi1>, vector<16xf32>
          %select_n3A_495 = arith.select %le3A_491, %masked_sort3A_490, %while3A_471 : vector<16xi1>, vector<16xi32>
          %masked_sort3A_496 = arith.constant dense<true> : vector<16xi1>
          %masked_sort3A_497, %masked_sort3A_498, %masked_sort3A_499 = tpu.sort %select_n3A_492, %select_n3A_493 masked %masked_sort3A_496 : (vector<16xf32>, vector<16xi32>, vector<16xi1>) -> (vector<16xi1>, vector<16xf32>, vector<16xi32>)
          %masked_sort3A_500 = arith.constant dense<true> : vector<16xi1>
          %masked_sort3A_501, %masked_sort3A_502, %masked_sort3A_503 = tpu.sort %select_n3A_494, %select_n3A_495 masked %masked_sort3A_500 : (vector<16xf32>, vector<16xi32>, vector<16xi1>) -> (vector<16xi1>, vector<16xf32>, vector<16xi32>)
          scf.yield %masked_sort3A_498, %masked_sort3A_499, %masked_sort3A_502, %masked_sort3A_503 : vector<16xf32>, vector<16xi32>, vector<16xf32>, vector<16xi32>
        }
        %while3A_442 = arith.constant 1 : i32
        %while3A_443:4 = scf.for %while3A_469 = %while3A_439 to %while3A_435 step %while3A_442 iter_args(%while3A_470 = %while3A_441#0, %while3A_471 = %while3A_441#1, %while3A_472 = %while3A_441#2, %while3A_473 = %while3A_441#3) -> (vector<16xf32>, vector<16xi32>, vector<16xf32>, vector<16xi32>)  : i32 {
          %mul3A_474 = arith.constant 16 : i32
          %mul3A_475 = arith.muli %while3A_469, %mul3A_474 : i32
          %get3A_476 = arith.index_cast %mul3A_475 : i32 to index
          %get3A_477 = tpu.vector_load %arg13[%get3A_476] {strides = array<i32>} : memref<4112xf32, #tpu.memory_space<vmem>>, vector<16xf32>,
          %mul3A_478 = arith.constant 16 : i32
          %mul3A_479 = arith.muli %while3A_469, %mul3A_478 : i32
          %get3A_480 = arith.index_cast %mul3A_479 : i32 to index
          %get3A_481 = tpu.vector_load %arg14[%get3A_480] {strides = array<i32>} : memref<4112xi32, #tpu.memory_space<vmem>>, vector<16xi32>,
          %masked_sort3A = arith.constant dense<true> : vector<16xi1>
          %masked_sort3A_482, %masked_sort3A_483, %masked_sort3A_484 = tpu.sort %get3A_477, %get3A_481 masked %masked_sort3A {descending = true} : (vector<16xf32>, vector<16xi32>, vector<16xi1>) -> (vector<16xi1>, vector<16xf32>, vector<16xi32>)
          %le3A = arith.cmpf ole, %while3A_472, %masked_sort3A_483 : vector<16xf32>
          %select_n3A_485 = arith.select %le3A, %while3A_472, %masked_sort3A_483 : vector<16xi1>, vector<16xf32>
          %select_n3A_486 = arith.select %le3A, %while3A_473, %masked_sort3A_484 : vector<16xi1>, vector<16xi32>
          %masked_sort3A_487 = arith.constant dense<true> : vector<16xi1>
          %masked_sort3A_488, %masked_sort3A_489, %masked_sort3A_490 = tpu.sort %select_n3A_485, %select_n3A_486 masked %masked_sort3A_487 {descending = true} : (vector<16xf32>, vector<16xi32>, vector<16xi1>) -> (vector<16xi1>, vector<16xf32>, vector<16xi32>)
          %le3A_491 = arith.cmpf ole, %while3A_470, %masked_sort3A_489 : vector<16xf32>
          %select_n3A_492 = arith.select %le3A_491, %while3A_470, %masked_sort3A_489 : vector<16xi1>, vector<16xf32>
          %select_n3A_493 = arith.select %le3A_491, %while3A_471, %masked_sort3A_490 : vector<16xi1>, vector<16xi32>
          %select_n3A_494 = arith.select %le3A_491, %masked_sort3A_489, %while3A_470 : vector<16xi1>, vector<16xf32>
          %select_n3A_495 = arith.select %le3A_491, %masked_sort3A_490, %while3A_471 : vector<16xi1>, vector<16xi32>
          %masked_sort3A_496 = arith.constant dense<true> : vector<16xi1>
          %masked_sort3A_497, %masked_sort3A_498, %masked_sort3A_499 = tpu.sort %select_n3A_492, %select_n3A_493 masked %masked_sort3A_496 : (vector<16xf32>, vector<16xi32>, vector<16xi1>) -> (vector<16xi1>, vector<16xf32>, vector<16xi32>)
          %masked_sort3A_500 = arith.constant dense<true> : vector<16xi1>
          %masked_sort3A_501, %masked_sort3A_502, %masked_sort3A_503 = tpu.sort %select_n3A_494, %select_n3A_495 masked %masked_sort3A_500 : (vector<16xf32>, vector<16xi32>, vector<16xi1>) -> (vector<16xi1>, vector<16xf32>, vector<16xi32>)
          scf.yield %masked_sort3A_498, %masked_sort3A_499, %masked_sort3A_502, %masked_sort3A_503 : vector<16xf32>, vector<16xi32>, vector<16xf32>, vector<16xi32>
        }
        %eq3A_444 = arith.constant 0 : i32
        %eq3A_445 = vector.broadcast %eq3A_444 : i32 to vector<16xi32>
        %eq3A_446 = arith.cmpi eq, %iota3A, %eq3A_445 : vector<16xi32>
        %jit3A_447 = arith.constant 0 : i32
        %broadcast_in_dim3A_448 = vector.broadcast %jit3A_447 : i32 to vector<16xi32>
        %select_n3A_449 = arith.select %eq3A_446, %while3A_443#1, %broadcast_in_dim3A_448 : vector<16xi1>, vector<16xi32>
        %reduce_sum3A_450 = arith.constant true
        %reduce_sum3A_451 = vector.broadcast %reduce_sum3A_450 : i1 to vector<16xi1>
        %reduce_sum3A_452 = tpu.scan <sum>, %select_n3A_449 masked %reduce_sum3A_451 : vector<16xi32>, vector<16xi1> -> vector<16xi32>
        %reduce_sum3A_453 = vector.extract %reduce_sum3A_452[15] : i32 from vector<16xi32>
        %broadcast_in_dim3A_454 = vector.broadcast %reduce_sum3A_453 : i32 to vector<16xi32>
        %eq3A_455 = arith.constant 0x7F800000 : f32
        %eq3A_456 = vector.broadcast %eq3A_455 : f32 to vector<16xf32>
        %eq3A_457 = arith.cmpf oeq, %while3A_443#0, %eq3A_456 : vector<16xf32>
        %select_n3A_458 = arith.select %eq3A_457, %broadcast_in_dim3A_454, %while3A_443#1 : vector<16xi1>, vector<16xi32>
        %swap3A_459 = arith.index_cast %mul3A_296 : i32 to index
        %swap3A_460 = tpu.vector_load %arg16[%swap3A_459] {strides = array<i32>} : memref<128xi32, #tpu.memory_space<vmem>>, vector<16xi32>,
        tpu.vector_store %arg16[%swap3A_459], %select_n3A_458 {strides = array<i32>} : memref<128xi32, #tpu.memory_space<vmem>>, vector<16xi32>,
        %eq3A_461 = arith.constant 0x7F800000 : f32
        %eq3A_462 = vector.broadcast %eq3A_461 : f32 to vector<16xf32>
        %eq3A_463 = arith.cmpf oeq, %while3A_443#2, %eq3A_462 : vector<16xf32>
        %select_n3A_464 = arith.select %eq3A_463, %broadcast_in_dim3A_454, %while3A_443#3 : vector<16xi1>, vector<16xi32>
        %add3A_465 = arith.constant 16 : i32
        %add3A_466 = arith.addi %mul3A_296, %add3A_465 : i32
        %swap3A_467 = arith.index_cast %add3A_466 : i32 to index
        %swap3A_468 = tpu.vector_load %arg16[%swap3A_467] {strides = array<i32>} : memref<128xi32, #tpu.memory_space<vmem>>, vector<16xi32>,
        tpu.vector_store %arg16[%swap3A_467], %select_n3A_464 {strides = array<i32>} : memref<128xi32, #tpu.memory_space<vmem>>, vector<16xi32>,
      }
      %scan3A_229 = arith.constant 4 : i32
      %mul3A_230 = arith.constant 4096 : i32
      %mul3A_231 = arith.muli %select_n3A, %mul3A_230 : i32
      %broadcast_in_dim3A_232 = vector.broadcast %mul3A_231 : i32 to vector<16xi32>
      %get3A_233 = arith.constant 0 : index
      %get3A_234 = tpu.vector_load %arg16[%get3A_233] {strides = array<i32>} : memref<128xi32, #tpu.memory_space<vmem>>, vector<16xi32>,
      %add3A_235 = arith.addi %get3A_234, %broadcast_in_dim3A_232 : vector<16xi32>
      %swap3A_236 = arith.constant 0 : index
      %swap3A_237 = tpu.vector_load %arg18[%swap3A_236] {strides = array<i32>} : memref<128xi32, #tpu.memory_space<vmem>>, vector<16xi32>,
      tpu.vector_store %arg18[%swap3A_236], %add3A_235 {strides = array<i32>} : memref<128xi32, #tpu.memory_space<vmem>>, vector<16xi32>,
      %get3A_238 = arith.constant 16 : index
      %get3A_239 = tpu.vector_load %arg16[%get3A_238] {strides = array<i32>} : memref<128xi32, #tpu.memory_space<vmem>>, vector<16xi32>,
      %add3A_240 = arith.addi %get3A_239, %broadcast_in_dim3A_232 : vector<16xi32>
      %swap3A_241 = arith.constant 16 : index
      %swap3A_242 = tpu.vector_load %arg18[%swap3A_241] {strides = array<i32>} : memref<128xi32, #tpu.memory_space<vmem>>, vector<16xi32>,
      tpu.vector_store %arg18[%swap3A_241], %add3A_240 {strides = array<i32>} : memref<128xi32, #tpu.memory_space<vmem>>, vector<16xi32>,
      %get3A_243 = arith.constant 32 : index
      %get3A_244 = tpu.vector_load %arg16[%get3A_243] {strides = array<i32>} : memref<128xi32, #tpu.memory_space<vmem>>, vector<16xi32>,
      %add3A_245 = arith.addi %get3A_244, %broadcast_in_dim3A_232 : vector<16xi32>
      %swap3A_246 = arith.constant 32 : index
      %swap3A_247 = tpu.vector_load %arg18[%swap3A_246] {strides = array<i32>} : memref<128xi32, #tpu.memory_space<vmem>>, vector<16xi32>,
      tpu.vector_store %arg18[%swap3A_246], %add3A_245 {strides = array<i32>} : memref<128xi32, #tpu.memory_space<vmem>>, vector<16xi32>,
      %get3A_248 = arith.constant 48 : index
      %get3A_249 = tpu.vector_load %arg16[%get3A_248] {strides = array<i32>} : memref<128xi32, #tpu.memory_space<vmem>>, vector<16xi32>,
      %add3A_250 = arith.addi %get3A_249, %broadcast_in_dim3A_232 : vector<16xi32>
      %swap3A_251 = arith.constant 48 : index
      %swap3A_252 = tpu.vector_load %arg18[%swap3A_251] {strides = array<i32>} : memref<128xi32, #tpu.memory_space<vmem>>, vector<16xi32>,
      tpu.vector_store %arg18[%swap3A_251], %add3A_250 {strides = array<i32>} : memref<128xi32, #tpu.memory_space<vmem>>, vector<16xi32>,
      %get3A_253 = arith.constant 64 : index
      %get3A_254 = tpu.vector_load %arg16[%get3A_253] {strides = array<i32>} : memref<128xi32, #tpu.memory_space<vmem>>, vector<16xi32>,
      %add3A_255 = arith.addi %get3A_254, %broadcast_in_dim3A_232 : vector<16xi32>
      %swap3A_256 = arith.constant 64 : index
      %swap3A_257 = tpu.vector_load %arg18[%swap3A_256] {strides = array<i32>} : memref<128xi32, #tpu.memory_space<vmem>>, vector<16xi32>,
      tpu.vector_store %arg18[%swap3A_256], %add3A_255 {strides = array<i32>} : memref<128xi32, #tpu.memory_space<vmem>>, vector<16xi32>,
      %get3A_258 = arith.constant 80 : index
      %get3A_259 = tpu.vector_load %arg16[%get3A_258] {strides = array<i32>} : memref<128xi32, #tpu.memory_space<vmem>>, vector<16xi32>,
      %add3A_260 = arith.addi %get3A_259, %broadcast_in_dim3A_232 : vector<16xi32>
      %swap3A_261 = arith.constant 80 : index
      %swap3A_262 = tpu.vector_load %arg18[%swap3A_261] {strides = array<i32>} : memref<128xi32, #tpu.memory_space<vmem>>, vector<16xi32>,
      tpu.vector_store %arg18[%swap3A_261], %add3A_260 {strides = array<i32>} : memref<128xi32, #tpu.memory_space<vmem>>, vector<16xi32>,
      %get3A_263 = arith.constant 96 : index
      %get3A_264 = tpu.vector_load %arg16[%get3A_263] {strides = array<i32>} : memref<128xi32, #tpu.memory_space<vmem>>, vector<16xi32>,
      %add3A_265 = arith.addi %get3A_264, %broadcast_in_dim3A_232 : vector<16xi32>
      %swap3A_266 = arith.constant 96 : index
      %swap3A_267 = tpu.vector_load %arg18[%swap3A_266] {strides = array<i32>} : memref<128xi32, #tpu.memory_space<vmem>>, vector<16xi32>,
      tpu.vector_store %arg18[%swap3A_266], %add3A_265 {strides = array<i32>} : memref<128xi32, #tpu.memory_space<vmem>>, vector<16xi32>,
      %get3A_268 = arith.constant 112 : index
      %get3A_269 = tpu.vector_load %arg16[%get3A_268] {strides = array<i32>} : memref<128xi32, #tpu.memory_space<vmem>>, vector<16xi32>,
      %add3A_270 = arith.addi %get3A_269, %broadcast_in_dim3A_232 : vector<16xi32>
      %swap3A_271 = arith.constant 112 : index
      %swap3A_272 = tpu.vector_load %arg18[%swap3A_271] {strides = array<i32>} : memref<128xi32, #tpu.memory_space<vmem>>, vector<16xi32>,
      tpu.vector_store %arg18[%swap3A_271], %add3A_270 {strides = array<i32>} : memref<128xi32, #tpu.memory_space<vmem>>, vector<16xi32>,
      %mul3A_273 = arith.constant 1024 : i32
      %mul3A_274 = arith.muli %select_n3A, %mul3A_273 : i32
      %add3A_275 = arith.addi %mul3A_274, %mul3A_32 : i32
      %mul3A_276 = arith.constant 4 : i32
      %mul3A_277 = arith.muli %add3A_218, %mul3A_276 : i32
      %add3A_278 = arith.addi %add3A_275, %mul3A_277 : i32
      %mul3A_279 = arith.constant 32 : i32
      %mul3A_280 = arith.muli %add3A_278, %mul3A_279 : i32
      %dma_start3A_281 = tpu.memref_slice %arg6[%mul3A_280] : memref<262144xi32, #tpu.memory_space<hbm>> -> memref<128xi32, #tpu.memory_space<hbm>>
      %dma_start3A_282 = tpu.memref_slice %arg6[%mul3A_280] : memref<262144xi32, #tpu.memory_space<hbm>> -> memref<128xi32, #tpu.memory_space<hbm>>
      tpu.enqueue_dma source(%arg16 : memref<128xi32, #tpu.memory_space<vmem>>) target(%dma_start3A_282 : memref<128xi32, #tpu.memory_space<hbm>>) target_semaphore(%arg33 : memref<!tpu.dma_semaphore, #tpu.memory_space<semaphore_mem>>)
      %gt3A_283 = arith.constant 0 : i32
      %gt3A_284 = arith.cmpi sgt, %scan3A_143, %gt3A_283 : i32
      %convert_element_type3A_285 = arith.extui %gt3A_284 : i1 to i32
      %cond3A_286 = arith.constant 0 : i32
      %cond3A_287 = arith.cmpi ne, %convert_element_type3A_285, %cond3A_286 : i32
      scf.if %cond3A_287 {
        %dma_wait3A_291 = arith.constant 0 : i32
        %dma_wait3A_292 = arith.constant 0 : i32
        %dma_wait3A_293 = tpu.memref_slice %arg5[%dma_wait3A_291, %dma_wait3A_292] : memref<262144x80xf32, #tpu.memory_space<hbm>> -> memref<128x80xf32, #tpu.memory_space<hbm>>
        %dma_wait3A_294 = arith.constant 0 : i32
        %dma_wait3A_295 = arith.constant 0 : i32
        %dma_wait3A_296 = tpu.memref_slice %arg5[%dma_wait3A_294, %dma_wait3A_295] : memref<262144x80xf32, #tpu.memory_space<hbm>> -> memref<128x80xf32, #tpu.memory_space<hbm>>
        tpu.wait_dma2 semaphore(%arg31 : memref<!tpu.dma_semaphore, #tpu.memory_space<semaphore_mem>>) src(%arg20 : memref<128x80xf32, #tpu.memory_space<vmem>>) dst(%dma_wait3A_296 : memref<128x80xf32, #tpu.memory_space<hbm>>)
      } else {
      }
      %dma_start3A_288 = arith.constant 0 : i32
      %dma_start3A_289 = arith.constant 0 : i32
      %dma_start3A_290 = tpu.memref_slice %arg4[%dma_start3A_288, %dma_start3A_289] : memref<32768x80xf32, #tpu.memory_space<hbm>> -> memref<32768x80xf32, #tpu.memory_space<hbm>>
      tpu.enqueue_indirect_dma source(%dma_start3A_290 : memref<32768x80xf32, #tpu.memory_space<hbm>>) target(%arg20 : memref<128x80xf32, #tpu.memory_space<vmem>>) offsets(%arg18 : memref<128xi32, #tpu.memory_space<vmem>>) semaphore(%arg29 : memref<!tpu.dma_semaphore, #tpu.memory_space<semaphore_mem>>)
    }
    %scan3A_115 = arith.constant 32 : i32
    %dma_wait3A = arith.constant 0 : i32
    %dma_wait3A_116 = arith.constant 0 : i32
    %dma_wait3A_117 = tpu.memref_slice %arg4[%dma_wait3A, %dma_wait3A_116] : memref<32768x80xf32, #tpu.memory_space<hbm>> -> memref<32768x80xf32, #tpu.memory_space<hbm>>
    tpu.wait_indirect_dma semaphore(%arg28 : memref<!tpu.dma_semaphore, #tpu.memory_space<semaphore_mem>>) src(%dma_wait3A_117 : memref<32768x80xf32, #tpu.memory_space<hbm>>) dst(%arg19 : memref<128x80xf32, #tpu.memory_space<vmem>>)
    %mul3A_118 = arith.constant 1024 : i32
    %mul3A_119 = arith.muli %select_n3A, %mul3A_118 : i32
    %add3A_120 = arith.addi %mul3A_119, %mul3A_32 : i32
    %add3A_121 = arith.constant 248 : i32
    %add3A_122 = arith.addi %add3A_120, %add3A_121 : i32
    %mul3A_123 = arith.constant 32 : i32
    %mul3A_124 = arith.muli %add3A_122, %mul3A_123 : i32
    "tpu.region"() ({
      %run_scoped3A = tpu.sem_alloc : memref<!tpu.dma_semaphore, #tpu.memory_space<semaphore_mem>>
      %dma_start3A = arith.constant 0 : i32
      %dma_start3A_143 = tpu.memref_slice %arg5[%mul3A_124, %dma_start3A] : memref<262144x80xf32, #tpu.memory_space<hbm>> -> memref<128x80xf32, #tpu.memory_space<hbm>>
      %dma_start3A_144 = arith.constant 0 : i32
      %dma_start3A_145 = tpu.memref_slice %arg5[%mul3A_124, %dma_start3A_144] : memref<262144x80xf32, #tpu.memory_space<hbm>> -> memref<128x80xf32, #tpu.memory_space<hbm>>
      tpu.enqueue_dma source(%arg19 : memref<128x80xf32, #tpu.memory_space<vmem>>) target(%dma_start3A_145 : memref<128x80xf32, #tpu.memory_space<hbm>>) target_semaphore(%run_scoped3A : memref<!tpu.dma_semaphore, #tpu.memory_space<semaphore_mem>>)
      %dma_wait3A_146 = arith.constant 0 : i32
      %dma_wait3A_147 = tpu.memref_slice %arg5[%mul3A_124, %dma_wait3A_146] : memref<262144x80xf32, #tpu.memory_space<hbm>> -> memref<128x80xf32, #tpu.memory_space<hbm>>
      %dma_wait3A_148 = arith.constant 0 : i32
      %dma_wait3A_149 = tpu.memref_slice %arg5[%mul3A_124, %dma_wait3A_148] : memref<262144x80xf32, #tpu.memory_space<hbm>> -> memref<128x80xf32, #tpu.memory_space<hbm>>
      tpu.wait_dma2 semaphore(%run_scoped3A : memref<!tpu.dma_semaphore, #tpu.memory_space<semaphore_mem>>) src(%arg19 : memref<128x80xf32, #tpu.memory_space<vmem>>) dst(%dma_wait3A_149 : memref<128x80xf32, #tpu.memory_space<hbm>>)
      tpu.yield
    }) : () -> ()
    %dma_wait3A_125 = arith.constant 0 : i32
    %dma_wait3A_126 = tpu.memref_slice %arg6[%dma_wait3A_125] : memref<262144xi32, #tpu.memory_space<hbm>> -> memref<128xi32, #tpu.memory_space<hbm>>
    %dma_wait3A_127 = arith.constant 0 : i32
    %dma_wait3A_128 = tpu.memref_slice %arg6[%dma_wait3A_127] : memref<262144xi32, #tpu.memory_space<hbm>> -> memref<128xi32, #tpu.memory_space<hbm>>
    tpu.wait_dma2 semaphore(%arg32 : memref<!tpu.dma_semaphore, #tpu.memory_space<semaphore_mem>>) src(%arg15 : memref<128xi32, #tpu.memory_space<vmem>>) dst(%dma_wait3A_128 : memref<128xi32, #tpu.memory_space<hbm>>)
    %dma_wait3A_129 = arith.constant 0 : i32
    %dma_wait3A_130 = arith.constant 0 : i32
    %dma_wait3A_131 = tpu.memref_slice %arg4[%dma_wait3A_129, %dma_wait3A_130] : memref<32768x80xf32, #tpu.memory_space<hbm>> -> memref<32768x80xf32, #tpu.memory_space<hbm>>
    tpu.wait_indirect_dma semaphore(%arg29 : memref<!tpu.dma_semaphore, #tpu.memory_space<semaphore_mem>>) src(%dma_wait3A_131 : memref<32768x80xf32, #tpu.memory_space<hbm>>) dst(%arg20 : memref<128x80xf32, #tpu.memory_space<vmem>>)
    %mul3A_132 = arith.constant 1024 : i32
    %mul3A_133 = arith.muli %select_n3A, %mul3A_132 : i32
    %add3A_134 = arith.addi %mul3A_133, %mul3A_32 : i32
    %add3A_135 = arith.constant 252 : i32
    %add3A_136 = arith.addi %add3A_134, %add3A_135 : i32
    %mul3A_137 = arith.constant 32 : i32
    %mul3A_138 = arith.muli %add3A_136, %mul3A_137 : i32
    "tpu.region"() ({
      %run_scoped3A = tpu.sem_alloc : memref<!tpu.dma_semaphore, #tpu.memory_space<semaphore_mem>>
      %dma_start3A = arith.constant 0 : i32
      %dma_start3A_143 = tpu.memref_slice %arg5[%mul3A_138, %dma_start3A] : memref<262144x80xf32, #tpu.memory_space<hbm>> -> memref<128x80xf32, #tpu.memory_space<hbm>>
      %dma_start3A_144 = arith.constant 0 : i32
      %dma_start3A_145 = tpu.memref_slice %arg5[%mul3A_138, %dma_start3A_144] : memref<262144x80xf32, #tpu.memory_space<hbm>> -> memref<128x80xf32, #tpu.memory_space<hbm>>
      tpu.enqueue_dma source(%arg20 : memref<128x80xf32, #tpu.memory_space<vmem>>) target(%dma_start3A_145 : memref<128x80xf32, #tpu.memory_space<hbm>>) target_semaphore(%run_scoped3A : memref<!tpu.dma_semaphore, #tpu.memory_space<semaphore_mem>>)
      %dma_wait3A_146 = arith.constant 0 : i32
      %dma_wait3A_147 = tpu.memref_slice %arg5[%mul3A_138, %dma_wait3A_146] : memref<262144x80xf32, #tpu.memory_space<hbm>> -> memref<128x80xf32, #tpu.memory_space<hbm>>
      %dma_wait3A_148 = arith.constant 0 : i32
      %dma_wait3A_149 = tpu.memref_slice %arg5[%mul3A_138, %dma_wait3A_148] : memref<262144x80xf32, #tpu.memory_space<hbm>> -> memref<128x80xf32, #tpu.memory_space<hbm>>
      tpu.wait_dma2 semaphore(%run_scoped3A : memref<!tpu.dma_semaphore, #tpu.memory_space<semaphore_mem>>) src(%arg20 : memref<128x80xf32, #tpu.memory_space<vmem>>) dst(%dma_wait3A_149 : memref<128x80xf32, #tpu.memory_space<hbm>>)
      tpu.yield
    }) : () -> ()
    %dma_wait3A_139 = arith.constant 0 : i32
    %dma_wait3A_140 = tpu.memref_slice %arg6[%dma_wait3A_139] : memref<262144xi32, #tpu.memory_space<hbm>> -> memref<128xi32, #tpu.memory_space<hbm>>
    %dma_wait3A_141 = arith.constant 0 : i32
    %dma_wait3A_142 = tpu.memref_slice %arg6[%dma_wait3A_141] : memref<262144xi32, #tpu.memory_space<hbm>> -> memref<128xi32, #tpu.memory_space<hbm>>
    tpu.wait_dma2 semaphore(%arg33 : memref<!tpu.dma_semaphore, #tpu.memory_space<semaphore_mem>>) src(%arg16 : memref<128xi32, #tpu.memory_space<vmem>>) dst(%dma_wait3A_142 : memref<128xi32, #tpu.memory_space<hbm>>)
    return
  }
}

</mosaic_0001>

<sc_bundles>
// kernel: kernel.3.cloned.1.call-start
scs
__scs_entry_jumppad:
0x0: {  	(pc) =	sbr.rel $0x88, $3  }
0x1: {  	(tag) =	ssettag $0x0;
	lr =	simm.s32 $0x1  }
0x2: {  	[smem:$0x3F9E] =	sst lr;
	_ =	strace $0xD0000000  }
0x3: {  	_ = 	snop  }
0x4: {  	_ = 	snop  }
0x5: {  	_ = 	snop  }
0x6: {  	_ = 	snop  }
0x7: {  	_ = 	snop  }
__scs_overlays_trampoline_lowered:
0x8: {  	[smem:$0x3FAD] =	sst s0  }
0x9: {  	[smem:$0x3FAE] =	sst s1  }
0xa: {  	[smem:$0x3FAF] =	sst s2  }
0xb: {  	[smem:$0x3FB0] =	sst s3  }
0xc: {  	[smem:$0x3FB1] =	sst s4  }
0xd: {  	[smem:$0x3FB2] =	sst s5  }
0xe: {  	[smem:$0x3FB3] =	sst s6  }
0xf: {  	[smem:$0x3FB4] =	sst s7  }
0x10: {  	[smem:$0x3FB5] =	sst s8  }
0x11: {  	[smem:$0x3FB6] =	sst s9;
	s0 =	simm.s32 @!p0 $0x0  }
0x12: {  	s1 =	sld [smem:$0x3F9C];
	s0 =	simm.s32 @p0 $0x1  }
0x13: {  	[smem:$0x3FB7] =	sst s0;
	s0 =	simm.s32 @!p1 $0x0  }
0x14: {  	s2 =	sld [smem:$0x3F9B];
	s0 =	simm.s32 @p1 $0x1  }
0x15: {  	[smem:$0x3FB8] =	sst s0;
	s0 =	simm.s32 @!p2 $0x0  }
0x16: {  	s3 =	sld [smem:$0x3FDB];
	s0 =	simm.s32 @p2 $0x1  }
0x17: {  	s4 =	simm.s32 $0x1BF5;
	[smem:$0x3FBA] =	sst s0  }
0x18: {  	s0 =	sld [smem:$0x3F9D];
	_ =	swait.ge [sflag:s4], $0x0  }
0x19: {  	s7 =	sld [smem:$0x3F9E]  }
0x1a: {  	s8 =	sadd.s32 $0xFFFFE003, lr  }
0x1b: {  	s9 =	sadd.s32 $0xFFFFFEF7, lr;
	s5 =	simm.s32 $0xFFFFFFFF;
	p2 =	slt.u32 s8, $0xFFFFF086  }
0x1c: {  	p1 =	slt.u32 s9, $0xF7A;
	s5 =	simm.s32 @!p2 $0x0  }
0x1d: {  	s5 =	simm.s32 @p1 $0x1;
	p0 =	seq.s32 s7, s2  }
0x1e: {  	s7 =	smul.u32 @!p0 $0xF7A, s2;
	p2 =	seq.s32 @!p0 s5, $0x0  }
0x1f: {  	s9 =	smul.u32 $0xF7A, s1;
	s8 =	simm.s32 @!p0 $0x1BF5;
	p2 =	por !p2, p0  }
0x20: {  	[sflag:s8] =	ssyncset.s32 @!p0 $0xFFFFF086;
	s6 =	sadd.s32 @!p0 s3, s7;
	s7 =	simm.s32 @!p0 $0x108  }
0x21: {  	s3 =	sadd.s32 s3, s9;
	s6 =	sadd.s32 @!p0 $0x88, s6;
	s7 =	simm.s32 @p2 $0x1082  }
0x22: {  	[simem:s7], [sflag:s8] =	dma.local @!p0 [hbm:s6], $0xF7A  }
0x23: {  	s9 =	sor.u32 $0xD0000000, s2;
	s6 =	simm.s32 $0x108;
	_ =	swait.ge @!p0 [sflag:s8], $0x0  }
0x24: {  	s3 =	sadd.s32 $0x88, s3;
	s6 =	simm.s32 @!p1 $0x1082;
	[sflag:s4] =	ssyncset.s32 $0xFFFFF086  }
0x25: {  	[simem:s6], [sflag:s4] =	dma.local [hbm:s3], $0xF7A  }
0x26: {  	[smem:$0x3F9E] =	sst s1;
	(tag) =	ssettag s2;
	_ =	strace s9  }
0x27: {  	s1 =	sld [smem:$0x3FAE]  }
0x28: {  	s2 =	sld [smem:$0x3FAF]  }
0x29: {  	s4 =	sld [smem:$0x3FB1]  }
0x2a: {  	p0 =	seq.s32 s5, $0x0;
	s5 =	sld [smem:$0x3FB2]  }
0x2b: {  	s6 =	sld [smem:$0x3FB3]  }
0x2c: {  	s7 =	sld [smem:$0x3FB4]  }
0x2d: {  	s3 =	simm.s32 $0x108;
	s8 =	sld [smem:$0x3FB5]  }
0x2e: {  	s3 =	simm.s32 @!p0 $0x1082;
	s9 =	sld [smem:$0x3FB6]  }
0x2f: {  	lr =	sadd.s32 s0, s3;
	s0 =	sld [smem:$0x3FAD]  }
0x30: {  	s3 =	sld [smem:$0x3FB0]  }
0x31: {  	[smem:$0x3FB9] =	sst s10  }
0x32: {  	s10 =	sld [smem:$0x3FB7];
	_ =	sdelay $0x3  }
0x33: {  	p0 =	seq.s32 s10, $0x1;
	s10 =	sld [smem:$0x3FB9];
	_ =	sdelay $0x3  }
0x34: {  	[smem:$0x3FB9] =	sst s10  }
0x35: {  	s10 =	sld [smem:$0x3FB8];
	_ =	sdelay $0x3  }
0x36: {  	p1 =	seq.s32 s10, $0x1;
	s10 =	sld [smem:$0x3FB9];
	_ =	sdelay $0x3  }
0x37: {  	[smem:$0x3FB9] =	sst s10  }
0x38: {  	s10 =	sld [smem:$0x3FBA]  }
0x39: {  	_ = 	snop;
	(pc) =	sbr.ind lr, $3  }
0x3a: {  	_ = 	snop  }
0x3b: {  	_ = 	snop  }
0x3c: {  	p2 =	seq.s32 s10, $0x1;
	s10 =	sld [smem:$0x3FB9]  }
0x3d: {  	_ =	shalt  }
0x3e: {  	_ =	shalt  }
0x3f: {  	_ =	shalt  }
0x40: {  	_ =	shalt  }
0x41: {  	_ =	shalt  }
0x42: {  	_ =	shalt  }
0x43: {  	_ =	shalt  }
0x44: {  	_ =	shalt  }
0x45: {  	_ =	shalt  }
0x46: {  	_ =	shalt  }
0x47: {  	_ =	shalt  }
0x48: {  	_ =	shalt  }
0x49: {  	_ =	shalt  }
0x4a: {  	_ =	shalt  }
0x4b: {  	_ =	shalt  }
0x4c: {  	_ =	shalt  }
0x4d: {  	_ =	shalt  }
0x4e: {  	_ =	shalt  }
0x4f: {  	_ =	shalt  }
0x50: {  	_ =	shalt  }
0x51: {  	_ =	shalt  }
0x52: {  	_ =	shalt  }
0x53: {  	_ =	shalt  }
0x54: {  	_ =	shalt  }
0x55: {  	_ =	shalt  }
0x56: {  	_ =	shalt  }
0x57: {  	_ =	shalt  }
0x58: {  	_ =	shalt  }
0x59: {  	_ =	shalt  }
0x5a: {  	_ =	shalt  }
0x5b: {  	_ =	shalt  }
0x5c: {  	_ =	shalt  }
0x5d: {  	_ =	shalt  }
0x5e: {  	_ =	shalt  }
0x5f: {  	_ =	shalt  }
0x60: {  	_ =	shalt  }
0x61: {  	_ =	shalt  }
0x62: {  	_ =	shalt  }
0x63: {  	_ =	shalt  }
0x64: {  	_ =	shalt  }
0x65: {  	_ =	shalt  }
0x66: {  	_ =	shalt  }
0x67: {  	_ =	shalt  }
0x68: {  	_ =	shalt  }
0x69: {  	_ =	shalt  }
0x6a: {  	_ =	shalt  }
0x6b: {  	_ =	shalt  }
0x6c: {  	_ =	shalt  }
0x6d: {  	_ =	shalt  }
0x6e: {  	_ =	shalt  }
0x6f: {  	_ =	shalt  }
0x70: {  	_ =	shalt  }
0x71: {  	_ =	shalt  }
0x72: {  	_ =	shalt  }
0x73: {  	_ =	shalt  }
0x74: {  	_ =	shalt  }
0x75: {  	_ =	shalt  }
0x76: {  	_ =	shalt  }
0x77: {  	_ =	shalt  }
0x78: {  	_ =	shalt  }
0x79: {  	_ =	shalt  }
0x7a: {  	_ =	shalt  }
0x7b: {  	_ =	shalt  }
0x7c: {  	_ =	shalt  }
0x7d: {  	_ =	shalt  }
0x7e: {  	_ =	shalt  }
0x7f: {  	_ =	shalt  }
0x80: {  	_ =	shalt  }
0x81: {  	_ =	shalt  }
0x82: {  	_ =	shalt  }
0x83: {  	_ =	shalt  }
0x84: {  	_ =	shalt  }
0x85: {  	_ =	shalt  }
0x86: {  	_ =	shalt  }
0x87: {  	_ =	shalt  }
.Lfunc_end0:
.L_simem_size_0:
called_computation.1_lowered:
.L_overlay_start_0:
0x88: {  	s2 =	sld [smem:$0x3FD9]  }
0x89: {  	s3 =	sld [smem:$0x3FFE];
	_ =	sdelay $0x1  }
0x8a: {  	s1 =	srdreg.scid  }
0x8b: {  	s0 =	sand.u32 $0x1, s1  }
0x8c: {  	s14 =	sshll.u32 s0, $0xA;
	s2 =	sadd.s32 s3, s2  }
0x8d: {  	s2 =	sadd.s32 s2, s14  }
0x8e: {  	[smem:$0x3FC5] =	sst s2  }
0x8f: {  	_ = 	snop  }
0x90: {  	s2 =	sld [smem:$0x3FD0];
	_ =	sdelay $0x2  }
0x91: {  	s15 =	simm.s32 $0xA;
	s4 =	simm.s32 $0x10  }
0x92: {  	[smem:s4], [sflag:s15] =	dma.local [hbm:s2], $0x1  }
0x93: {  	_ =	swait.eq [sflag:s15], $0x1  }
0x94: {  	s16 =	sld [smem:$0x10];
	[sflag:s15] =	ssyncset.done $0x0  }
0x95: {  	s17 =	sld [smem:$0x11];
	[sflag:s15] =	ssyncadd.s32 $0xFFFFFFFF  }
0x96: {  	s18 =	sld [smem:$0x12];
	(tm) =	ssettm $0x1  }
0x97: {  	s5 =	sld [smem:$0x3FFB];
	_ =	sdelay $0x3  }
0x98: {  	_ =	strace s5  }
0x99: {  	s5 =	sld [smem:$0x3FFC];
	_ =	sdelay $0x3  }
0x9a: {  	_ =	strace s5  }
0x9b: {  	s5 =	sld [smem:$0x3FFD];
	_ =	sdelay $0x3  }
0x9c: {  	_ =	strace s5  }
0x9d: {  	_ =	strace $0x8FFFFFFF  }
0x9e: {  	s19 =	sld [smem:$0x3FDB];
	_ =	sdelay $0x1  }
0x9f: {  	s6 =	simm.s32 $_scs_section_size  }
0xa0: {  	s7 =	simm.s32 $_size__tile_overlayer_lowered;
	s8 =	simm.s32 $_tile_overlayer_lowered  }
0xa1: {  	s22 =	simm.s32 $0x1BFF;
	s21 =	sshll.u32 s8, $0x1;
	s5 =	sadd.s32 s6, s19  }
0xa2: {  	s9 =	simm.s32 $0x0;
	s20 =	sshll.u32 s7, $0x1;
	s7 =	sadd.s32 s21, s5  }
0xa3: {  	[timem:s9], [sflag:s22] =	dma.local [hbm:s7], s20  }
0xa4: {  	_ =	swait.ge [sflag:s22], s20  }
0xa5: {  	s6 =	ssub.s32 $0x0, s20;
	[sflag:s22] =	ssyncset.done $0x0  }
0xa6: {  	[sflag:s22] =	ssyncadd.s32 s6;
	_ =	sdelay $0x1  }
0xa7: {  	s23 =	simm.s32 $0x1B8B  }
0xa8: {  	_ =	swait.ge [sflag:s23], $0x1  }
0xa9: {  	[sflag:s23] =	ssyncset.done $0x0  }
0xaa: {  	s25 =	simm.s32 $0x1B8E;
	s24 =	sld [smem:$0x3FFE];
	[sflag:s23] =	ssyncadd.s32 $0xFFFFFFFF  }
0xab: {  	s26 =	simm.s32 $execute0_lowered;
	[smem:$0x3FD2] =	sst s25  }
0xac: {  	s7 =	sshll.u32 s26, $0x1;
	_ =	strace $0x80000046;
	[dreg:$0x1] =	wrdreg $0xFFFFFFFF  }
0xad: {  	s28 =	simm.s32 $_size_execute0_lowered;
	s5 =	sadd.s32 s5, s7;
	[dreg:$0x0] =	wrdreg $0x0  }
0xae: {  	s7 =	sshll.u32 s28, $0x1;
	[dreg:$0x2] =	wrdreg s5  }
0xaf: {  	[dreg:$0x3] =	wrdreg s7  }
0xb0: {  	[dreg:$0x4] =	wrdreg $0xC0  }
0xb1: {  	_ =	task [dreg:s9], $0x5FFFF  }
0xb2: {  	[dreg:$0x1] =	wrdreg $0xFFFFFFFF  }
0xb3: {  	[dreg:$0x0] =	wrdreg $0x60  }
0xb4: {  	[dreg:$0x2] =	wrdreg s24  }
0xb5: {  	[dreg:$0x3] =	wrdreg s18  }
0xb6: {  	[dreg:$0x4] =	wrdreg s16  }
0xb7: {  	[dreg:$0x5] =	wrdreg s17  }
0xb8: {  	[dreg:$0x6] =	wrdreg $0x9  }
0xb9: {  	_ =	task.clear_ibuf [dreg:s9], $0x7FFFF;
	_ =	strace $0x90000046  }
0xba: {  	s29 =	simm.s32 $0x9;
	_ =	strace $0x80000048  }
0xbb: {  	_ =	swait.ge [sflag:s29], $0x1  }
0xbc: {  	[sflag:s29] =	ssyncadd.s32 $0xFFFFFFFF  }
0xbd: {  	_ =	strace $0x90000048  }
0xbe: {  	_ =	sfence  }
0xbf: {  	s30 =	sld [smem:$0x0];
	_ =	sdelay $0x2  }
0xc0: {  	s31 =	sshll.u32 s1, $0xD;
	s1 =	sshrl.u32 s1, $0x2  }
0xc1: {  	s3 =	sand.u32 $0x4000, s31;
	s1 =	sadd.s32 s1, s30  }
0xc2: {  	s0 =	sor.u32 s3, s0;
	s1 =	sshll.u32 s1, $0x11  }
0xc3: {  	s0 =	sor.u32 s1, s0  }
0xc4: {  	s0 =	sadd.s32 $0x8F2B, s0  }
0xc5: {  	[sflag:s0] =	ssyncadd.remote.s32 $0x1  }
0xc6: {  	_ =	sfence.sel $0xFFFF  }
0xc7: {  	[dreg:$0x0] =	wrdreg $0xFFFFFFFF;
	(pc) =	sbr.abs _section_cstart, $3  }
0xc8: {  	[dreg:$0x1] =	wrdreg $0xFFFFFFFF  }
0xc9: {  	_ =	task.clear_ibuf [dreg:s9], $0x2FFFF;
	_ =	strace $0x9FFFFFFF  }
0xca: {  	(tm) =	ssettm $0x7FFFFFFF  }
0xcb: {  	_ =	shalt  }
tec
execute0_lowered:
.L_overlay_start_1:
0x0: {  	(tag) =	ssettag $0x1  }
0x1: {  	v0 =	vimm.s32 $0xEDCBA987;
	v1 =	vimm.s32 $0x65432100;
	v6 =	vimm.s32 $0x54321000  }
0x2: {  	vm3 =	vcmask $0x3F04;
	v7 =	vimm.s32 $0xCBA98765;
	v8 =	vimm.s32 $0x43210000  }
0x3: {  	v9 =	vimm.s32 $0xBA987654;
	v10 =	vimm.s32 $0x32100000;
	vm4 =	vcmask $0x3F08  }
0x4: {  	v11 =	vimm.s32 $0xE4000;
	vm5 =	vcmask $0x3F0C;
	v12 =	vimm.s32 $0x390000  }
0x5: {  	vm6 =	vcmask $0x3F10;
	vm7 =	vcmask $0x3F24;
	v2 =	vunpack.c.l.s4.s8 v0  }
0x6: {  	vm8 =	vcmask $0x3F28;
	vm9 =	vcmask $0x3F14;
	v3 =	vunpack.c.l.s4.s8 v1  }
0x7: {  	vm10 =	vcmask $0x3F18;
	vm0 =	vcmask $0x2B00;
	v4 =	vunpack.c.0.s8.s32 v2  }
0x8: {  	v14 =	vimm.s32 $0x7060504;
	vm11 =	vcmask $0x3F1C;
	v5 =	vunpack.c.0.s8.s32 v3  }
0x9: {  	vm12 =	vcmask $0x3F30;
	v15 =	vimm.s32 $0x39000000;
	v4 =	vand.u32 $0xF, v4  }
0xa: {  	v4 =	vcombine.low v5, v4;
	v5 =	vunpack.c.l.s4.s8 v6;
	v6 =	vimm.s32 $0xDCBA9876  }
0xb: {  	v16 =	vimm.s32 $0x6050400;
	vm13 =	vcmask $0x3F34;
	v6 =	vunpack.c.l.s4.s8 v6  }
0xc: {  	vm14 =	vcmask $0x3F20;
	vm1 =	vcmask $0x3B38;
	v7 =	vunpack.c.l.s4.s8 v7  }
0xd: {  	vm2 =	vcmask $0x3B00;
	v8 =	vunpack.c.l.s4.s8 v8;
	v6 =	vunpack.c.0.s8.s32 v6  }
0xe: {  	v9 =	vunpack.c.l.s4.s8 v9;
	v7 =	vunpack.c.0.s8.s32 v7;
	v5 =	vunpack.c.0.s8.s32 v5  }
0xf: {  	v10 =	vunpack.c.l.s4.s8 v10;
	v8 =	vunpack.c.0.s8.s32 v8;
	v6 =	vand.u32 $0xF, v6  }
0x10: {  	s4 =	rddreg [dreg:$0x0];
	v5 =	vcombine.low v5, v6;
	v6 =	vand.u32 $0xF, v7;
	v7 =	vunpack.c.0.s8.s32 v9  }
0x11: {  	s7 =	rddreg [dreg:$0x1];
	v6 =	vcombine.low v8, v6;
	v8 =	vunpack.c.0.s8.s32 v10;
	v10 =	vimm.s32 $0x39000  }
0x12: {  	s3 =	stileid.u32;
	s2 =	rddreg [dreg:$0x3];
	v9 =	vimm.s32 $0xA9876540;
	v7 =	vand.u32 $0xF, v7;
	v10 =	vunpack.c.l.s2.s4 v10  }
0x13: {  	s6 =	srdreg.scid;
	v17 =	vimm.s32 $0x2;
	s28 =	simm.s32 $0xD520;
	s29 =	simm.s32 $0xE520;
	v9 =	vunpack.c.l.s4.s8 v9;
	v7 =	vcombine.low v8, v7  }
0x14: {  	s30 =	simm.s32 $0xF520;
	s0 =	sshrl.u32 s3, $0x1;
	s5 =	sadd.s32 $0xE00, s4;
	v8 =	vunpack.c.l.s2.s4 v11;
	v11 =	vimm.s32 $0x98765400;
	v10 =	vunpack.c.l.s4.s8 v10  }
0x15: {  	v18 =	vlaneseq.u32;
	s6 =	sand.u32 $0x1, s6;
	s8 =	sshll.u32 s3, $0x1;
	s11 =	smul.u32 $0x3, s0;
	v9 =	vunpack.c.0.s8.s32 v9;
	v11 =	vunpack.c.l.s4.s8 v11  }
0x16: {  	v12 =	vunpack.c.l.s2.s4 v12;
	s4 =	sadd.s32 $0x1A00, s4;
	s1 =	sshll.u32 s0, $0xC;
	s23 =	smul.u32 $0x600, s0;
	v8 =	vunpack.c.l.s4.s8 v8;
	v10 =	vunpack.c.0.s8.s32 v10  }
0x17: {  	s9 =	ssub.s32 $0x2, s6;
	s8 =	sand.u32 $0x2, s8;
	s12 =	smul.u32 $0xC00, s0;
	v0 =	vmov s1;
	v9 =	vand.u32 $0xF, v9;
	v11 =	vunpack.c.0.s8.s32 v11  }
0x18: {  	s0 =	sshll.u32 s0, $0xA;
	s1 =	simm.s32 $0x0;
	s10 =	sshrl.u32 s9, $0x1;
	v13 =	vunpack.c.0.s8.s32 v8;
	v8 =	vand.u32 $0x3, v10;
	v10 =	vunpack.c.l.s4.s8 v12  }
0x19: {  	s8 =	sor.u32 s6, s8;
	[smem:$0x7FF] =	sst s1;
	s6 =	ssub.s32 s9, s10;
	v12 =	vimm.s32 $0xE40000;
	v8 =	vsel vm7, v9, v8;
	v9 =	vand.u32 $0xF, v11  }
0x1a: {  	s8 =	sshll.u32 s8, $0x8;
	s24 =	sadd.s32 $0x1, s11;
	s25 =	sadd.s32 s7, s23;
	v11 =	vand.u32 $0x3, v13;
	v13 =	vimm.s32 $0x3900000;
	v10 =	vunpack.c.0.s8.s32 v10  }
0x1b: {  	s11 =	sadd.s32 $0x2, s11;
	_ =	strace $0x80000047;
	[dreg:$0x5] =	wrdreg s25;
	v9 =	vsel vm8, v9, v11;
	v11 =	vunpack.c.l.s2.s4 v12;
	v12 =	vimm.s32 $0x4070605  }
0x1c: {  	s26 =	sshll.u32 s24, $0x9;
	s13 =	sshll.u32 s11, $0x9;
	s14 =	sshll.u32 s24, $0xA;
	v13 =	vunpack.c.l.s2.s4 v13;
	v12 =	vunpack.c.0.s8.s32 v12;
	v10 =	vand.u32 $0x3, v10  }
0x1d: {  	s15 =	sshll.u32 s11, $0xA;
	s0 =	sor.u32 s0, s8;
	s31 =	sadd.s32 s7, s26;
	v11 =	vunpack.c.l.s4.s8 v11;
	v10 =	vnsel vm0, $0x8, v10;
	vm0 =	vcmask $0x3B2C  }
0x1e: {  	s9 =	sadd.s32 s7, s13;
	s13 =	sor.u32 s12, s8;
	s16 =	smul.u32 $0xA00, s0;
	v10 =	vsel vm0, v12, v10;
	v12 =	vunpack.c.0.s8.s32 v14;
	v14 =	vimm.s32 $0xE400000  }
0x1f: {  	v19 =	vimm.f32 $+Inf;
	s21 =	sshll.u32 s0, $0x2;
	s23 =	sadd.s32 $0x7FFFFF8, s0;
	[dreg:$0x6] =	wrdreg s31;
	v11 =	vunpack.c.0.s8.s32 v11;
	v14 =	vunpack.c.l.s2.s4 v14  }
0x20: {  	vm15 =	vmmov $0x1;
	v15 =	vunpack.c.l.s2.s4 v15;
	s0 =	sadd.s32 $0x7FFFFFC, s0;
	[dreg:$0x7] =	wrdreg s9;
	s7 =	sshrl.u32 s13, $0x3;
	v13 =	vunpack.c.l.s4.s8 v13  }
0x21: {  	v21 =	vimm.s32 $0x0;
	s9 =	sor.u32 s8, s14;
	s8 =	sor.u32 s8, s15;
	[dreg:$0xb] =	wrdreg s23;
	v11 =	vand.u32 $0x3, v11;
	v14 =	vunpack.c.l.s4.s8 v14  }
0x22: {  	v15 =	vunpack.c.l.s4.s8 v15;
	s12 =	sadd.s32 s2, s21;
	[dreg:$0xc] =	wrdreg s0;
	s31 =	smax.u32 s6, $0x1;
	v13 =	vunpack.c.0.s8.s32 v13;
	v11 =	vsel vm12, v12, v11  }
0x23: {  	s21 =	simm.s32 $0x3100;
	s23 =	simm.s32 $0xF570;
	s2 =	simm.s32 $0x3300;
	v12 =	vunpack.c.0.s8.s32 v16;
	v16 =	vimm.s32 $0xE4000000;
	v14 =	vunpack.c.0.s8.s32 v14  }
0x24: {  	s0 =	simm.s32 $0x4310;
	s9 =	sshrl.u32 s9, $0x3;
	s17 =	sadd.s32 s5, s7;
	vm0 =	vcmask $0x3700;
	v13 =	vand.u32 $0x3, v13;
	v16 =	vunpack.c.l.s2.s4 v16  }
0x25: {  	s19 =	sshrl.u32 s8, $0x3;
	s22 =	sshrl.u32 s16, $0x3;
	[dreg:$0xf] =	wrdreg s31;
	v12 =	vsel vm13, v12, v13;
	v13 =	vunpack.c.0.s8.s32 v15;
	v14 =	vand.u32 $0x3, v14  }
0x26: {  	v1 =	vimm.s32 $0x0;
	v2 =	vimm.s32 $0x1;
	s7 =	simm.s32 $0x0;
	[dreg:$0x8] =	wrdreg s17;
	s18 =	sadd.s32 s5, s9;
	v14 =	vnsel vm0, $0x5, v14  }
.Ltmp0:
0x27: {  	s20 =	sadd.s32 s5, s19;
	s24 =	sadd.s32 s4, s22;
	v15 =	vunpack.c.l.s4.s8 v16;
	v16 =	vand.u32 $0x3, v13;
	v13 =	vsel vm1, $0x4, v14;
	(pc) =	sbr.rel .LBB2_1-.Ltmp0, $4  }
0x28: {  	s5 =	simm.s32 $0x7;
	s22 =	simm.s32 $0x3200;
	[dreg:$0x9] =	wrdreg s18;
	v14 =	vnsel vm2, $0x4, v16;
	v16 =	vsel vm0, $0x0, v17;
	vm0 =	vcmask $0x300  }
0x29: {  	[dreg:$0xa] =	wrdreg s20;
	s25 =	sadd.s32 $0x13600, s24;
	s26 =	sadd.s32 $0x13B00, s24;
	v15 =	vunpack.c.0.s8.s32 v15;
	v20 =	vsel vm0, $0x0, v19;
	vm0 =	vmmov $0xffff  }
0x2a: {  	v3 =	vimm.s32 $0x1000;
	s20 =	simm.s32 $0x3000;
	s24 =	simm.s32 $0xA520;
	[dreg:$0xd] =	wrdreg s25;
	v17 =	vsel vm2, $0x0, v2;
	v21 =	vsel vm0, $0xFFFFFFFF, v21  }
0x2b: {  	[dreg:$0xe] =	wrdreg s26;
	s25 =	simm.s32 $0xB520;
	s26 =	simm.s32 $0xC520;
	vm2 =	vcmask $0x3F38;
	v15 =	vand.u32 $0x3, v15;
	v16 =	vsel vm1, $0x1, v16;
	[tilespmem:$0x1FFF0] =	vst v21  }
.LBB2_53:
0x2c: {  	s3 =	simm.s32 $0x1  }
0x2d: {  	_ =	swait.ge [sflag:s3], $0x2800  }
0x2e: {  	[sflag:s3] =	ssyncset.done $0x0  }
0x2f: {  	s5 =	simm.s32 $0x5520;
	s15 =	rddreg [dreg:$0xd];
	[sflag:s3] =	ssyncadd.s32 $0xFFFFD800  }
0x30: {  	[hbm4b:s15+s1] =	stream.linear.scatter [tilespmem:s5], [sflag:$0x7], $0x2800, $0x38;
	[tilespmem:$0xF5C0] =	vst v63  }
0x31: {  	s5 =	simm.s32 $0x7  }
0x32: {  	_ =	swait.ge [sflag:s5], $0x2800  }
0x33: {  	[sflag:s5] =	ssyncset.done $0x0  }
0x34: {  	s16 =	simm.s32 $0x5;
	[sflag:s5] =	ssyncadd.s32 $0xFFFFD800  }
0x35: {  	_ =	swait.ge [sflag:s16], $0x80  }
0x36: {  	[sflag:s16] =	ssyncset.done $0x0  }
0x37: {  	s17 =	simm.s32 $0x2;
	[sflag:s16] =	ssyncadd.s32 $0xFFFFFF80  }
0x38: {  	_ =	swait.ge [sflag:s17], $0x2800  }
0x39: {  	[sflag:s17] =	ssyncset.done $0x0  }
0x3a: {  	s6 =	simm.s32 $0x7D20;
	s18 =	rddreg [dreg:$0xe];
	[sflag:s17] =	ssyncadd.s32 $0xFFFFD800  }
0x3b: {  	[hbm4b:s18+s1] =	stream.linear.scatter [tilespmem:s6], [sflag:$0x7], $0x2800, $0x38;
	[tilespmem:$0xF5C0] =	vst v63  }
0x3c: {  	_ =	swait.ge [sflag:s5], $0x2800  }
0x3d: {  	[sflag:s5] =	ssyncset.done $0x0  }
0x3e: {  	s19 =	simm.s32 $0x6;
	[sflag:s5] =	ssyncadd.s32 $0xFFFFD800  }
0x3f: {  	_ =	swait.ge [sflag:s19], $0x80  }
0x40: {  	s7 =	rddreg [dreg:$0x10]  }
0x41: {  	s31 =	rddreg [dreg:$0xf];
	s7 =	sadd.s32 $0x1, s7  }
0x42: {  	p0 =	sne.s32 s7, s31  }
.Ltmp1:
0x43: {  	_ = 	snop;
	(pc) =	sbr.rel @!p0 .LBB2_54-.Ltmp1, $3  }
0x44: {  	_ =	sdelay $0x1  }
0x45: {  	[sflag:s19] =	ssyncset.done $0x0  }
0x46: {  	[sflag:s19] =	ssyncadd.s32 $0xFFFFFF80  }
.LBB2_1:
0x47: {  	s3 =	rddreg [dreg:$0x5]  }
0x48: {  	[tilespmem:s1], [sflag:$0x7] =	stream.linear.gather [hbm4b:s3+s1], $0x1000, $0x38;
	[tilespmem:$0xF5C0] =	vst v63  }
0x49: {  	_ =	swait.ge [sflag:s5], $0x1000  }
0x4a: {  	[sflag:s5] =	ssyncset.done $0x0  }
0x4b: {  	s6 =	simm.s32 $0x1000;
	s15 =	rddreg [dreg:$0x6];
	[sflag:s5] =	ssyncadd.s32 $0xFFFFF000  }
0x4c: {  	[tilespmem:s6], [sflag:$0x7] =	stream.linear.gather [hbm4b:s15+s1], $0x1000, $0x38;
	[tilespmem:$0xF5C0] =	vst v63  }
0x4d: {  	_ =	swait.ge [sflag:s5], $0x1000  }
0x4e: {  	[sflag:s5] =	ssyncset.done $0x0  }
0x4f: {  	s17 =	simm.s32 $0x2000;
	s16 =	rddreg [dreg:$0x7];
	[sflag:s5] =	ssyncadd.s32 $0xFFFFF000  }
0x50: {  	[tilespmem:s17], [sflag:$0x7] =	stream.linear.gather [hbm4b:s16+s1], $0x1000, $0x38;
	[tilespmem:$0xF5C0] =	vst v63  }
0x51: {  	_ =	swait.ge [sflag:s5], $0x1000  }
0x52: {  	[sflag:s5] =	ssyncset.done $0x0  }
0x53: {  	s18 =	rddreg [dreg:$0x8];
	[sflag:s5] =	ssyncadd.s32 $0xFFFFF000  }
0x54: {  	[tilespmem:s20], [sflag:$0x7] =	stream.linear.gather [hbm4b:s18+s1], $0x100, $0x38;
	[tilespmem:$0xF5C0] =	vst v63  }
0x55: {  	_ =	swait.ge [sflag:s5], $0x100  }
0x56: {  	[sflag:s5] =	ssyncset.done $0x0  }
0x57: {  	s19 =	rddreg [dreg:$0x9];
	[sflag:s5] =	ssyncadd.s32 $0xFFFFFF00  }
0x58: {  	[tilespmem:s21], [sflag:$0x7] =	stream.linear.gather [hbm4b:s19+s1], $0x100, $0x38;
	[tilespmem:$0xF5C0] =	vst v63  }
0x59: {  	_ =	swait.ge [sflag:s5], $0x100  }
0x5a: {  	[sflag:s5] =	ssyncset.done $0x0  }
0x5b: {  	s31 =	rddreg [dreg:$0xa];
	[sflag:s5] =	ssyncadd.s32 $0xFFFFFF00  }
0x5c: {  	[tilespmem:s22], [sflag:$0x7] =	stream.linear.gather [hbm4b:s31+s1], $0x100, $0x38;
	[tilespmem:$0xF5C0] =	vst v63  }
0x5d: {  	_ =	swait.ge [sflag:s5], $0x100  }
0x5e: {  	[sflag:s5] =	ssyncset.done $0x0  }
0x5f: {  	[sflag:s5] =	ssyncadd.s32 $0xFFFFFF00  }
0x60: {  	[tilespmem:$0xF570] =	vst v1  }
0x61: {  	[tilespmem:$0xF580] =	vst v1  }
0x62: {  	[tilespmem:$0xF590] =	vst v1  }
0x63: {  	[tilespmem:$0xF5A0] =	vst v1  }
0x64: {  	s6 =	simm.s32 $0x40;
	s5 =	simm.s32 $0x0;
	[tilespmem:$0xF5B0] =	vst v1  }
.LBB2_2:
0x65: {  	p0 =	sne.s32 s6, $0x3FC0;
	v21 =	vld [tilespmem:s5+$0x0]  }
0x66: {  	v22 =	vld [tilespmem:s5+$0x1000];
	_ =	sdelay $0x3  }
0x67: {  	v21 =	vmul.f32 $8.000000000e+00, v21  }
0x68: {  	v22 =	vmul.f32 $8.000000000e+00, v22  }
0x69: {  	v21 =	vtrunc.f32 v21  }
0x6a: {  	v21 =	vcvt.f32.s32 v21;
	v22 =	vtrunc.f32 v22  }
0x6b: {  	v22 =	vcvt.f32.s32 v22  }
0x6c: {  	vm0 =	vgt.s32 v21, $0x0  }
0x6d: {  	v21 =	vnsel vm0, $0x0, v21;
	vm0 =	vgt.s32 v22, $0x0  }
0x6e: {  	v21 =	vmin.u32 v21, $0x7;
	v22 =	vnsel vm0, $0x0, v22  }
0x6f: {  	v22 =	vmin.u32 v22, $0x7;
	v21 =	vshll.u32 v21, $0x3  }
0x70: {  	v21 =	vor.u32 v22, v21  }
.Ltmp2:
0x71: {  	(pc) =	sbr.rel @p0 .LBB2_2-.Ltmp2, $3  }
0x72: {  	_ =	sdelay $0x1  }
0x73: {  	[tilespmem:s5+$0xA520] =	vst v21  }
0x74: {  	s5 =	sshra.s32 s6, $0x2;
	s6 =	sadd.s32 $0x40, s6;
	[tilespmem:v21+s23+$0x0] =	vst.idx.add.s32.msk $0xffff, v2  }
0x75: {  	v21 =	vld [tilespmem:s5+$0x0]  }
0x76: {  	v22 =	vld [tilespmem:s5+$0x1000];
	_ =	sdelay $0x3  }
0x77: {  	v21 =	vmul.f32 $8.000000000e+00, v21  }
0x78: {  	v22 =	vmul.f32 $8.000000000e+00, v22  }
0x79: {  	v21 =	vtrunc.f32 v21  }
0x7a: {  	v22 =	vtrunc.f32 v22;
	v21 =	vcvt.f32.s32 v21  }
0x7b: {  	v22 =	vcvt.f32.s32 v22  }
0x7c: {  	vm0 =	vgt.s32 v21, $0x0  }
0x7d: {  	v21 =	vnsel vm0, $0x0, v21;
	vm0 =	vgt.s32 v22, $0x0  }
0x7e: {  	v21 =	vmin.u32 v21, $0x7;
	v22 =	vnsel vm0, $0x0, v22  }
0x7f: {  	v22 =	vmin.u32 v22, $0x7;
	v21 =	vshll.u32 v21, $0x3  }
0x80: {  	v21 =	vor.u32 v22, v21;
	_ =	sdelay $0x3  }
0x81: {  	[tilespmem:s5+$0xA520] =	vst v21  }
0x82: {  	[tilespmem:v21+s23+$0x0] =	vst.idx.add.s32.msk $0xffff, v2  }
0x83: {  	v21 =	vld [tilespmem:$0xF570]  }
0x84: {  	v22 =	vld [tilespmem:$0xF580];
	_ =	sdelay $0x1  }
0x85: {  	v23 =	vld [tilespmem:$0xF590];
	_ =	sdelay $0x1  }
0x86: {  	(xrf0) =	vadd.scan.msk.s32 $0xffff, v21  }
0x87: {  	(xrf0) =	vadd.scan.msk.s32 $0xffff, v22;
	_ =	sdelay $0x1  }
0x88: {  	(xrf0) =	vadd.scan.msk.s32 $0xffff, v23;
	_ =	sdelay $0x2  }
0x89: {  	v24, _, _ =	vpop (xrf0)  }
0x8a: {  	v25, _, _ =	vpop (xrf0);
	(v2sf) =	vpush v24, $0xF  }
0x8b: {  	(v2sf) =	vpush v25, $0xF  }
0x8c: {  	v26, _, _ =	vpop (xrf0)  }
0x8d: {  	(v2sf) =	vpush v26, $0xF;
	_ =	sdelay $0x3  }
0x8e: {  	v27 =	vld [tilespmem:$0xF5A0];
	_ =	sdelay $0x4  }
0x8f: {  	(xrf0) =	vadd.scan.msk.s32 $0xffff, v27  }
0x90: {  	v21 =	vsub.s32 v24, v21;
	v24 =	vbroadcast v24, $0xF  }
0x91: {  	[tilespmem:$0xF520] =	vst v21;
	v22 =	vsub.s32 v25, v22  }
0x92: {  	[tilespmem:$0xF570] =	vst v21;
	v21 =	vadd.s32 v24, v22;
	v22 =	vsub.s32 v26, v23;
	s18 =	spop (v2sf)  }
0x93: {  	s6 =	spop (v2sf)  }
0x94: {  	[tilespmem:$0xF530] =	vst v21;
	s5 =	sadd.s32 s18, s6  }
0x95: {  	[tilespmem:$0xF580] =	vst v21;
	s19 =	spop (v2sf);
	v21 =	vadd.s32 s5, v22;
	v22, _, _ =	vpop (xrf0)  }
0x96: {  	s15 =	simm.s32 $0x0;
	s5 =	sadd.s32 s5, s19;
	[tilespmem:$0xF540] =	vst v21;
	v22 =	vsub.s32 v22, v27  }
0x97: {  	[tilespmem:$0xF590] =	vst v21;
	v21 =	vadd.s32 s5, v22;
	v22 =	vor.u32 s15, v4  }
0x98: {  	v23 =	vor.u32 s15, v6;
	[tilespmem:$0xF550] =	vst v21  }
0x99: {  	[tilespmem:$0xF5A0] =	vst v21;
	v21 =	vor.u32 s15, v5  }
0x9a: {  	s8 =	simm.s32 $0xA520;
	[tilespmem:$0xF560] =	vst v3  }
0x9b: {  	v44 =	vor.u32 s15, v7;
	v45 =	vld [tilespmem:s8+$0x0]  }
0x9c: {  	v22 =	vld.idx.msk [tilespmem:v22+s24+$0x0], $0xffff  }
0x9d: {  	v46 =	vor.u32 s15, v8;
	v23 =	vld.idx.msk [tilespmem:v23+s24+$0x0], $0xffff  }
0x9e: {  	v47 =	vor.u32 s15, v9;
	v21 =	vld.idx.msk [tilespmem:v21+s24+$0x0], $0xffff  }
0x9f: {  	v28 =	vor.u32 s15, v10  }
0xa0: {  	v29 =	vor.u32 s15, v11;
	v30 =	vmov s15;
	v24 =	vld.idx.msk [tilespmem:v44+s24+$0x0], $0xffff  }
0xa1: {  	v31 =	vor.u32 s15, v12;
	v32 =	vor.u32 s15, v16;
	vm0 =	veq.s32 v45, v22  }
0xa2: {  	v48 =	vor.u32 s15, v14;
	v26 =	vld.idx.msk [tilespmem:v46+s24+$0x0], $0xffff;
	vm1 =	veq.s32 v45, v23;
	vm0 =	vmand vm0, vm3  }
0xa3: {  	v23 =	vld.idx.msk [tilespmem:v47+s24+$0x0], $0xffff;
	v22 =	vor.u32 s15, v13;
	v33 =	vsel vm0, $0x1, v1;
	vm0 =	veq.s32 v45, v21  }
0xa4: {  	v49 =	vor.u32 s15, v15;
	v54 =	vor.u32 s15, v17;
	v21 =	vld.idx.msk [tilespmem:v28+s24+$0x0], $0xffff;
	vm0 =	vmand vm0, vm4  }
0xa5: {  	v29 =	vld.idx.msk [tilespmem:v29+s24+$0x0], $0xffff;
	vm1 =	vmand vm1, vm5;
	v34 =	vsel vm0, $0x1, v1;
	vm0 =	veq.s32 v45, v24  }
0xa6: {  	v50 =	vsel vm1, $0x1, v1;
	vm0 =	vmand vm0, vm6;
	v33 =	vadd.s32 v33, v34  }
0xa7: {  	v51 =	vld.idx.msk [tilespmem:v31+s24+$0x0], $0xffff;
	vm1 =	veq.s32 v45, v26;
	v52 =	vsel vm0, $0x1, v1;
	v24 =	vadd.s32 v50, v33  }
0xa8: {  	v22 =	vld.idx.msk [tilespmem:v22+s24+$0x0], $0xffff;
	vm0 =	vmand vm1, vm9;
	vm1 =	veq.s32 v45, v23;
	v23 =	vadd.s32 v52, v24  }
0xa9: {  	v53 =	vsel vm0, $0x1, v1;
	vm0 =	vmand vm1, vm10;
	vm1 =	veq.s32 v45, v21  }
0xaa: {  	v55 =	vld.idx.msk [tilespmem:v48+s24+$0x0], $0xffff;
	v23 =	vadd.s32 v53, v23;
	v56 =	vsel vm0, $0x1, v1;
	vm0 =	veq.s32 v45, v29  }
0xab: {  	v21 =	vld.idx.msk [tilespmem:v49+s24+$0x0], $0xffff;
	vm1 =	vmand vm1, vm11;
	v23 =	vadd.s32 v56, v23;
	vm0 =	vmand vm0, vm14  }
0xac: {  	v59 =	vsel vm1, $0x1, v1;
	v58 =	vsel vm0, $0x1, v1;
	vm0 =	veq.s32 v45, v51  }
0xad: {  	v57 =	vld.idx.msk [tilespmem:v32+s24+$0x0], $0xffff;
	vm1 =	veq.s32 v45, v22;
	v22 =	vadd.s32 v59, v23;
	vm0 =	vmand vm0, vm7  }
0xae: {  	v23 =	vld.idx.msk [tilespmem:v54+s24+$0x0], $0xffff;
	v22 =	vadd.s32 v58, v22;
	v60 =	vsel vm0, $0x1, v1;
	vm0 =	vmand vm1, vm8  }
0xaf: {  	v61 =	vld.idx.msk [tilespmem:v30+s24+$0x0], $0xffff;
	vm1 =	vcmask $0x3F2C;
	v62 =	vsel vm0, $0x1, v1;
	vm0 =	veq.s32 v45, v55  }
0xb0: {  	v22 =	vadd.s32 v60, v22;
	vm0 =	vmand vm0, vm1;
	vm1 =	veq.s32 v45, v21  }
0xb1: {  	v63 =	vld.idx.msk [tilespmem:v45+s23+$0x0], $0xffff;
	v21 =	vadd.s32 v62, v22;
	v22 =	vsel vm0, $0x1, v1;
	vm0 =	vmand vm1, vm12  }
0xb2: {  	vm1 =	veq.s32 v45, v57;
	v21 =	vadd.s32 v22, v21;
	v22 =	vsel vm0, $0x1, v1  }
0xb3: {  	vm0 =	vmand vm1, vm13;
	vm1 =	veq.s32 v45, v23;
	v21 =	vadd.s32 v22, v21  }
0xb4: {  	v22 =	vsel vm0, $0x1, v1;
	vm0 =	vmand vm1, vm2;
	vm1 =	veq.s32 v45, v61  }
0xb5: {  	v21 =	vadd.s32 v22, v21;
	v22 =	vsel vm0, $0x1, v1;
	vm0 =	vcmask $0x3F3C  }
0xb6: {  	vm0 =	vmand vm1, vm0;
	v21 =	vadd.s32 v63, v21  }
0xb7: {  	[tilespmem:v45+s23+$0x0] =	vst.idx.add.s32.msk $0xffff, v2;
	v23 =	vsel vm0, $0x1, v1;
	v21 =	vadd.s32 v22, v21  }
0xb8: {  	v22 =	vld [tilespmem:s15+$0x0];
	v21 =	vadd.s32 v23, v21;
	_ =	sdelay $0x4  }
0xb9: {  	s9 =	simm.s32 $0x1000;
	[tilespmem:v21+s25+$0x0] =	vst.idx.msk $0xffff, v22  }
0xba: {  	v22 =	vld [tilespmem:s9+$0x0];
	_ =	sdelay $0x2  }
0xbb: {  	vm2 =	vmmov vm14;
	vm14 =	vmmov vm13  }
0xbc: {  	vm13 =	vmmov vm12;
	vm12 =	vmmov vm11;
	vm11 =	vmmov vm10  }
0xbd: {  	[dreg:$0x10] =	wrdreg s7;
	s31 =	simm.s32 $0x2000;
	s10 =	simm.s32 $0x10;
	vm10 =	vmmov vm9;
	vm9 =	vmmov vm8;
	vm8 =	vmmov vm7;
	[tilespmem:v21+s26+$0x0] =	vst.idx.msk $0xffff, v22  }
0xbe: {  	s14 =	simm.s32 $0x2010;
	s16 =	simm.s32 $0x0;
	s17 =	simm.s32 $0x0;
	vm7 =	vmmov vm6;
	vm6 =	vmmov vm5;
	vm5 =	vmmov vm4;
	v22 =	vld [tilespmem:s31+$0x0]  }
.LBB2_4:
0xbf: {  	s8 =	sadd.s32 $0x10, s8;
	s16 =	sadd.s32 $0x10, s16;
	s9 =	sadd.s32 $0x10, s9  }
0xc0: {  	p0 =	sne.s32 s10, $0xFF0;
	s5 =	smov.u32 s10;
	s10 =	sadd.s32 $0x10, s10  }
0xc1: {  	v23 =	vor.u32 s5, v4;
	v24 =	vor.u32 s5, v5  }
0xc2: {  	v26 =	vor.u32 s17, v18;
	v25 =	vor.u32 s5, v6;
	s17 =	smov.u32 s5  }
0xc3: {  	[tilespmem:v21+s28+$0x0] =	vst.idx.msk $0xffff, v22  }
0xc4: {  	v22 =	vor.u32 s17, v7;
	[tilespmem:v21+s29+$0x0] =	vst.idx.msk $0xffff, v26  }
0xc5: {  	v26 =	vor.u32 s17, v8;
	v21 =	vld [tilespmem:s8+$0x0]  }
0xc6: {  	v23 =	vld.idx.msk [tilespmem:v23+s24+$0x0], $0xffff  }
0xc7: {  	v27 =	vor.u32 s17, v9;
	v25 =	vld.idx.msk [tilespmem:v25+s24+$0x0], $0xffff  }
0xc8: {  	v28 =	vor.u32 s17, v10;
	v24 =	vld.idx.msk [tilespmem:v24+s24+$0x0], $0xffff  }
0xc9: {  	v29 =	vor.u32 s17, v11;
	v22 =	vld.idx.msk [tilespmem:v22+s24+$0x0], $0xffff  }
0xca: {  	vm4 =	vmmov vm3;
	v30 =	vmov s17;
	v31 =	vor.u32 s17, v12;
	v26 =	vld.idx.msk [tilespmem:v26+s24+$0x0], $0xffff  }
0xcb: {  	v32 =	vor.u32 s17, v17;
	v33 =	vor.u32 s17, v16;
	vm0 =	veq.s32 v21, v23  }
0xcc: {  	v23 =	vld.idx.msk [tilespmem:v27+s24+$0x0], $0xffff;
	v27 =	vor.u32 s17, v13;
	vm0 =	vmand vm0, vm3;
	vm1 =	veq.s32 v21, v25  }
0xcd: {  	v25 =	vld.idx.msk [tilespmem:v28+s24+$0x0], $0xffff;
	v28 =	vor.u32 s17, v14;
	vm3 =	veq.s32 v21, v24;
	vm1 =	vmand vm1, vm6  }
0xce: {  	v34 =	vsel vm0, $0x1, v1;
	v24 =	vld.idx.msk [tilespmem:v29+s24+$0x0], $0xffff;
	v29 =	vor.u32 s17, v15;
	vm0 =	vmand vm3, vm5  }
0xcf: {  	vm3 =	veq.s32 v21, v22;
	v35 =	vsel vm1, $0x1, v1;
	v22 =	vsel vm0, $0x1, v1  }
0xd0: {  	vm0 =	vmand vm3, vm7;
	vm3 =	vmmov vm4;
	v22 =	vadd.s32 v34, v22  }
0xd1: {  	v31 =	vld.idx.msk [tilespmem:v31+s24+$0x0], $0xffff;
	v34 =	vsel vm0, $0x1, v1;
	vm0 =	veq.s32 v21, v26;
	v22 =	vadd.s32 v35, v22  }
0xd2: {  	v26 =	vld.idx.msk [tilespmem:v27+s24+$0x0], $0xffff;
	vm0 =	vmand vm0, vm10;
	vm1 =	veq.s32 v21, v23;
	v22 =	vadd.s32 v34, v22  }
0xd3: {  	v23 =	vld.idx.msk [tilespmem:v28+s24+$0x0], $0xffff;
	v27 =	vsel vm0, $0x1, v1;
	vm0 =	vmand vm1, vm11;
	vm1 =	veq.s32 v21, v25  }
0xd4: {  	v22 =	vadd.s32 v27, v22;
	v27 =	vsel vm0, $0x1, v1;
	vm0 =	veq.s32 v21, v24  }
0xd5: {  	vm1 =	vmand vm1, vm12;
	v24 =	vld.idx.msk [tilespmem:v29+s24+$0x0], $0xffff;
	v22 =	vadd.s32 v27, v22;
	vm0 =	vmand vm0, vm2  }
0xd6: {  	v29 =	vsel vm1, $0x1, v1;
	v27 =	vsel vm0, $0x1, v1;
	vm0 =	veq.s32 v21, v31  }
0xd7: {  	v25 =	vld.idx.msk [tilespmem:v33+s24+$0x0], $0xffff;
	v22 =	vadd.s32 v29, v22;
	vm0 =	vmand vm0, vm8;
	vm1 =	veq.s32 v21, v26  }
0xd8: {  	v28 =	vld.idx.msk [tilespmem:v30+s24+$0x0], $0xffff;
	v22 =	vadd.s32 v27, v22;
	v29 =	vsel vm0, $0x1, v1;
	vm0 =	vmand vm1, vm9  }
0xd9: {  	v26 =	vld.idx.msk [tilespmem:v32+s24+$0x0], $0xffff;
	vm1 =	vcmask $0x3F2C;
	v27 =	vsel vm0, $0x1, v1;
	vm0 =	veq.s32 v21, v23  }
0xda: {  	v30 =	vld.idx.msk [tilespmem:v21+s23+$0x0], $0xffff;
	v22 =	vadd.s32 v29, v22;
	vm0 =	vmand vm0, vm1;
	vm1 =	veq.s32 v21, v24  }
0xdb: {  	[tilespmem:v21+s23+$0x0] =	vst.idx.add.s32.msk $0xffff, v2;
	v22 =	vadd.s32 v27, v22;
	v23 =	vsel vm0, $0x1, v1;
	vm0 =	vmand vm1, vm13  }
0xdc: {  	v22 =	vadd.s32 v23, v22;
	v23 =	vsel vm0, $0x1, v1;
	vm0 =	veq.s32 v21, v25  }
0xdd: {  	v22 =	vadd.s32 v23, v22;
	vm0 =	vmand vm0, vm14  }
0xde: {  	vm1 =	veq.s32 v21, v26;
	v23 =	vsel vm0, $0x1, v1;
	vm0 =	vcmask $0x3F38  }
0xdf: {  	vm0 =	vmand vm1, vm0;
	vm1 =	veq.s32 v21, v28  }
0xe0: {  	v21 =	vadd.s32 v23, v22;
	v22 =	vsel vm0, $0x1, v1;
	vm0 =	vcmask $0x3F3C  }
0xe1: {  	vm0 =	vmand vm1, vm0  }
0xe2: {  	v21 =	vadd.s32 v30, v21;
	v23 =	vsel vm0, $0x1, v1  }
0xe3: {  	v21 =	vadd.s32 v22, v21;
	v22 =	vld [tilespmem:s16+$0x0]  }
0xe4: {  	v21 =	vadd.s32 v23, v21;
	_ =	sdelay $0x4  }
0xe5: {  	[tilespmem:v21+s25+$0x0] =	vst.idx.msk $0xffff, v22  }
0xe6: {  	v22 =	vld [tilespmem:s9+$0x0];
	_ =	sdelay $0x1  }
.Ltmp3:
0xe7: {  	(pc) =	sbr.rel @p0 .LBB2_4-.Ltmp3, $3  }
0xe8: {  	_ =	sdelay $0x1  }
0xe9: {  	[tilespmem:v21+s26+$0x0] =	vst.idx.msk $0xffff, v22  }
0xea: {  	v22 =	vld [tilespmem:s14+$0x0];
	s14 =	sadd.s32 $0x10, s14  }
0xeb: {  	_ = 	snop  }
.Ltmp4:
0xec: {  	v23 =	vor.u32 s17, v18;
	(pc) =	sbr.rel .LBB2_6-.Ltmp4, $4  }
0xed: {  	vm4 =	vmmov vm5;
	vm5 =	vmmov vm6;
	vm6 =	vmmov vm7  }
0xee: {  	vm7 =	vmmov vm8;
	vm8 =	vmmov vm9;
	vm9 =	vmmov vm10  }
0xef: {  	vm10 =	vmmov vm11;
	vm11 =	vmmov vm12;
	vm12 =	vmmov vm13;
	[tilespmem:v21+s28+$0x0] =	vst.idx.msk $0xffff, v22  }
0xf0: {  	vm13 =	vmmov vm14;
	vm14 =	vmmov vm2;
	vm2 =	vcmask $0x3F38;
	[tilespmem:v21+s29+$0x0] =	vst.idx.msk $0xffff, v23  }
.LBB2_52:
0xf1: {  	v21 =	vld [tilespmem:$0x53A0]  }
0xf2: {  	v22 =	vld [tilespmem:$0x53B0]  }
0xf3: {  	v23 =	vld [tilespmem:$0x53C0]  }
0xf4: {  	v24 =	vld [tilespmem:$0x53D0]  }
0xf5: {  	v25 =	vld [tilespmem:$0x53E0]  }
0xf6: {  	v26 =	vld [tilespmem:$0x53F0];
	v21 =	vadd.s32 v0, v21  }
0xf7: {  	[tilespmem:$0x54A0] =	vst v21;
	v21 =	vadd.s32 v0, v22;
	v22 =	vld [tilespmem:$0x5400]  }
0xf8: {  	[tilespmem:$0x54B0] =	vst v21;
	v21 =	vadd.s32 v0, v23;
	v23 =	vld [tilespmem:$0x5410]  }
0xf9: {  	[tilespmem:$0x54C0] =	vst v21;
	v21 =	vadd.s32 v0, v24  }
0xfa: {  	[tilespmem:$0x54D0] =	vst v21;
	v21 =	vadd.s32 v0, v25  }
0xfb: {  	[tilespmem:$0x54E0] =	vst v21;
	v21 =	vadd.s32 v0, v26  }
0xfc: {  	[tilespmem:$0x54F0] =	vst v21;
	v21 =	vadd.s32 v0, v22  }
0xfd: {  	s3 =	sshll.u32 s16, $0x4;
	[tilespmem:$0x5500] =	vst v21;
	v21 =	vadd.s32 v0, v23  }
0xfe: {  	s1 =	simm.s32 $0x0;
	s5 =	simm.s32 $0x53A0;
	s3 =	sadd.s32 s3, s12;
	[tilespmem:$0x5510] =	vst v21  }
0xff: {  	[hbm4b:s3+s1] =	stream.linear.scatter [tilespmem:s5], [sflag:$0x6], $0x80, $0x38;
	[tilespmem:$0xF5C0] =	vst v63  }
0x100: {  	s3 =	simm.s32 @!p0 $0x4  }
0x101: {  	_ =	swait.ge @!p0 [sflag:s3], $0x2800  }
0x102: {  	s15 =	sadd.s32 $0x1, s15;
	[sflag:s3] =	ssyncset.done @!p0 $0x0  }
0x103: {  	[sflag:s3] =	ssyncadd.s32 @!p0 $0xFFFFD800;
	p0 =	sne.s32 s15, $0x20  }
.Ltmp5:
0x104: {  	_ = 	snop;
	(pc) =	sbr.rel @!p0 .LBB2_53-.Ltmp5, $4  }
0x105: {  	_ = 	snop  }
0x106: {  	s31 =	simm.s32 $0x80  }
0x107: {  	s6 =	simm.s32 $0x54A0;
	s7 =	simm.s32 $0x7D20;
	s3 =	rddreg [dreg:$0x2]  }
0x108: {  	[tilespmem:s7], [sflag:$0x2] =	stream.indirect.gather [hbm4b:s3+s31], $0x50, s6, s31, $0xb8;
	[tilespmem:$0xF5C0] =	vst v63  }
.LBB2_6:
0x109: {  	p0 =	seq.s32 s15, $0x0  }
0x10a: {  	s5 =	simm.s32 @!p0 $0x5  }
0x10b: {  	_ =	swait.ge @!p0 [sflag:s5], $0x80  }
0x10c: {  	s16 =	sshll.u32 @!p0 s15, $0x3;
	s3 =	rddreg [dreg:$0xb]  }
0x10d: {  	[sflag:s5] =	ssyncset.done @!p0 $0x0;
	s6 =	sadd.s32 @!p0 s16, s3  }
0x10e: {  	[sflag:s5] =	ssyncadd.s32 @!p0 $0xFFFFFF80;
	s5 =	simm.s32 @!p0 $0x1;
	s6 =	smul.u32 @!p0 $0xA00, s6  }
.Ltmp6:
0x10f: {  	s1 =	simm.s32 $0x0;
	_ =	swait.ge @!p0 [sflag:s5], $0x2800;
	(pc) =	sbr.rel .LBB2_7-.Ltmp6, $4  }
0x110: {  	s31 =	sshll.u32 s15, $0x1;
	s8 =	simm.s32 $0x0;
	[sflag:s5] =	ssyncset.done @!p0 $0x0  }
0x111: {  	s7 =	simm.s32 @!p0 $0x5520;
	[sflag:s5] =	ssyncadd.s32 @!p0 $0xFFFFD800;
	s5 =	sshrl.u32 @!p0 s6, $0x3  }
0x112: {  	s16 =	simm.s32 @p0 $0x0;
	s6 =	simm.s32 @!p0 $0x0;
	s5 =	sadd.s32 @!p0 s4, s5  }
0x113: {  	[hbm4b:s5+s6] =	stream.linear.scatter @!p0 [tilespmem:s7], [sflag:$0x3], $0x2800, $0x38;
	[tilespmem:$0xF5C0] =	vst v63  }
.LBB2_21:
0x114: {  	v22 =	vld [tilespmem:$0x1FFF0];
	_ =	sdelay $0x4  }
0x115: {  	vm1 =	vnez.u8 v22  }
0x116: {  	v22 =	vimm.s32 $0x0;
	vm0 =	vmmov vm1  }
.LBB2_28:
0x117: {  	v23 =	vnsel vm15, $0x0, v21  }
0x118: {  	(xrf0) =	vadd.scan.msk.s32 $0xffff, v23;
	_ =	sdelay $0x4  }
0x119: {  	s3 =	sshll.u32 s8, $0x5;
	s8 =	sadd.s32 $0x1, s8  }
0x11a: {  	p1 =	sne.s32 s8, $0x4;
	v23, _, _ =	vpop (xrf0)  }
.Ltmp7:
0x11b: {  	v23 =	vbroadcast v23, $0xF;
	(pc) =	sbr.rel @!p1 .LBB2_29-.Ltmp7, $4  }
0x11c: {  	_ = 	snop  }
0x11d: {  	s3 =	sand.u32 $0x3FFFFFE0, s3;
	v21 =	vsel vm0, v23, v21  }
0x11e: {  	[tilespmem:s3+$0x5320] =	vst v21;
	v21 =	vsel vm1, v23, v22  }
0x11f: {  	[tilespmem:s3+$0x5330] =	vst v21  }
.LBB2_7:
0x120: {  	s5 =	sadd.s32 s16, s8  }
0x121: {  	v23 =	vmov s5;
	_ =	sdelay $0x4  }
0x122: {  	v22 =	vld.idx.msk [tilespmem:v23+s20+$0x0], $0xffff;
	_ =	sdelay $0x3  }
0x123: {  	v21 =	vld.idx.msk [tilespmem:v23+s21+$0x0], $0xffff  }
0x124: {  	v24 =	vadd.f32 $-2.000000030e-01, v22  }
0x125: {  	v25 =	vadd.f32 $2.000000030e-01, v22  }
0x126: {  	v24 =	vmax.f32 v24, $0.0e+00  }
0x127: {  	v25 =	vmin.f32 v25, $9.999999400e-01;
	v24 =	vmul.f32 $8.000000000e+00, v24  }
0x128: {  	v26 =	vadd.f32 $-2.000000030e-01, v21;
	v25 =	vmul.f32 $8.000000000e+00, v25  }
0x129: {  	v24 =	vtrunc.f32 v24  }
0x12a: {  	v26 =	vmax.f32 v26, $0.0e+00;
	v25 =	vtrunc.f32 v25;
	v24 =	vcvt.f32.s32 v24  }
0x12b: {  	v26 =	vmul.f32 $8.000000000e+00, v26;
	v25 =	vcvt.f32.s32 v25  }
0x12c: {  	v24 =	vnsel vm15, $0x0, v24  }
0x12d: {  	v26 =	vtrunc.f32 v26;
	(xrf0) =	vadd.scan.msk.s32 $0xffff, v24;
	v24 =	vnsel vm15, $0x0, v25  }
0x12e: {  	v25 =	vcvt.f32.s32 v26;
	(xrf0) =	vadd.scan.msk.s32 $0xffff, v24;
	_ =	sdelay $0x1  }
0x12f: {  	v24 =	vnsel vm15, $0x0, v25;
	_ =	sdelay $0x2  }
0x130: {  	(xrf0) =	vadd.scan.msk.s32 $0xffff, v24;
	v24, _, _ =	vpop (xrf0)  }
0x131: {  	v25, _, _ =	vpop (xrf0);
	(v2sf) =	vpush v24, $0xF  }
0x132: {  	(v2sf) =	vpush v25, $0xF;
	_ =	sdelay $0x5  }
0x133: {  	v24, _, _ =	vpop (xrf0)  }
0x134: {  	(v2sf) =	vpush v24, $0xF;
	_ =	sdelay $0x6  }
0x135: {  	s10 =	spop (v2sf)  }
0x136: {  	s9 =	spop (v2sf)  }
0x137: {  	s19 =	sadd.s32 $0x1, s9  }
0x138: {  	p1 =	sge.s32 s10, s19  }
.Ltmp8:
0x139: {  	_ = 	snop;
	(pc) =	sbr.rel @p1 .LBB2_15-.Ltmp8, $2  }
0x13a: {  	v24 =	vld.idx.msk [tilespmem:v23+s22+$0x0], $0xffff;
	_ =	sdelay $0x2  }
0x13b: {  	v25 =	vimm.s32 $0x0;
	v23 =	vimm.s32 $0x0;
	s14 =	spop (v2sf)  }
0x13c: {  	v25 =	vadd.f32 $2.000000030e-01, v21;
	_ =	sdelay $0x1  }
0x13d: {  	v25 =	vmin.f32 v25, $9.999999400e-01  }
0x13e: {  	v25 =	vmul.f32 $8.000000000e+00, v25;
	_ =	sdelay $0x1  }
0x13f: {  	v25 =	vtrunc.f32 v25  }
0x140: {  	v25 =	vcvt.f32.s32 v25;
	_ =	sdelay $0x1  }
0x141: {  	v25 =	vnsel vm15, $0x0, v25  }
0x142: {  	(xrf0) =	vadd.scan.msk.s32 $0xffff, v25;
	_ =	sdelay $0x5  }
0x143: {  	v25, _, _ =	vpop (xrf0)  }
0x144: {  	(v2sf) =	vpush v25, $0xF;
	_ =	sdelay $0xb  }
.Ltmp9:
0x145: {  	_ = 	snop;
	(pc) =	sbr.rel .LBB2_9-.Ltmp9, $3  }
0x146: {  	_ =	sdelay $0x1  }
0x147: {  	s5 =	spop (v2sf)  }
0x148: {  	v27 =	vimm.s32 $0x0;
	s17 =	sadd.s32 $0x1, s5  }
.LBB2_12:
0x149: {  	_ =	sdelay $0x4  }
0x14a: {  	[tilespmem:v28+s0+$0x0] =	vst.idx.msk vm1, v29  }
.LBB2_13:
0x14b: {  	p1 =	sne.s32 s10, s9  }
.Ltmp10:
0x14c: {  	_ = 	snop;
	(pc) =	sbr.rel @!p1 .LBB2_14-.Ltmp10, $3  }
0x14d: {  	_ =	sdelay $0x1  }
0x14e: {  	s3 =	sadd.s32 $0x1, s10  }
0x14f: {  	s10 =	smov.u32 s3  }
.LBB2_9:
0x150: {  	s5 =	sshll.u32 s10, $0x3  }
0x151: {  	s6 =	sadd.s32 s14, s5  }
0x152: {  	s5 =	sadd.s32 s5, s17;
	v25 =	vmov s6  }
0x153: {  	v26 =	vmov s5;
	_ =	sdelay $0x3  }
0x154: {  	v25 =	vld.idx.msk [tilespmem:v25+s30+$0x0], $0xffff  }
0x155: {  	v26 =	vld.idx.msk [tilespmem:v26+s30+$0x0], $0xffff;
	_ =	sdelay $0x3  }
0x156: {  	v25 =	vnsel vm15, $0x0, v25  }
0x157: {  	(xrf0) =	vadd.scan.msk.s32 $0xffff, v25;
	v25 =	vnsel vm15, $0x0, v26  }
0x158: {  	(xrf0) =	vadd.scan.msk.s32 $0xffff, v25;
	_ =	sdelay $0x4  }
0x159: {  	v25, _, _ =	vpop (xrf0)  }
0x15a: {  	(v2sf) =	vpush v25, $0xF;
	v26, _, _ =	vpop (xrf0)  }
0x15b: {  	(v2sf) =	vpush v26, $0xF;
	_ =	sdelay $0xd  }
0x15c: {  	s3 =	spop (v2sf)  }
0x15d: {  	s11 =	sshra.s32 s3, $0x1F;
	s7 =	spop (v2sf);
	p1 =	slt.s32 s3, $0x1  }
0x15e: {  	s6 =	sshrl.u32 s11, $0x1C;
	s11 =	sand.u32 $0xF, s3;
	s7 =	sadd.s32 $0xF, s7  }
0x15f: {  	s6 =	sadd.s32 s6, s3;
	p2 =	sne.s32 s11, $0x0;
	s13 =	sand.u32 $0xF, s7  }
0x160: {  	p6 =	slt.s32 s7, $0x1;
	s19 =	sshra.s32 s7, $0x1F;
	s11 =	simm.s32 $0x1  }
0x161: {  	p1 =	por !p1, !p2;
	p3 =	sne.s32 s13, $0x0;
	s18 =	sshra.s32 s6, $0x4  }
0x162: {  	s6 =	sshrl.u32 s19, $0x1C;
	p2 =	por !p6, !p3;
	p1 =	por !p1, !p1  }
0x163: {  	s6 =	sadd.s32 s6, s7;
	s7 =	simm.s32 $0x1;
	p2 =	por !p2, !p2  }
0x164: {  	s11 =	simm.s32 @!p1 $0x0;
	s13 =	sshra.s32 s6, $0x4;
	s7 =	simm.s32 @!p2 $0x0  }
0x165: {  	s6 =	ssub.s32 s18, s11;
	s18 =	ssub.s32 s13, s7  }
0x166: {  	p1 =	sge.s32 s6, s18  }
.Ltmp11:
0x167: {  	_ = 	snop;
	(pc) =	sbr.rel @p1 .LBB2_13-.Ltmp11, $1  }
0x168: {  	_ =	sdelay $0x3  }
0x169: {  	s5 =	sshll.u32 s6, $0x6  }
0x16a: {  	s7 =	sshra.s32 s5, $0x2  }
0x16b: {  	s19 =	sadd.s32 $0xC520, s7  }
0x16c: {  	s5 =	sadd.s32 $0xB520, s7;
	v28 =	vld [tilespmem:s19+$0x0]  }
0x16d: {  	v29 =	vld [tilespmem:s5+$0x0]  }
0x16e: {  	s11 =	sadd.s32 $0xD520, s7  }
0x16f: {  	v30 =	vld [tilespmem:s11+$0x0];
	_ =	sdelay $0x2  }
0x170: {  	v28 =	vsub.f32 v28, v21;
	v29 =	vsub.f32 v29, v22;
	_ =	sdelay $0x1  }
0x171: {  	v30 =	vsub.f32 v30, v24;
	v29 =	vmul.f32 v29, v29;
	v28 =	vmul.f32 v28, v28;
	_ =	sdelay $0x1  }
0x172: {  	v28 =	vadd.f32 v28, v29;
	v29 =	vmul.f32 v30, v30;
	_ =	sdelay $0x1  }
0x173: {  	v25 =	vbroadcast v25, $0xF;
	s13 =	sshll.u32 s6, $0x4;
	v29 =	vadd.f32 v29, v28  }
0x174: {  	v26 =	vbroadcast v26, $0xF;
	v28 =	vor.u32 s13, v18  }
0x175: {  	vm1 =	vge.s32 v28, v25;
	vm0 =	vlt.f32 v29, $3.999999910e-02  }
0x176: {  	vm0 =	vmand vm1, vm0;
	vm1 =	vlt.s32 v28, v26  }
0x177: {  	vm1 =	vmand vm1, vm0  }
0x178: {  	v28 =	vsel vm1, $0x1, v1  }
0x179: {  	(xrf0) =	vadd.scan.msk.s32 $0xffff, v28;
	_ =	sdelay $0x5  }
0x17a: {  	v28, _, _ =	vpop (xrf0)  }
0x17b: {  	v28 =	vadd.s32 v28, v27  }
0x17c: {  	v28 =	vadd.s32 $0xFFFFFFFF, v28;
	_ =	sdelay $0x3  }
0x17d: {  	s6 =	sadd.s32 $0x1, s6  }
0x17e: {  	p1 =	slt.s32 s6, s18;
	s3 =	sadd.s32 $0xE520, s7;
	[tilespmem:v28+s2+$0x0] =	vst.idx.msk vm1, v29  }
.Ltmp12:
0x17f: {  	v29 =	vld [tilespmem:s3+$0x0];
	(pc) =	sbr.rel @!p1 .LBB2_12-.Ltmp12, $3  }
0x180: {  	_ = 	snop  }
0x181: {  	v30 =	vmpcnt.ones.xlane vm1;
	_ =	sdelay $0x1  }
0x182: {  	s7 =	sadd.s32 $0x10, s11;
	s11 =	sadd.s32 $0x10, s3;
	s13 =	sadd.s32 $0x10, s13;
	v27 =	vadd.s32 v27, v30  }
.LBB2_11:
0x183: {  	s6 =	sadd.s32 $0x1, s6;
	[tilespmem:v28+s0+$0x0] =	vst.idx.msk vm1, v29;
	s5 =	sadd.s32 $0x10, s5;
	s19 =	sadd.s32 $0x10, s19;
	v28 =	vmov v27  }
0x184: {  	v29 =	vld [tilespmem:s19+$0x0];
	p1 =	slt.s32 s6, s18  }
0x185: {  	v30 =	vld [tilespmem:s5+$0x0];
	_ =	sdelay $0x1  }
0x186: {  	v31 =	vld [tilespmem:s7+$0x0];
	_ =	sdelay $0x1  }
0x187: {  	v29 =	vsub.f32 v29, v21  }
0x188: {  	v30 =	vsub.f32 v30, v22;
	_ =	sdelay $0x1  }
0x189: {  	v29 =	vmul.f32 v29, v29;
	v31 =	vsub.f32 v31, v24;
	v30 =	vmul.f32 v30, v30;
	_ =	sdelay $0x1  }
0x18a: {  	v29 =	vadd.f32 v29, v30;
	v30 =	vmul.f32 v31, v31;
	_ =	sdelay $0x1  }
0x18b: {  	v29 =	vadd.f32 v30, v29  }
0x18c: {  	v30 =	vor.u32 s13, v18  }
0x18d: {  	vm1 =	vge.s32 v30, v25;
	vm0 =	vlt.f32 v29, $3.999999910e-02  }
0x18e: {  	vm0 =	vmand vm1, vm0;
	vm1 =	vlt.s32 v30, v26  }
0x18f: {  	vm1 =	vmand vm1, vm0  }
0x190: {  	v30 =	vsel vm1, $0x1, v1;
	v31 =	vmpcnt.ones.xlane vm1  }
0x191: {  	(xrf0) =	vadd.scan.msk.s32 $0xffff, v30  }
0x192: {  	v27 =	vadd.s32 v27, v31;
	_ =	sdelay $0x4  }
0x193: {  	v30, _, _ =	vpop (xrf0)  }
0x194: {  	v28 =	vadd.s32 v30, v28  }
0x195: {  	v28 =	vadd.s32 $0xFFFFFFFF, v28;
	_ =	sdelay $0x4  }
0x196: {  	[tilespmem:v28+s2+$0x0] =	vst.idx.msk vm1, v29  }
.Ltmp13:
0x197: {  	v29 =	vld [tilespmem:s11+$0x0];
	(pc) =	sbr.rel @p1 .LBB2_11-.Ltmp13, $2  }
0x198: {  	_ =	sdelay $0x2  }
0x199: {  	s7 =	sadd.s32 $0x10, s7;
	s13 =	sadd.s32 $0x10, s13;
	s11 =	sadd.s32 $0x10, s11  }
.Ltmp14:
0x19a: {  	_ = 	snop;
	(pc) =	sbr.rel .LBB2_12-.Ltmp14, $1  }
0x19b: {  	_ =	sdelay $0x3  }
.LBB2_14:
0x19c: {  	v25 =	vnsel vm15, $0x0, v27  }
.LBB2_15:
0x19d: {  	(xrf0) =	vadd.scan.msk.s32 $0xffff, v25;
	_ =	sdelay $0x5  }
0x19e: {  	v25, _, _ =	vpop (xrf0)  }
0x19f: {  	(v2sf) =	vpush v25, $0xF;
	_ =	sdelay $0xe  }
0x1a0: {  	s5 =	spop (v2sf)  }
0x1a1: {  	p1 =	sne.s32 s5, $0x0  }
.Ltmp15:
0x1a2: {  	_ = 	snop;
	(pc) =	sbr.rel @!p1 .LBB2_16-.Ltmp15, $1  }
0x1a3: {  	_ =	sdelay $0x3  }
.Ltmp16:
0x1a4: {  	(pc) =	sbr.rel .LBB2_20-.Ltmp16, $2  }
0x1a5: {  	_ =	sdelay $0x2  }
0x1a6: {  	[tilespmem:s5+$0x3300] =	vst v19  }
.LBB2_16:
0x1a7: {  	s3 =	simm.s32 $0x1000  }
0x1a8: {  	s7 =	simm.s32 $0x0;
	v26 =	vld [tilespmem:s3+$0x0]  }
0x1a9: {  	v25 =	vld [tilespmem:s7+$0x0]  }
0x1aa: {  	s19 =	simm.s32 $0x2000  }
0x1ab: {  	v27 =	vld [tilespmem:s19+$0x0];
	_ =	sdelay $0x1  }
0x1ac: {  	s6 =	simm.s32 $0x10;
	v26 =	vsub.f32 v26, v21  }
0x1ad: {  	s9 =	simm.s32 $0x1010;
	v28 =	vld [tilespmem:s6+$0x0];
	v25 =	vsub.f32 v25, v22  }
0x1ae: {  	s10 =	simm.s32 $0x2010;
	v31 =	vmul.f32 v26, v26;
	v26 =	vld [tilespmem:s9+$0x0]  }
0x1af: {  	v30 =	vsub.f32 v27, v24;
	v27 =	vld [tilespmem:s10+$0x0];
	v29 =	vmul.f32 v25, v25;
	_ =	sdelay $0x1  }
0x1b0: {  	v30 =	vmul.f32 v30, v30;
	v29 =	vadd.f32 v31, v29  }
0x1b1: {  	s11 =	simm.s32 $0x20;
	s13 =	simm.s32 $0x20;
	v28 =	vsub.f32 v28, v22;
	v25 =	vimm.f32 $+Inf  }
.LBB2_17:
0x1b2: {  	v31 =	vld [tilespmem:s13+$0x0];
	v32 =	vsub.f32 v26, v21;
	s9 =	sadd.s32 $0x10, s9;
	v29 =	vadd.f32 v30, v29;
	s3 =	smov.u32 s11;
	p1 =	sne.s32 s11, $0xFF0  }
.Ltmp17:
0x1b3: {  	s11 =	sadd.s32 $0x10, s11;
	s10 =	sadd.s32 $0x10, s10;
	v33 =	vor.u32 s7, v18;
	v26 =	vld [tilespmem:s9+$0x0];
	v30 =	vsub.f32 v27, v24;
	(pc) =	sbr.rel @p1 .LBB2_17-.Ltmp17, $4  }
0x1b4: {  	s7 =	smov.u32 s6;
	v28 =	vmul.f32 v28, v28;
	s6 =	smov.u32 s3;
	v27 =	vld [tilespmem:s10+$0x0];
	v32 =	vmul.f32 v32, v32;
	vm0 =	vlt.f32 v29, v25  }
0x1b5: {  	v25 =	vsel vm0, v29, v25;
	v23 =	vsel vm0, v33, v23  }
0x1b6: {  	v30 =	vmul.f32 v30, v30;
	v29 =	vadd.f32 v32, v28  }
0x1b7: {  	s13 =	sadd.s32 $0x10, s13;
	v28 =	vsub.f32 v31, v22  }
0x1b8: {  	v21 =	vsub.f32 v26, v21;
	_ =	sdelay $0x1  }
0x1b9: {  	v22 =	vsub.f32 v27, v24;
	v61 =	vmul.f32 v28, v28;
	v21 =	vmul.f32 v21, v21;
	_ =	sdelay $0x1  }
0x1ba: {  	v62 =	vadd.f32 v30, v29;
	v22 =	vmul.f32 v22, v22;
	v21 =	vadd.f32 v21, v61;
	_ =	sdelay $0x1  }
0x1bb: {  	vm0 =	vlt.f32 v62, v25;
	v21 =	vadd.f32 v22, v21  }
0x1bc: {  	v22 =	vsel vm0, v62, v25  }
0x1bd: {  	vm1 =	vlt.f32 v21, v22  }
0x1be: {  	v21 =	vsel vm1, v21, v22  }
0x1bf: {  	(xrf0) =	vmin.scan.msk.f32 $0xffff, v21;
	_ =	sdelay $0x5  }
0x1c0: {  	v22 =	vor.u32 s7, v18;
	v63, _, _ =	vpop (xrf0)  }
0x1c1: {  	v22 =	vsel vm0, v22, v23;
	v23 =	vor.u32 s6, v18;
	v24 =	vbroadcast v63, $0xF  }
0x1c2: {  	v22 =	vsel vm1, v23, v22  }
0x1c3: {  	vm0 =	veq.f32 v21, v24;
	v21 =	vxor.u32 $0x80000000, v22  }
0x1c4: {  	v21 =	vnsel vm0, $0xC0000000, v21  }
0x1c5: {  	(xrf0) =	vmin.scan.msk.u32 $0xffff, v21;
	_ =	sdelay $0x5  }
0x1c6: {  	v21, _, _ =	vpop (xrf0)  }
0x1c7: {  	(v2sf) =	vpush v21, $0xF;
	_ =	sdelay $0xe  }
0x1c8: {  	s3 =	spop (v2sf)  }
0x1c9: {  	s3 =	sxor.u32 $0x80000000, s3  }
0x1ca: {  	[tilespmem:$0x3300] =	vst v20;
	v21 =	vmov s3  }
0x1cb: {  	[tilespmem:$0x4310] =	vst v21  }
.LBB2_20:
0x1cc: {  	s3 =	smax.u32 s5, $0x1  }
0x1cd: {  	s3 =	sadd.s32 $0xF, s3  }
0x1ce: {  	s18 =	sand.u32 $0xF, s3  }
0x1cf: {  	s19 =	sshra.s32 s3, $0x1F;
	p2 =	slt.s32 s3, $0x1;
	p1 =	sne.s32 s18, $0x0  }
0x1d0: {  	s5 =	sshrl.u32 s19, $0x1C;
	p1 =	por !p2, !p1  }
0x1d1: {  	s3 =	sadd.s32 s5, s3;
	s5 =	simm.s32 $0x1;
	p1 =	por !p1, !p1  }
0x1d2: {  	s3 =	sshra.s32 s3, $0x4;
	s5 =	simm.s32 @!p1 $0x0  }
0x1d3: {  	s5 =	ssub.s32 s3, s5  }
0x1d4: {  	p1 =	slt.s32 s5, $0x1  }
.Ltmp18:
0x1d5: {  	_ = 	snop;
	(pc) =	sbr.rel @p1 .LBB2_21-.Ltmp18, $2  }
0x1d6: {  	_ =	sdelay $0x2  }
0x1d7: {  	v21 =	vimm.s32 $0x0  }
0x1d8: {  	p2 =	sne.s32 s5, $0x1  }
.Ltmp19:
0x1d9: {  	_ = 	snop;
	(pc) =	sbr.rel @!p2 .LBB2_23-.Ltmp19, $4  }
0x1da: {  	_ = 	snop  }
0x1db: {  	s3 =	simm.s32 $0x3300  }
0x1dc: {  	s6 =	simm.s32 $0x4310;
	v25 =	vld [tilespmem:s3+$0x0]  }
0x1dd: {  	v22 =	vimm.f32 $+Inf;
	s7 =	sadd.s32 $0xFFFFFFFF, s5;
	p1 =	por $0x0, $0x0;
	v26 =	vld [tilespmem:s6+$0x0]  }
0x1de: {  	_ =	sdelay $0x3  }
0x1df: {  	(xrf1) =	vsort.dscd.msk.f32 $0xffff, v25, v26;
	_ =	sdelay $0xd  }
0x1e0: {  	v23, v24, _ =	vpop (xrf1)  }
0x1e1: {  	vm0 =	vle.f32 v22, v23  }
0x1e2: {  	v23 =	vsel vm0, v22, v23;
	v24 =	vsel vm0, v21, v24  }
0x1e3: {  	(xrf1) =	vsort.dscd.msk.f32 $0xffff, v23, v24;
	_ =	sdelay $0x6  }
0x1e4: {  	p2 =	sne.s32 s7, $0x1  }
.Ltmp20:
0x1e5: {  	s5 =	simm.s32 $0x3310;
	(pc) =	sbr.rel @!p2 .LBB2_25-.Ltmp20, $3  }
0x1e6: {  	s6 =	simm.s32 $0x4320;
	v25 =	vld [tilespmem:s5+$0x0]  }
0x1e7: {  	v26 =	vld [tilespmem:s6+$0x0];
	_ =	sdelay $0x1  }
0x1e8: {  	s7 =	sadd.s32 $0xFFFFFFFF, s7;
	p1 =	por $0x1, $0x1;
	v24 =	vimm.f32 $+Inf;
	v23 =	vimm.s32 $0x0  }
.LBB2_26:
0x1e9: {  	p2 =	sne.s32 s7, $0x1  }
0x1ea: {  	v27, v28, _ =	vpop (xrf1)  }
0x1eb: {  	(xrf1) =	vsort.dscd.msk.f32 $0xffff, v25, v26;
	vm0 =	vle.f32 v24, v27  }
0x1ec: {  	v25 =	vsel vm0, v24, v27;
	v24 =	vsel vm0, v27, v24;
	v26 =	vsel vm0, v28, v23  }
0x1ed: {  	v23 =	vsel vm0, v23, v28;
	(xrf1) =	vsort.ascd.msk.f32 $0xffff, v24, v26  }
0x1ee: {  	(xrf1) =	vsort.ascd.msk.f32 $0xffff, v25, v23;
	_ =	sdelay $0xa  }
0x1ef: {  	v25, v26, _ =	vpop (xrf1);
	_ =	sdelay $0x1  }
0x1f0: {  	v27, v28, _ =	vpop (xrf1)  }
0x1f1: {  	vm0 =	vle.f32 v27, v25;
	v24, v23, _ =	vpop (xrf1)  }
0x1f2: {  	v25 =	vsel vm0, v27, v25;
	v26 =	vsel vm0, v28, v26  }
0x1f3: {  	(xrf1) =	vsort.dscd.msk.f32 $0xffff, v25, v26;
	_ =	sdelay $0x7  }
.Ltmp21:
0x1f4: {  	s5 =	sadd.s32 $0x10, s5;
	(pc) =	sbr.rel @p2 .LBB2_26-.Ltmp21, $3  }
0x1f5: {  	s6 =	sadd.s32 $0x10, s6;
	v25 =	vld [tilespmem:s5+$0x0]  }
0x1f6: {  	v26 =	vld [tilespmem:s6+$0x0];
	_ =	sdelay $0x1  }
0x1f7: {  	s7 =	sadd.s32 $0xFFFFFFFF, s7  }
.LBB2_27:
0x1f8: {  	_ = 	snop  }
0x1f9: {  	v27, v28, _ =	vpop @p1 (xrf1)  }
0x1fa: {  	vm0 =	vle.f32 @p1 v24, v27  }
0x1fb: {  	(xrf1) =	vsort.dscd.msk.f32 $0xffff, v25, v26;
	v25 =	vsel @p1 vm0, v27, v24;
	v26 =	vsel @p1 vm0, v28, v23  }
0x1fc: {  	(xrf1) =	vsort.ascd.msk.f32 @p1 $0xffff, v25, v26;
	_ =	sdelay $0xc  }
0x1fd: {  	v25, v26, _ =	vpop (xrf1)  }
0x1fe: {  	v29, v30, _ =	vpop @p1 (xrf1)  }
0x1ff: {  	v24 =	vsel @p1 vm0, v24, v27;
	v57 =	vpsel p1, v29, v22  }
0x200: {  	v23 =	vsel @p1 vm0, v23, v28;
	v58 =	vpsel p1, v30, v21;
	vm0 =	vle.f32 v57, v25  }
0x201: {  	(xrf1) =	vsort.ascd.msk.f32 @p1 $0xffff, v24, v23;
	v23 =	vsel vm0, v57, v25;
	v59 =	vsel vm0, v58, v26  }
0x202: {  	(xrf1) =	vsort.dscd.msk.f32 $0xffff, v23, v59;
	_ =	sdelay $0xc  }
0x203: {  	v23, v24, _ =	vpop @p1 (xrf1)  }
0x204: {  	v22 =	vpsel p1, v23, v22;
	v23, v60, _ =	vpop (xrf1)  }
0x205: {  	v21 =	vpsel p1, v24, v21;
	vm0 =	vle.f32 v22, v23  }
0x206: {  	v61 =	vsel vm0, v23, v22;
	v62 =	vsel vm0, v60, v21  }
0x207: {  	v22 =	vsel vm0, v22, v23;
	v21 =	vsel vm0, v21, v60;
	(xrf1) =	vsort.ascd.msk.f32 $0xffff, v61, v62  }
0x208: {  	(xrf1) =	vsort.ascd.msk.f32 $0xffff, v22, v21;
	_ =	sdelay $0xa  }
.Ltmp22:
0x209: {  	_ = 	snop;
	(pc) =	sbr.rel .LBB2_28-.Ltmp22, $4  }
0x20a: {  	_ = 	snop  }
0x20b: {  	v23, v22, _ =	vpop (xrf1)  }
0x20c: {  	v63, v21, _ =	vpop (xrf1)  }
0x20d: {  	vm1 =	veq.f32 v23, $+Inf;
	vm0 =	veq.f32 v63, $+Inf  }
.LBB2_23:
.Ltmp23:
0x20e: {  	(pc) =	sbr.rel .LBB2_27-.Ltmp23, $2  }
0x20f: {  	_ =	sdelay $0x2  }
0x210: {  	v24 =	vimm.f32 $+Inf;
	v23 =	vimm.s32 $0x0  }
.LBB2_25:
.Ltmp24:
0x211: {  	(pc) =	sbr.rel .LBB2_27-.Ltmp24, $2  }
0x212: {  	_ =	sdelay $0x2  }
0x213: {  	v24 =	vimm.f32 $+Inf;
	v23 =	vimm.s32 $0x0  }
.LBB2_29:
0x214: {  	v21 =	vld [tilespmem:$0x5320]  }
0x215: {  	v22 =	vld [tilespmem:$0x5330]  }
0x216: {  	v23 =	vld [tilespmem:$0x5340]  }
0x217: {  	v24 =	vld [tilespmem:$0x5350]  }
0x218: {  	v25 =	vld [tilespmem:$0x5360]  }
0x219: {  	v26 =	vld [tilespmem:$0x5370];
	v21 =	vadd.s32 v0, v21  }
0x21a: {  	[tilespmem:$0x5420] =	vst v21;
	v21 =	vadd.s32 v0, v22;
	v22 =	vld [tilespmem:$0x5380]  }
0x21b: {  	[tilespmem:$0x5430] =	vst v21;
	v21 =	vadd.s32 v0, v23;
	v23 =	vld [tilespmem:$0x5390]  }
0x21c: {  	[tilespmem:$0x5440] =	vst v21;
	v21 =	vadd.s32 v0, v24  }
0x21d: {  	[tilespmem:$0x5450] =	vst v21;
	v21 =	vadd.s32 v0, v25  }
0x21e: {  	[tilespmem:$0x5460] =	vst v21;
	v21 =	vadd.s32 v0, v26  }
0x21f: {  	[tilespmem:$0x5470] =	vst v21;
	v21 =	vadd.s32 v0, v22  }
0x220: {  	s3 =	sshll.u32 s15, $0x5;
	[tilespmem:$0x5480] =	vst v21;
	v21 =	vadd.s32 v0, v23  }
0x221: {  	p1 =	sne.s32 s15, $0x0;
	s5 =	simm.s32 $0x5320;
	s3 =	sadd.s32 s3, s12;
	[tilespmem:$0x5490] =	vst v21  }
0x222: {  	[hbm4b:s3+s1] =	stream.linear.scatter [tilespmem:s5], [sflag:$0x5], $0x80, $0x38;
	[tilespmem:$0xF5C0] =	vst v63  }
0x223: {  	s3 =	simm.s32 @p1 $0x3  }
0x224: {  	_ =	swait.ge @p1 [sflag:s3], $0x2800  }
0x225: {  	[sflag:s3] =	ssyncset.done @p1 $0x0  }
0x226: {  	s6 =	simm.s32 @p1 $0x5520;
	[sflag:s3] =	ssyncadd.s32 @p1 $0xFFFFD800  }
0x227: {  	s5 =	simm.s32 @p1 $0x5420;
	s3 =	simm.s32 @p1 $0x80;
	s1 =	rddreg [dreg:$0x2]  }
0x228: {  	[tilespmem:s6], [sflag:$0x1] =	stream.indirect.gather @p1 [hbm4b:s1+s3], $0x50, s5, s3, $0xb8;
	[tilespmem:$0xF5C0] =	vst v63  }
0x229: {  	s3 =	simm.s32 @p1 $0x6  }
0x22a: {  	_ =	swait.ge @p1 [sflag:s3], $0x80  }
0x22b: {  	s8 =	simm.s32 $0x0;
	[sflag:s3] =	ssyncset.done @p1 $0x0;
	s5 =	rddreg [dreg:$0xc]  }
0x22c: {  	[sflag:s3] =	ssyncadd.s32 @p1 $0xFFFFFF80;
	s3 =	simm.s32 @p1 $0x2;
	s5 =	sadd.s32 @p1 s16, s5  }
0x22d: {  	s16 =	sor.u32 @p1 $0x1, s31;
	_ =	swait.ge @p1 [sflag:s3], $0x2800;
	s5 =	smul.u32 @p1 $0xA00, s5  }
0x22e: {  	s6 =	simm.s32 @p1 $0x7D20;
	s16 =	simm.s32 @!p1 $0x1;
	[sflag:s3] =	ssyncset.done @p1 $0x0  }
.Ltmp25:
0x22f: {  	[sflag:s3] =	ssyncadd.s32 @p1 $0xFFFFD800;
	s3 =	sshrl.u32 @p1 s5, $0x3;
	(pc) =	sbr.rel .LBB2_30-.Ltmp25, $4  }
0x230: {  	s31 =	sshll.u32 s16, $0x2;
	s5 =	simm.s32 @p1 $0x0;
	s3 =	sadd.s32 @p1 s4, s3  }
0x231: {  	[hbm4b:s3+s5] =	stream.linear.scatter @p1 [tilespmem:s6], [sflag:$0x4], $0x2800, $0x38;
	[tilespmem:$0xF5C0] =	vst v63  }
0x232: {  	s3 =	simm.s32 @!p1 $0x80;
	s5 =	simm.s32 @!p1 $0x5420;
	s6 =	simm.s32 @!p1 $0x5520  }
0x233: {  	[tilespmem:s6], [sflag:$0x1] =	stream.indirect.gather @!p1 [hbm4b:s1+s3], $0x50, s5, s3, $0xb8;
	[tilespmem:$0xF5C0] =	vst v63  }
.LBB2_44:
0x234: {  	vm0 =	vmmov $0xffff  }
0x235: {  	v22 =	vimm.s32 $0x0;
	vm1 =	vmmov vm0  }
.LBB2_51:
0x236: {  	v23 =	vnsel vm15, $0x0, v21  }
0x237: {  	(xrf0) =	vadd.scan.msk.s32 $0xffff, v23;
	_ =	sdelay $0x4  }
0x238: {  	s3 =	sshll.u32 s8, $0x5;
	s8 =	sadd.s32 $0x1, s8  }
0x239: {  	p1 =	sne.s32 s8, $0x4;
	v23, _, _ =	vpop (xrf0)  }
.Ltmp26:
0x23a: {  	v23 =	vbroadcast v23, $0xF;
	(pc) =	sbr.rel @!p1 .LBB2_52-.Ltmp26, $4  }
0x23b: {  	_ = 	snop  }
0x23c: {  	s3 =	sand.u32 $0x3FFFFFE0, s3;
	v21 =	vsel vm0, v23, v21  }
0x23d: {  	[tilespmem:s3+$0x53A0] =	vst v21;
	v21 =	vsel vm1, v23, v22  }
0x23e: {  	[tilespmem:s3+$0x53B0] =	vst v21  }
.LBB2_30:
0x23f: {  	s3 =	sadd.s32 s31, s8  }
0x240: {  	v23 =	vmov s3;
	_ =	sdelay $0x4  }
0x241: {  	v22 =	vld.idx.msk [tilespmem:v23+s20+$0x0], $0xffff;
	_ =	sdelay $0x3  }
0x242: {  	v21 =	vld.idx.msk [tilespmem:v23+s21+$0x0], $0xffff  }
0x243: {  	v24 =	vadd.f32 $-2.000000030e-01, v22  }
0x244: {  	v25 =	vadd.f32 $2.000000030e-01, v22  }
0x245: {  	v24 =	vmax.f32 v24, $0.0e+00  }
0x246: {  	v25 =	vmin.f32 v25, $9.999999400e-01;
	v24 =	vmul.f32 $8.000000000e+00, v24  }
0x247: {  	v26 =	vadd.f32 $-2.000000030e-01, v21;
	v25 =	vmul.f32 $8.000000000e+00, v25  }
0x248: {  	v24 =	vtrunc.f32 v24  }
0x249: {  	v26 =	vmax.f32 v26, $0.0e+00;
	v25 =	vtrunc.f32 v25;
	v24 =	vcvt.f32.s32 v24  }
0x24a: {  	v26 =	vmul.f32 $8.000000000e+00, v26;
	v25 =	vcvt.f32.s32 v25  }
0x24b: {  	v24 =	vnsel vm15, $0x0, v24  }
0x24c: {  	v26 =	vtrunc.f32 v26;
	(xrf0) =	vadd.scan.msk.s32 $0xffff, v24;
	v24 =	vnsel vm15, $0x0, v25  }
0x24d: {  	v25 =	vcvt.f32.s32 v26;
	(xrf0) =	vadd.scan.msk.s32 $0xffff, v24;
	_ =	sdelay $0x1  }
0x24e: {  	v24 =	vnsel vm15, $0x0, v25;
	_ =	sdelay $0x2  }
0x24f: {  	(xrf0) =	vadd.scan.msk.s32 $0xffff, v24;
	v24, _, _ =	vpop (xrf0)  }
0x250: {  	v25, _, _ =	vpop (xrf0);
	(v2sf) =	vpush v24, $0xF  }
0x251: {  	(v2sf) =	vpush v25, $0xF;
	_ =	sdelay $0x5  }
0x252: {  	v24, _, _ =	vpop (xrf0)  }
0x253: {  	(v2sf) =	vpush v24, $0xF;
	_ =	sdelay $0x6  }
0x254: {  	s10 =	spop (v2sf)  }
0x255: {  	s9 =	spop (v2sf)  }
0x256: {  	s19 =	sadd.s32 $0x1, s9  }
0x257: {  	p1 =	sge.s32 s10, s19  }
.Ltmp27:
0x258: {  	_ = 	snop;
	(pc) =	sbr.rel @p1 .LBB2_38-.Ltmp27, $2  }
0x259: {  	v24 =	vld.idx.msk [tilespmem:v23+s22+$0x0], $0xffff;
	_ =	sdelay $0x2  }
0x25a: {  	v25 =	vimm.s32 $0x0;
	v23 =	vimm.s32 $0x0;
	s14 =	spop (v2sf)  }
0x25b: {  	v25 =	vadd.f32 $2.000000030e-01, v21;
	_ =	sdelay $0x1  }
0x25c: {  	v25 =	vmin.f32 v25, $9.999999400e-01  }
0x25d: {  	v25 =	vmul.f32 $8.000000000e+00, v25;
	_ =	sdelay $0x1  }
0x25e: {  	v25 =	vtrunc.f32 v25  }
0x25f: {  	v25 =	vcvt.f32.s32 v25;
	_ =	sdelay $0x1  }
0x260: {  	v25 =	vnsel vm15, $0x0, v25  }
0x261: {  	(xrf0) =	vadd.scan.msk.s32 $0xffff, v25;
	_ =	sdelay $0x5  }
0x262: {  	v25, _, _ =	vpop (xrf0)  }
0x263: {  	(v2sf) =	vpush v25, $0xF;
	_ =	sdelay $0xb  }
.Ltmp28:
0x264: {  	_ = 	snop;
	(pc) =	sbr.rel .LBB2_32-.Ltmp28, $3  }
0x265: {  	_ =	sdelay $0x1  }
0x266: {  	s3 =	spop (v2sf)  }
0x267: {  	v27 =	vimm.s32 $0x0;
	s17 =	sadd.s32 $0x1, s3  }
.LBB2_35:
0x268: {  	_ =	sdelay $0x4  }
0x269: {  	[tilespmem:v28+s0+$0x0] =	vst.idx.msk vm1, v29  }
.LBB2_36:
0x26a: {  	p1 =	sne.s32 s10, s9  }
.Ltmp29:
0x26b: {  	_ = 	snop;
	(pc) =	sbr.rel @!p1 .LBB2_37-.Ltmp29, $3  }
0x26c: {  	_ =	sdelay $0x1  }
0x26d: {  	s3 =	sadd.s32 $0x1, s10  }
0x26e: {  	s10 =	smov.u32 s3  }
.LBB2_32:
0x26f: {  	s3 =	sshll.u32 s10, $0x3  }
0x270: {  	s5 =	sadd.s32 s14, s3  }
0x271: {  	s3 =	sadd.s32 s3, s17;
	v25 =	vmov s5  }
0x272: {  	v26 =	vmov s3;
	_ =	sdelay $0x3  }
0x273: {  	v25 =	vld.idx.msk [tilespmem:v25+s30+$0x0], $0xffff  }
0x274: {  	v26 =	vld.idx.msk [tilespmem:v26+s30+$0x0], $0xffff;
	_ =	sdelay $0x3  }
0x275: {  	v25 =	vnsel vm15, $0x0, v25  }
0x276: {  	(xrf0) =	vadd.scan.msk.s32 $0xffff, v25;
	v25 =	vnsel vm15, $0x0, v26  }
0x277: {  	(xrf0) =	vadd.scan.msk.s32 $0xffff, v25;
	_ =	sdelay $0x4  }
0x278: {  	v25, _, _ =	vpop (xrf0)  }
0x279: {  	(v2sf) =	vpush v25, $0xF;
	v26, _, _ =	vpop (xrf0)  }
0x27a: {  	(v2sf) =	vpush v26, $0xF;
	_ =	sdelay $0xd  }
0x27b: {  	s1 =	spop (v2sf)  }
0x27c: {  	s11 =	sshra.s32 s1, $0x1F;
	s6 =	spop (v2sf);
	s7 =	sand.u32 $0xF, s1  }
0x27d: {  	p1 =	slt.s32 s1, $0x1;
	s5 =	sshrl.u32 s11, $0x1C;
	s6 =	sadd.s32 $0xF, s6  }
0x27e: {  	p2 =	sne.s32 s7, $0x0;
	s7 =	simm.s32 $0x1;
	s11 =	simm.s32 $0x1  }
0x27f: {  	s5 =	sadd.s32 s5, s1;
	s13 =	sand.u32 $0xF, s6;
	p1 =	por !p1, !p2  }
0x280: {  	p6 =	slt.s32 s6, $0x1;
	s19 =	sshra.s32 s6, $0x1F;
	p3 =	sne.s32 s13, $0x0  }
0x281: {  	s18 =	sshra.s32 s5, $0x4;
	s5 =	sshrl.u32 s19, $0x1C;
	p2 =	por !p6, !p3  }
0x282: {  	p1 =	por !p1, !p1;
	s5 =	sadd.s32 s5, s6;
	p2 =	por !p2, !p2  }
0x283: {  	s7 =	simm.s32 @!p1 $0x0;
	s5 =	sshra.s32 s5, $0x4;
	s11 =	simm.s32 @!p2 $0x0  }
0x284: {  	s6 =	ssub.s32 s18, s7;
	s18 =	ssub.s32 s5, s11  }
0x285: {  	p1 =	sge.s32 s6, s18  }
.Ltmp30:
0x286: {  	_ = 	snop;
	(pc) =	sbr.rel @p1 .LBB2_36-.Ltmp30, $1  }
0x287: {  	_ =	sdelay $0x3  }
0x288: {  	s3 =	sshll.u32 s6, $0x6  }
0x289: {  	s3 =	sshra.s32 s3, $0x2  }
0x28a: {  	s19 =	sadd.s32 $0xC520, s3  }
0x28b: {  	s5 =	sadd.s32 $0xB520, s3;
	v28 =	vld [tilespmem:s19+$0x0]  }
0x28c: {  	v29 =	vld [tilespmem:s5+$0x0]  }
0x28d: {  	s7 =	sadd.s32 $0xD520, s3  }
0x28e: {  	v30 =	vld [tilespmem:s7+$0x0];
	_ =	sdelay $0x2  }
0x28f: {  	v28 =	vsub.f32 v28, v21;
	v29 =	vsub.f32 v29, v22;
	_ =	sdelay $0x1  }
0x290: {  	v30 =	vsub.f32 v30, v24;
	v29 =	vmul.f32 v29, v29;
	v28 =	vmul.f32 v28, v28;
	_ =	sdelay $0x1  }
0x291: {  	v28 =	vadd.f32 v28, v29;
	v29 =	vmul.f32 v30, v30;
	_ =	sdelay $0x1  }
0x292: {  	v25 =	vbroadcast v25, $0xF;
	s13 =	sshll.u32 s6, $0x4;
	v29 =	vadd.f32 v29, v28  }
0x293: {  	v26 =	vbroadcast v26, $0xF;
	v28 =	vor.u32 s13, v18  }
0x294: {  	vm1 =	vge.s32 v28, v25;
	vm0 =	vlt.f32 v29, $3.999999910e-02  }
0x295: {  	vm0 =	vmand vm1, vm0;
	vm1 =	vlt.s32 v28, v26  }
0x296: {  	vm1 =	vmand vm1, vm0  }
0x297: {  	v28 =	vsel vm1, $0x1, v1  }
0x298: {  	(xrf0) =	vadd.scan.msk.s32 $0xffff, v28;
	_ =	sdelay $0x5  }
0x299: {  	v28, _, _ =	vpop (xrf0)  }
0x29a: {  	v28 =	vadd.s32 v28, v27  }
0x29b: {  	v28 =	vadd.s32 $0xFFFFFFFF, v28;
	_ =	sdelay $0x3  }
0x29c: {  	s6 =	sadd.s32 $0x1, s6  }
0x29d: {  	p1 =	slt.s32 s6, s18;
	s3 =	sadd.s32 $0xE520, s3;
	[tilespmem:v28+s2+$0x0] =	vst.idx.msk vm1, v29  }
.Ltmp31:
0x29e: {  	v29 =	vld [tilespmem:s3+$0x0];
	(pc) =	sbr.rel @!p1 .LBB2_35-.Ltmp31, $3  }
0x29f: {  	_ = 	snop  }
0x2a0: {  	v30 =	vmpcnt.ones.xlane vm1;
	_ =	sdelay $0x1  }
0x2a1: {  	s7 =	sadd.s32 $0x10, s7;
	s11 =	sadd.s32 $0x10, s3;
	s13 =	sadd.s32 $0x10, s13;
	v27 =	vadd.s32 v27, v30  }
.LBB2_34:
0x2a2: {  	s6 =	sadd.s32 $0x1, s6;
	[tilespmem:v28+s0+$0x0] =	vst.idx.msk vm1, v29;
	s5 =	sadd.s32 $0x10, s5;
	s19 =	sadd.s32 $0x10, s19;
	v28 =	vmov v27  }
0x2a3: {  	v29 =	vld [tilespmem:s19+$0x0];
	p1 =	slt.s32 s6, s18  }
0x2a4: {  	v30 =	vld [tilespmem:s5+$0x0];
	_ =	sdelay $0x1  }
0x2a5: {  	v31 =	vld [tilespmem:s7+$0x0];
	_ =	sdelay $0x1  }
0x2a6: {  	v29 =	vsub.f32 v29, v21  }
0x2a7: {  	v30 =	vsub.f32 v30, v22;
	_ =	sdelay $0x1  }
0x2a8: {  	v29 =	vmul.f32 v29, v29;
	v31 =	vsub.f32 v31, v24;
	v30 =	vmul.f32 v30, v30;
	_ =	sdelay $0x1  }
0x2a9: {  	v29 =	vadd.f32 v29, v30;
	v30 =	vmul.f32 v31, v31;
	_ =	sdelay $0x1  }
0x2aa: {  	v29 =	vadd.f32 v30, v29  }
0x2ab: {  	v30 =	vor.u32 s13, v18  }
0x2ac: {  	vm1 =	vge.s32 v30, v25;
	vm0 =	vlt.f32 v29, $3.999999910e-02  }
0x2ad: {  	vm0 =	vmand vm1, vm0;
	vm1 =	vlt.s32 v30, v26  }
0x2ae: {  	vm1 =	vmand vm1, vm0  }
0x2af: {  	v30 =	vsel vm1, $0x1, v1;
	v31 =	vmpcnt.ones.xlane vm1  }
0x2b0: {  	(xrf0) =	vadd.scan.msk.s32 $0xffff, v30  }
0x2b1: {  	v27 =	vadd.s32 v27, v31;
	_ =	sdelay $0x4  }
0x2b2: {  	v30, _, _ =	vpop (xrf0)  }
0x2b3: {  	v28 =	vadd.s32 v30, v28  }
0x2b4: {  	v28 =	vadd.s32 $0xFFFFFFFF, v28;
	_ =	sdelay $0x4  }
0x2b5: {  	[tilespmem:v28+s2+$0x0] =	vst.idx.msk vm1, v29  }
.Ltmp32:
0x2b6: {  	v29 =	vld [tilespmem:s11+$0x0];
	(pc) =	sbr.rel @p1 .LBB2_34-.Ltmp32, $2  }
0x2b7: {  	_ =	sdelay $0x2  }
0x2b8: {  	s7 =	sadd.s32 $0x10, s7;
	s13 =	sadd.s32 $0x10, s13;
	s11 =	sadd.s32 $0x10, s11  }
.Ltmp33:
0x2b9: {  	_ = 	snop;
	(pc) =	sbr.rel .LBB2_35-.Ltmp33, $1  }
0x2ba: {  	_ =	sdelay $0x3  }
.LBB2_37:
0x2bb: {  	v25 =	vnsel vm15, $0x0, v27  }
.LBB2_38:
0x2bc: {  	(xrf0) =	vadd.scan.msk.s32 $0xffff, v25;
	_ =	sdelay $0x5  }
0x2bd: {  	v25, _, _ =	vpop (xrf0)  }
0x2be: {  	(v2sf) =	vpush v25, $0xF;
	_ =	sdelay $0xe  }
0x2bf: {  	s5 =	spop (v2sf)  }
0x2c0: {  	p1 =	sne.s32 s5, $0x0  }
.Ltmp34:
0x2c1: {  	_ = 	snop;
	(pc) =	sbr.rel @!p1 .LBB2_39-.Ltmp34, $1  }
0x2c2: {  	_ =	sdelay $0x3  }
.Ltmp35:
0x2c3: {  	(pc) =	sbr.rel .LBB2_43-.Ltmp35, $2  }
0x2c4: {  	_ =	sdelay $0x2  }
0x2c5: {  	[tilespmem:s5+$0x3300] =	vst v19  }
.LBB2_39:
0x2c6: {  	s3 =	simm.s32 $0x1000  }
0x2c7: {  	s7 =	simm.s32 $0x0;
	v26 =	vld [tilespmem:s3+$0x0]  }
0x2c8: {  	v25 =	vld [tilespmem:s7+$0x0]  }
0x2c9: {  	s19 =	simm.s32 $0x2000  }
0x2ca: {  	v27 =	vld [tilespmem:s19+$0x0];
	_ =	sdelay $0x1  }
0x2cb: {  	s6 =	simm.s32 $0x10;
	v26 =	vsub.f32 v26, v21  }
0x2cc: {  	s9 =	simm.s32 $0x1010;
	v28 =	vld [tilespmem:s6+$0x0];
	v25 =	vsub.f32 v25, v22  }
0x2cd: {  	s10 =	simm.s32 $0x2010;
	v31 =	vmul.f32 v26, v26;
	v26 =	vld [tilespmem:s9+$0x0]  }
0x2ce: {  	v30 =	vsub.f32 v27, v24;
	v27 =	vld [tilespmem:s10+$0x0];
	v29 =	vmul.f32 v25, v25;
	_ =	sdelay $0x1  }
0x2cf: {  	v30 =	vmul.f32 v30, v30;
	v29 =	vadd.f32 v31, v29  }
0x2d0: {  	s11 =	simm.s32 $0x20;
	s13 =	simm.s32 $0x20;
	v28 =	vsub.f32 v28, v22;
	v25 =	vimm.f32 $+Inf  }
.LBB2_40:
0x2d1: {  	v31 =	vld [tilespmem:s13+$0x0];
	v32 =	vsub.f32 v26, v21;
	s9 =	sadd.s32 $0x10, s9;
	v29 =	vadd.f32 v30, v29;
	s3 =	smov.u32 s11;
	p1 =	sne.s32 s11, $0xFF0  }
.Ltmp36:
0x2d2: {  	s11 =	sadd.s32 $0x10, s11;
	s10 =	sadd.s32 $0x10, s10;
	v33 =	vor.u32 s7, v18;
	v26 =	vld [tilespmem:s9+$0x0];
	v30 =	vsub.f32 v27, v24;
	(pc) =	sbr.rel @p1 .LBB2_40-.Ltmp36, $4  }
0x2d3: {  	s7 =	smov.u32 s6;
	v28 =	vmul.f32 v28, v28;
	s6 =	smov.u32 s3;
	v27 =	vld [tilespmem:s10+$0x0];
	v32 =	vmul.f32 v32, v32;
	vm0 =	vlt.f32 v29, v25  }
0x2d4: {  	v25 =	vsel vm0, v29, v25;
	v23 =	vsel vm0, v33, v23  }
0x2d5: {  	v30 =	vmul.f32 v30, v30;
	v29 =	vadd.f32 v32, v28  }
0x2d6: {  	s13 =	sadd.s32 $0x10, s13;
	v28 =	vsub.f32 v31, v22  }
0x2d7: {  	v21 =	vsub.f32 v26, v21;
	_ =	sdelay $0x1  }
0x2d8: {  	v22 =	vsub.f32 v27, v24;
	v61 =	vmul.f32 v28, v28;
	v21 =	vmul.f32 v21, v21;
	_ =	sdelay $0x1  }
0x2d9: {  	v62 =	vadd.f32 v30, v29;
	v22 =	vmul.f32 v22, v22;
	v21 =	vadd.f32 v21, v61;
	_ =	sdelay $0x1  }
0x2da: {  	vm0 =	vlt.f32 v62, v25;
	v21 =	vadd.f32 v22, v21  }
0x2db: {  	v22 =	vsel vm0, v62, v25  }
0x2dc: {  	vm1 =	vlt.f32 v21, v22  }
0x2dd: {  	v21 =	vsel vm1, v21, v22  }
0x2de: {  	(xrf0) =	vmin.scan.msk.f32 $0xffff, v21;
	_ =	sdelay $0x5  }
0x2df: {  	v22 =	vor.u32 s7, v18;
	v63, _, _ =	vpop (xrf0)  }
0x2e0: {  	v22 =	vsel vm0, v22, v23;
	v23 =	vor.u32 s6, v18;
	v24 =	vbroadcast v63, $0xF  }
0x2e1: {  	v22 =	vsel vm1, v23, v22  }
0x2e2: {  	vm0 =	veq.f32 v21, v24;
	v21 =	vxor.u32 $0x80000000, v22  }
0x2e3: {  	v21 =	vnsel vm0, $0xC0000000, v21  }
0x2e4: {  	(xrf0) =	vmin.scan.msk.u32 $0xffff, v21;
	_ =	sdelay $0x5  }
0x2e5: {  	v21, _, _ =	vpop (xrf0)  }
0x2e6: {  	(v2sf) =	vpush v21, $0xF;
	_ =	sdelay $0xe  }
0x2e7: {  	s3 =	spop (v2sf)  }
0x2e8: {  	s3 =	sxor.u32 $0x80000000, s3  }
0x2e9: {  	[tilespmem:$0x3300] =	vst v20;
	v21 =	vmov s3  }
0x2ea: {  	[tilespmem:$0x4310] =	vst v21  }
.LBB2_43:
0x2eb: {  	s3 =	smax.u32 s5, $0x1  }
0x2ec: {  	s3 =	sadd.s32 $0xF, s3  }
0x2ed: {  	s18 =	sand.u32 $0xF, s3  }
0x2ee: {  	s19 =	sshra.s32 s3, $0x1F;
	p2 =	slt.s32 s3, $0x1;
	p1 =	sne.s32 s18, $0x0  }
0x2ef: {  	s5 =	sshrl.u32 s19, $0x1C;
	p1 =	por !p2, !p1  }
0x2f0: {  	s3 =	sadd.s32 s5, s3;
	s5 =	simm.s32 $0x1;
	p1 =	por !p1, !p1  }
0x2f1: {  	s3 =	sshra.s32 s3, $0x4;
	s5 =	simm.s32 @!p1 $0x0  }
0x2f2: {  	s5 =	ssub.s32 s3, s5  }
0x2f3: {  	p1 =	slt.s32 s5, $0x1  }
.Ltmp37:
0x2f4: {  	_ = 	snop;
	(pc) =	sbr.rel @p1 .LBB2_44-.Ltmp37, $2  }
0x2f5: {  	_ =	sdelay $0x2  }
0x2f6: {  	v21 =	vimm.s32 $0x0  }
0x2f7: {  	p2 =	sne.s32 s5, $0x1  }
.Ltmp38:
0x2f8: {  	_ = 	snop;
	(pc) =	sbr.rel @!p2 .LBB2_46-.Ltmp38, $4  }
0x2f9: {  	_ = 	snop  }
0x2fa: {  	s3 =	simm.s32 $0x3300  }
0x2fb: {  	s6 =	simm.s32 $0x4310;
	v25 =	vld [tilespmem:s3+$0x0]  }
0x2fc: {  	v22 =	vimm.f32 $+Inf;
	s7 =	sadd.s32 $0xFFFFFFFF, s5;
	p1 =	por $0x0, $0x0;
	v26 =	vld [tilespmem:s6+$0x0]  }
0x2fd: {  	_ =	sdelay $0x3  }
0x2fe: {  	(xrf1) =	vsort.dscd.msk.f32 $0xffff, v25, v26;
	_ =	sdelay $0xd  }
0x2ff: {  	v23, v24, _ =	vpop (xrf1)  }
0x300: {  	vm0 =	vle.f32 v22, v23  }
0x301: {  	v23 =	vsel vm0, v22, v23;
	v24 =	vsel vm0, v21, v24  }
0x302: {  	(xrf1) =	vsort.dscd.msk.f32 $0xffff, v23, v24;
	_ =	sdelay $0x6  }
0x303: {  	p2 =	sne.s32 s7, $0x1  }
.Ltmp39:
0x304: {  	s5 =	simm.s32 $0x3310;
	(pc) =	sbr.rel @!p2 .LBB2_48-.Ltmp39, $3  }
0x305: {  	s6 =	simm.s32 $0x4320;
	v25 =	vld [tilespmem:s5+$0x0]  }
0x306: {  	v26 =	vld [tilespmem:s6+$0x0];
	_ =	sdelay $0x1  }
0x307: {  	s7 =	sadd.s32 $0xFFFFFFFF, s7;
	p1 =	por $0x1, $0x1;
	v24 =	vimm.f32 $+Inf;
	v23 =	vimm.s32 $0x0  }
.LBB2_49:
0x308: {  	p2 =	sne.s32 s7, $0x1  }
0x309: {  	v27, v28, _ =	vpop (xrf1)  }
0x30a: {  	(xrf1) =	vsort.dscd.msk.f32 $0xffff, v25, v26;
	vm0 =	vle.f32 v24, v27  }
0x30b: {  	v25 =	vsel vm0, v24, v27;
	v24 =	vsel vm0, v27, v24;
	v26 =	vsel vm0, v28, v23  }
0x30c: {  	v23 =	vsel vm0, v23, v28;
	(xrf1) =	vsort.ascd.msk.f32 $0xffff, v24, v26  }
0x30d: {  	(xrf1) =	vsort.ascd.msk.f32 $0xffff, v25, v23;
	_ =	sdelay $0xa  }
0x30e: {  	v25, v26, _ =	vpop (xrf1);
	_ =	sdelay $0x1  }
0x30f: {  	v27, v28, _ =	vpop (xrf1)  }
0x310: {  	vm0 =	vle.f32 v27, v25;
	v24, v23, _ =	vpop (xrf1)  }
0x311: {  	v25 =	vsel vm0, v27, v25;
	v26 =	vsel vm0, v28, v26  }
0x312: {  	(xrf1) =	vsort.dscd.msk.f32 $0xffff, v25, v26;
	_ =	sdelay $0x7  }
.Ltmp40:
0x313: {  	s5 =	sadd.s32 $0x10, s5;
	(pc) =	sbr.rel @p2 .LBB2_49-.Ltmp40, $3  }
0x314: {  	s6 =	sadd.s32 $0x10, s6;
	v25 =	vld [tilespmem:s5+$0x0]  }
0x315: {  	v26 =	vld [tilespmem:s6+$0x0];
	_ =	sdelay $0x1  }
0x316: {  	s7 =	sadd.s32 $0xFFFFFFFF, s7  }
.LBB2_50:
0x317: {  	_ = 	snop  }
0x318: {  	v27, v28, _ =	vpop @p1 (xrf1)  }
0x319: {  	vm0 =	vle.f32 @p1 v24, v27  }
0x31a: {  	(xrf1) =	vsort.dscd.msk.f32 $0xffff, v25, v26;
	v25 =	vsel @p1 vm0, v27, v24;
	v26 =	vsel @p1 vm0, v28, v23  }
0x31b: {  	(xrf1) =	vsort.ascd.msk.f32 @p1 $0xffff, v25, v26;
	_ =	sdelay $0xc  }
0x31c: {  	v25, v26, _ =	vpop (xrf1)  }
0x31d: {  	v29, v30, _ =	vpop @p1 (xrf1)  }
0x31e: {  	v24 =	vsel @p1 vm0, v24, v27;
	v57 =	vpsel p1, v29, v22  }
0x31f: {  	v23 =	vsel @p1 vm0, v23, v28;
	v58 =	vpsel p1, v30, v21;
	vm0 =	vle.f32 v57, v25  }
0x320: {  	(xrf1) =	vsort.ascd.msk.f32 @p1 $0xffff, v24, v23;
	v23 =	vsel vm0, v57, v25;
	v59 =	vsel vm0, v58, v26  }
0x321: {  	(xrf1) =	vsort.dscd.msk.f32 $0xffff, v23, v59;
	_ =	sdelay $0xc  }
0x322: {  	v23, v24, _ =	vpop @p1 (xrf1)  }
0x323: {  	v22 =	vpsel p1, v23, v22;
	v23, v60, _ =	vpop (xrf1)  }
0x324: {  	v21 =	vpsel p1, v24, v21;
	vm0 =	vle.f32 v22, v23  }
0x325: {  	v61 =	vsel vm0, v23, v22;
	v62 =	vsel vm0, v60, v21  }
0x326: {  	v22 =	vsel vm0, v22, v23;
	v21 =	vsel vm0, v21, v60;
	(xrf1) =	vsort.ascd.msk.f32 $0xffff, v61, v62  }
0x327: {  	(xrf1) =	vsort.ascd.msk.f32 $0xffff, v22, v21;
	_ =	sdelay $0xa  }
.Ltmp41:
0x328: {  	_ = 	snop;
	(pc) =	sbr.rel .LBB2_51-.Ltmp41, $4  }
0x329: {  	_ = 	snop  }
0x32a: {  	v23, v22, _ =	vpop (xrf1)  }
0x32b: {  	v63, v21, _ =	vpop (xrf1)  }
0x32c: {  	vm1 =	veq.f32 v23, $+Inf;
	vm0 =	veq.f32 v63, $+Inf  }
.LBB2_46:
.Ltmp42:
0x32d: {  	(pc) =	sbr.rel .LBB2_50-.Ltmp42, $2  }
0x32e: {  	_ =	sdelay $0x2  }
0x32f: {  	v24 =	vimm.f32 $+Inf;
	v23 =	vimm.s32 $0x0  }
.LBB2_48:
.Ltmp43:
0x330: {  	(pc) =	sbr.rel .LBB2_50-.Ltmp43, $2  }
0x331: {  	_ =	sdelay $0x2  }
0x332: {  	v24 =	vimm.f32 $+Inf;
	v23 =	vimm.s32 $0x0  }
.LBB2_54:
0x333: {  	_ =	sfence.sel $0x180000  }
0x334: {  	[bflag:$0x0] =	sbarrier.arrive $0xFFFF  }
0x335: {  	_ =	strace $0x90000047  }
0x336: {  	s0 =	stileid.u32;
	[bflag:$0x2] =	sbarrier.arrive $0xFFFF  }
0x337: {  	p0 =	sne.s32 s0, $0x0;
	s0 =	rddreg [dreg:$0x4]  }
0x338: {  	s0 =	sadd.s32 @!p0 $0x100000, s0  }
0x339: {  	[sflag:s0] =	ssyncadd.tile.s32 @!p0 $0x1;
	_ =	shalt  }
.Lfunc_end2:
_tile_overlayer_lowered:
.L_overlay_start_2:
0x33a: {  	(tag) =	ssettag $0x2  }
0x33b: {  	s0 =	rddreg [dreg:$0x0];
	s2 =	stileid.u32  }
0x33c: {  	s1 =	rddreg [dreg:$0x1];
	p0 =	sne.s32 s2, $0x0  }
0x33d: {  	s3 =	rddreg [dreg:$0x2];
	[bflag:$0x3] =	sbarrier.arrive $0xFFFF;
	s2 =	simm.s32 @!p0 $0x1C07  }
0x33e: {  	[timem:s3], [sflag:s2] =	dma.local @!p0 [hbm:s0], s1  }
0x33f: {  	s0 =	simm.s32 @!p0 $0x7  }
0x340: {  	_ =	swait.ge @!p0 [sflag:s0], s1  }
0x341: {  	s1 =	ssub.s32 @!p0 $0x0, s1;
	[sflag:s0] =	ssyncset.done @!p0 $0x0  }
0x342: {  	[sflag:s0] =	ssyncadd.s32 @!p0 s1  }
0x343: {  	[bflag:$0x3] =	sbarrier.arrive $0xFFFF  }
0x344: {  	_ =	shalt  }

// kernel: sparse-core-data-format-call.cloned.1.call-start
scs
called_computation_lowered:
.L_overlay_start_0:
0x0: {  	s2 =	sld [smem:$0x3FD9]  }
0x1: {  	s3 =	sld [smem:$0x3FFE];
	_ =	sdelay $0x1  }
0x2: {  	s1 =	srdreg.scid  }
0x3: {  	s0 =	sand.u32 $0x1, s1  }
0x4: {  	s15 =	sshll.u32 s0, $0xA;
	s2 =	sadd.s32 s3, s2  }
0x5: {  	s2 =	sadd.s32 s2, s15  }
0x6: {  	[smem:$0x3FC5] =	sst s2  }
0x7: {  	_ = 	snop  }
0x8: {  	s2 =	sld [smem:$0x3FD0];
	_ =	sdelay $0x2  }
0x9: {  	s16 =	simm.s32 $0xA;
	s4 =	simm.s32 $0x10  }
0xa: {  	[smem:s4], [sflag:s16] =	dma.local [hbm:s2], $0x1  }
0xb: {  	_ =	swait.eq [sflag:s16], $0x1  }
0xc: {  	[sflag:s16] =	ssyncset.done $0x0  }
0xd: {  	[sflag:s16] =	ssyncadd.s32 $0xFFFFFFFF  }
0xe: {  	s17 =	sld [smem:$0x10];
	(tm) =	ssettm $0x1  }
0xf: {  	s18 =	sld [smem:$0x3FFB];
	_ =	sdelay $0x3  }
0x10: {  	_ =	strace s18  }
0x11: {  	s3 =	sld [smem:$0x3FFC];
	_ =	sdelay $0x3  }
0x12: {  	_ =	strace s3  }
0x13: {  	s3 =	sld [smem:$0x3FFD];
	_ =	sdelay $0x3  }
0x14: {  	_ =	strace s3  }
0x15: {  	_ =	strace $0x8FFFFFFF  }
0x16: {  	s19 =	sld [smem:$0x3FDB];
	_ =	sdelay $0x1  }
0x17: {  	s20 =	simm.s32 $_scs_section_size  }
0x18: {  	s5 =	simm.s32 $_size__tile_overlayer_lowered;
	s6 =	simm.s32 $_tile_overlayer_lowered  }
0x19: {  	s23 =	simm.s32 $0x1BFF;
	s22 =	sshll.u32 s6, $0x1;
	s3 =	sadd.s32 s20, s19  }
0x1a: {  	s7 =	simm.s32 $0x0;
	s21 =	sshll.u32 s5, $0x1;
	s5 =	sadd.s32 s22, s3  }
0x1b: {  	[timem:s7], [sflag:s23] =	dma.local [hbm:s5], s21  }
0x1c: {  	_ =	swait.ge [sflag:s23], s21  }
0x1d: {  	s4 =	ssub.s32 $0x0, s21;
	[sflag:s23] =	ssyncset.done $0x0  }
0x1e: {  	[sflag:s23] =	ssyncadd.s32 s4;
	_ =	sdelay $0x1  }
0x1f: {  	s24 =	simm.s32 $0x1B8B  }
0x20: {  	_ =	swait.ge [sflag:s24], $0x1  }
0x21: {  	[sflag:s24] =	ssyncset.done $0x0  }
0x22: {  	s26 =	simm.s32 $0x1B8E;
	s25 =	sld [smem:$0x3FFE];
	[sflag:s24] =	ssyncadd.s32 $0xFFFFFFFF  }
0x23: {  	s27 =	simm.s32 $execute0_lowered;
	[smem:$0x3FD2] =	sst s26  }
0x24: {  	s5 =	sshll.u32 s27, $0x1;
	_ =	strace $0x80000049;
	[dreg:$0x1] =	wrdreg $0xFFFFFFFF  }
0x25: {  	s28 =	simm.s32 $_size_execute0_lowered;
	s3 =	sadd.s32 s3, s5;
	[dreg:$0x0] =	wrdreg $0x0  }
0x26: {  	s5 =	sshll.u32 s28, $0x1;
	[dreg:$0x2] =	wrdreg s3  }
0x27: {  	[dreg:$0x3] =	wrdreg s5  }
0x28: {  	[dreg:$0x4] =	wrdreg $0xC0  }
0x29: {  	_ =	task [dreg:s7], $0x5FFFF  }
0x2a: {  	[dreg:$0x1] =	wrdreg $0xFFFFFFFF  }
0x2b: {  	[dreg:$0x0] =	wrdreg $0x60  }
0x2c: {  	[dreg:$0x2] =	wrdreg s25  }
0x2d: {  	[dreg:$0x3] =	wrdreg s17  }
0x2e: {  	[dreg:$0x4] =	wrdreg $0x9  }
0x2f: {  	_ =	task.clear_ibuf [dreg:s7], $0x5FFFF;
	_ =	strace $0x90000049  }
0x30: {  	s29 =	simm.s32 $0x9;
	_ =	strace $0x8000004B  }
0x31: {  	_ =	swait.ge [sflag:s29], $0x1  }
0x32: {  	[sflag:s29] =	ssyncadd.s32 $0xFFFFFFFF  }
0x33: {  	_ =	strace $0x9000004B  }
0x34: {  	_ =	sfence  }
0x35: {  	s30 =	sld [smem:$0x0];
	_ =	sdelay $0x2  }
0x36: {  	s31 =	sshll.u32 s1, $0xD;
	s1 =	sshrl.u32 s1, $0x2  }
0x37: {  	s3 =	sand.u32 $0x4000, s31;
	s1 =	sadd.s32 s1, s30  }
0x38: {  	s0 =	sor.u32 s3, s0;
	s1 =	sshll.u32 s1, $0x11  }
0x39: {  	s0 =	sor.u32 s1, s0  }
0x3a: {  	s0 =	sadd.s32 $0x8F2B, s0  }
0x3b: {  	[sflag:s0] =	ssyncadd.remote.s32 $0x1  }
0x3c: {  	_ =	sfence.sel $0xFFFF  }
0x3d: {  	[dreg:$0x0] =	wrdreg $0xFFFFFFFF;
	(pc) =	sbr.abs _section_cstart, $3  }
0x3e: {  	[dreg:$0x1] =	wrdreg $0xFFFFFFFF  }
0x3f: {  	_ =	task.clear_ibuf [dreg:s7], $0x2FFFF;
	_ =	strace $0x9FFFFFFF  }
0x40: {  	(tm) =	ssettm $0x7FFFFFFF  }
0x41: {  	_ =	shalt  }
tec
execute0_lowered:
.L_overlay_start_1:
0x0: {  	(tag) =	ssettag $0x1  }
0x1: {  	s0 =	stileid.u32;
	s4 =	rddreg [dreg:$0x0]  }
0x2: {  	s1 =	srdreg.scid;
	s3 =	rddreg [dreg:$0x1];
	s7 =	simm.s32 $0x1  }
0x3: {  	s31 =	simm.s32 $0x2;
	s17 =	simm.s32 $0x0;
	s9 =	simm.s32 $0x8000  }
0x4: {  	s18 =	simm.s32 $0x0;
	s2 =	sshll.u32 s0, $0x4;
	s1 =	sshll.u32 s1, $0x8  }
0x5: {  	s19 =	simm.s32 $0x0;
	s10 =	simm.s32 $0x0;
	s1 =	sor.u32 s2, s1  }
0x6: {  	s11 =	simm.s32 $0x0;
	s12 =	simm.s32 $0x0;
	s2 =	sand.u32 $0x180, s1  }
0x7: {  	s13 =	simm.s32 $0x0;
	s16 =	simm.s32 $0x0;
	s5 =	ssub.s32 $0x400, s2  }
0x8: {  	s4 =	sadd.s32 $0x281A00, s4;
	s1 =	rddreg [dreg:$0x2];
	s6 =	sand.u32 $0x180, s5  }
.Ltmp0:
0x9: {  	_ =	strace $0x8000004A;
	p0 =	sne.s32 s6, $0x0;
	(pc) =	sbr.rel .LBB1_1-.Ltmp0, $4  }
0xa: {  	s14 =	smov.u32 s2;
	s8 =	sshrl.u32 s5, $0x9;
	s7 =	simm.s32 @!p0 $0x0  }
0xb: {  	s5 =	sand.u32 $0x7, s0;
	s6 =	simm.s32 $0x1;
	s7 =	sadd.s32 s7, s8  }
0xc: {  	s15 =	smov.u32 s5;
	[sflag:s6] =	ssyncpa.u1 $0x0;
	s7 =	sshll.u32 s7, $0x5  }
0xd: {  	p0 =	por $0x0, $0x0;
	[sflag:s31] =	ssyncpa.u1 $0x0;
	s8 =	sor.u32 $0x1, s7  }
.LBB1_4:
0xe: {  	s24 =	sshra.s32 s24, $0x2  }
0xf: {  	s25 =	sshll.u32 s10, $0xA;
	p1 =	sgt.s32 s12, $0x7;
	s26 =	smov.u32 s12  }
0x10: {  	s27 =	sshra.s32 s12, $0x1F;
	s28 =	sshll.u32 s11, $0x3;
	p2 =	sgt.s32 s11, $0x380  }
0x11: {  	s31 =	sshra.s32 s11, $0x1F;
	s26 =	simm.s32 @!p1 $0x7;
	s27 =	sand.u32 s27, s12  }
0x12: {  	s25 =	sand.u32 $0x6000, s25;
	s28 =	sand.u32 $0x7C00, s28;
	s23 =	sadd.s32 s24, s23  }
0x13: {  	s26 =	ssub.s32 s26, s27;
	s24 =	sadd.s32 s28, s25;
	s28 =	smov.u32 s10  }
0x14: {  	s27 =	sand.u32 s31, s11;
	s29 =	sadd.s32 $0xFFFFFFF9, s26;
	s30 =	ssub.s32 $0x8, s26  }
0x15: {  	v5 =	vld [tilespmem:s21+$0xFFFFFFD0];
	[tilespmem:s22+$0x2040 ss:$0x81] =	vst.msk $0xffff, v4;
	s26 =	smov.u32 s11;
	s24 =	sshrl.u32 s24, $0x3;
	p1 =	sgt.s32 s29, $0x0  }
0x16: {  	v58 =	vld [tilespmem:s21+$0xFFFFFFE0];
	[tilespmem:s22+$0x2850 ss:$0x81] =	vst.msk $0xffff, v3;
	s25 =	smul.u32 $0x43, s30;
	s26 =	simm.s32 @!p2 $0x380;
	p2 =	sgt.s32 s10, $0x1F  }
0x17: {  	v59 =	vld [tilespmem:s21+$0xFFFFFFF0];
	[tilespmem:s22+$0x3060 ss:$0x81] =	vst.msk $0xffff, v2;
	s29 =	sshra.s32 s10, $0x1F;
	s26 =	ssub.s32 s26, s27;
	s28 =	simm.s32 @!p2 $0x1F  }
0x18: {  	[tilespmem:s22+$0x0 ss:$0x81] =	vst.msk $0xffff, v1;
	v60 =	vld [tilespmem:s21+$0x0];
	s30 =	sand.u32 s29, s10;
	s29 =	sand.u32 $0x78, s11;
	s25 =	simm.s32 @p1 $0x0  }
0x19: {  	v61 =	vld [tilespmem:s21+$0x10];
	[tilespmem:s23+$0x3870 ss:$0x81] =	vst.msk $0xffff, v0;
	s22 =	ssub.s32 s28, s30;
	s31 =	sadd.s32 $0xFFFFFC80, s26;
	s26 =	ssub.s32 $0x400, s26  }
0x1a: {  	v62 =	vld [tilespmem:s21+$0x20];
	[tilespmem:s23+$0x810 ss:$0x81] =	vst.msk $0xffff, v5;
	s30 =	sshll.u32 s10, $0x7;
	p1 =	sgt.s32 s31, $0x7F;
	s28 =	sadd.s32 $0xFFFFFFE1, s22  }
0x1b: {  	v63 =	vld [tilespmem:s21+$0xFFFFFFC0];
	[tilespmem:s23+$0x1020 ss:$0x81] =	vst.msk $0xffff, v58;
	s22 =	ssub.s32 $0x20, s22;
	s31 =	smul.u32 $0x43000, s12;
	s26 =	simm.s32 @p1 $0x0  }
0x1c: {  	[tilespmem:s23+$0x1830 ss:$0x81] =	vst.msk $0xffff, v59;
	s21 =	sand.u32 $0x380, s30;
	p1 =	sgt.s32 s28, $0x0;
	s25 =	smul.u32 s25, s26  }
0x1d: {  	[tilespmem:s23+$0x2040 ss:$0x81] =	vst.msk $0xffff, v60;
	s21 =	sor.u32 s29, s21;
	s29 =	sand.u32 $0x7, s11;
	s22 =	simm.s32 @p1 $0x0  }
0x1e: {  	[tilespmem:s23+$0x2850 ss:$0x81] =	vst.msk $0xffff, v61;
	s21 =	sshrl.u32 s21, $0x3;
	s28 =	sadd.s32 s3, s31;
	s22 =	smul.u32 s22, s25  }
0x1f: {  	s24 =	sand.u32 $0xF80, s24;
	[tilespmem:s23+$0x3060 ss:$0x81] =	vst.msk $0xffff, v62;
	s30 =	sshll.u32 s29, $0x12;
	s21 =	sadd.s32 s21, s28  }
0x20: {  	[tilespmem:s23+$0x0 ss:$0x81] =	vst.msk $0xffff, v63;
	s31 =	sor.u32 $0x80, s30;
	s21 =	sadd.s32 s24, s21;
	s22 =	sand.u32 $0x3FFFFFFF, s22  }
0x21: {  	[hbm4b:s21+s31] =	stream.strided.scatter [tilespmem:s20], [sflag:$0x2], s22, s9, s31, $0x20;
	[tilespmem:$0x10100] =	vst v63  }
.LBB1_5:
0x22: {  	p1 =	slt.u32 s16, $0x2  }
0x23: {  	p2 =	sgt.s32 @!p1 s19, $0x7  }
0x24: {  	s20 =	smov.u32 s19;
	s21 =	sshra.s32 @!p1 s19, $0x1F;
	p2 =	por !p2, p1  }
0x25: {  	p3 =	sgt.s32 @!p1 s18, $0x380;
	s19 =	sand.u32 @!p1 s21, s19;
	s20 =	simm.s32 @p2 $0x7  }
0x26: {  	p3 =	por !p3, p1;
	s19 =	ssub.s32 @!p1 s20, s19  }
0x27: {  	s21 =	sshra.s32 @!p1 s18, $0x1F;
	s20 =	sadd.s32 @!p1 $0xFFFFFFF9, s19;
	s19 =	ssub.s32 @!p1 $0x8, s19  }
0x28: {  	p2 =	sgt.s32 @!p1 s20, $0x0;
	s19 =	smul.u32 @!p1 $0x43, s19;
	s20 =	smov.u32 s18  }
0x29: {  	s18 =	sand.u32 @!p1 s21, s18;
	s20 =	simm.s32 @p3 $0x380;
	p3 =	sgt.s32 @!p1 s17, $0x1F  }
0x2a: {  	s21 =	smov.u32 s17;
	p2 =	por !p2, p1;
	p3 =	por !p3, p1  }
0x2b: {  	s18 =	ssub.s32 @!p1 s20, s18;
	s20 =	sshra.s32 @!p1 s17, $0x1F;
	s19 =	simm.s32 @!p2 $0x0  }
0x2c: {  	s21 =	simm.s32 @p3 $0x1F;
	s17 =	sand.u32 @!p1 s20, s17;
	s20 =	sadd.s32 @!p1 $0xFFFFFC80, s18  }
0x2d: {  	s18 =	ssub.s32 @!p1 $0x400, s18;
	s17 =	ssub.s32 @!p1 s21, s17;
	p2 =	sgt.s32 @!p1 s20, $0x7F  }
0x2e: {  	s21 =	smov.u32 s14;
	s20 =	sadd.s32 @!p1 $0xFFFFFFE1, s17;
	p2 =	por !p2, p1  }
0x2f: {  	s17 =	ssub.s32 @!p1 $0x20, s17;
	p3 =	sgt.s32 @!p1 s20, $0x0;
	s18 =	simm.s32 @!p2 $0x0  }
0x30: {  	s20 =	sadd.s32 $0x1, s13;
	p2 =	por !p3, p1;
	s18 =	smul.u32 @!p1 s19, s18  }
0x31: {  	s19 =	sadd.s32 $0x200, s14;
	s17 =	simm.s32 @!p2 $0x0;
	p2 =	sgt.s32 s20, $0x1F  }
0x32: {  	s22 =	smov.u32 s15;
	s21 =	smov.u32 @p2 s19  }
0x33: {  	s17 =	smul.u32 @!p1 s17, s18;
	s18 =	sadd.s32 $0x8, s15;
	p3 =	sgt.s32 s21, $0x3FF  }
0x34: {  	p0 =	por !p0, !p0;
	s23 =	simm.s32 @!p1 $0x2;
	s22 =	smov.u32 @p3 s18  }
0x35: {  	s20 =	simm.s32 @p2 $0x0;
	s19 =	smov.u32 s12;
	p2 =	sgt.s32 s22, $0x7  }
0x36: {  	s12 =	smov.u32 s15;
	s22 =	smov.u32 @p2 s5;
	p2 =	sne.s32 s16, s8  }
.Ltmp1:
0x37: {  	s17 =	sand.u32 @!p1 $0x3FFFFFFF, s17;
	s21 =	smov.u32 @p3 s2;
	(pc) =	sbr.rel @!p2 .LBB1_6-.Ltmp1, $4  }
0x38: {  	s18 =	smov.u32 s11;
	s11 =	smov.u32 s14;
	_ =	swait.ge @!p1 [sflag:s23], s17  }
0x39: {  	s24 =	ssub.s32 @!p1 $0x0, s17;
	s17 =	smov.u32 s10;
	s10 =	smov.u32 s13  }
0x3a: {  	s13 =	smov.u32 s20;
	s14 =	smov.u32 s21;
	[sflag:s23] =	ssyncset.done @!p1 $0x0  }
0x3b: {  	s16 =	sadd.s32 $0x1, s16;
	[sflag:s23] =	ssyncadd.s32 @!p1 s24;
	s15 =	smov.u32 s22  }
.LBB1_1:
0x3c: {  	p1 =	sge.u32 s16, s7;
	s31 =	sadd.s32 $0xFFFFFFFF, s16  }
0x3d: {  	s20 =	sxor.u32 @!p1 $0xFFFFFFFF, s16;
	s21 =	sshll.u32 @!p1 s15, $0x13;
	s22 =	sshll.u32 @!p1 s14, $0x9  }
0x3e: {  	s23 =	sshll.u32 @!p1 s13, $0x4;
	s20 =	sshll.u32 @!p1 s20, $0xE;
	s21 =	sadd.s32 @!p1 s4, s21  }
0x3f: {  	s23 =	sand.u32 @!p1 $0x1F0, s23;
	s20 =	sand.u32 @!p1 $0x4000, s20;
	s21 =	sadd.s32 @!p1 s22, s21  }
0x40: {  	s22 =	simm.s32 @!p1 $0x80;
	s21 =	sadd.s32 @!p1 s23, s21;
	s23 =	simm.s32 @!p1 $0x1000  }
0x41: {  	[tilespmem:s20], [sflag:$0x1] =	stream.strided.gather @!p1 [hbm4b:s21+s22], $0x4000, s23, s22, $0x38;
	[tilespmem:$0x10100] =	vst v63  }
0x42: {  	p1 =	sge.u32 s31, s7  }
.Ltmp2:
0x43: {  	_ = 	snop;
	(pc) =	sbr.rel @p1 .LBB1_5-.Ltmp2, $1  }
0x44: {  	_ =	sdelay $0x3  }
0x45: {  	s20 =	simm.s32 $0x1  }
0x46: {  	_ =	swait.ge [sflag:s6], $0x4000;
	s20 =	simm.s32 @!p0 $0x0  }
0x47: {  	[sflag:s6] =	ssyncset.done $0x0;
	s21 =	sshll.u32 s20, $0xE  }
0x48: {  	[sflag:s6] =	ssyncadd.s32 $0xFFFFC000;
	s21 =	sor.u32 $0x40, s21  }
0x49: {  	s20 =	smul.u32 $0x10200, s20;
	v0 =	vld [tilespmem:s21+$0x30]  }
0x4a: {  	v1 =	vld [tilespmem:s21+$0xFFFFFFD0]  }
0x4b: {  	s20 =	sshrl.u32 s20, $0x2;
	v5 =	vld [tilespmem:s21+$0xFFFFFFE0]  }
0x4c: {  	v6 =	vld [tilespmem:s21+$0xFFFFFFF0];
	s23 =	sor.u32 $0x8000, s20  }
0x4d: {  	s31 =	sand.u32 $0x1, s16;
	v4 =	vld [tilespmem:s21+$0x0];
	s22 =	sadd.s32 $0x0, s23  }
0x4e: {  	v3 =	vld [tilespmem:s21+$0x10];
	s20 =	smul.u32 $0x10200, s31;
	[tilespmem:s22+$0x3870 ss:$0x81] =	vst.msk $0xffff, v0  }
0x4f: {  	v2 =	vld [tilespmem:s21+$0x20];
	[tilespmem:s22+$0x810 ss:$0x81] =	vst.msk $0xffff, v1  }
0x50: {  	s20 =	sshrl.u32 s20, $0x2;
	v1 =	vld [tilespmem:s21+$0xFFFFFFC0];
	[tilespmem:s22+$0x1020 ss:$0x81] =	vst.msk $0xffff, v5;
	s21 =	sadd.s32 $0x80, s21  }
0x51: {  	s24 =	simm.s32 $0x4;
	s25 =	simm.s32 $0x8;
	s20 =	sor.u32 $0x8000, s20;
	[tilespmem:s22+$0x1830 ss:$0x81] =	vst.msk $0xffff, v6;
	v0 =	vld [tilespmem:s21+$0x30]  }
.LBB1_3:
0x52: {  	p1 =	sne.s32 s25, $0x1FC;
	v5 =	vld [tilespmem:s21+$0xFFFFFFD0];
	[tilespmem:s22+$0x2040 ss:$0x81] =	vst.msk $0xffff, v4  }
0x53: {  	v6 =	vld [tilespmem:s21+$0xFFFFFFE0];
	[tilespmem:s22+$0x2850 ss:$0x81] =	vst.msk $0xffff, v3  }
0x54: {  	s26 =	sshra.s32 s24, $0x2;
	s24 =	smov.u32 s25;
	v7 =	vld [tilespmem:s21+$0xFFFFFFF0];
	[tilespmem:s22+$0x3060 ss:$0x81] =	vst.msk $0xffff, v2  }
.Ltmp3:
0x55: {  	v4 =	vld [tilespmem:s21+$0x0];
	[tilespmem:s22+$0x0 ss:$0x81] =	vst.msk $0xffff, v1;
	s22 =	sadd.s32 s26, s23;
	(pc) =	sbr.rel @p1 .LBB1_3-.Ltmp3, $4  }
0x56: {  	v3 =	vld [tilespmem:s21+$0x10];
	[tilespmem:s22+$0x3870 ss:$0x81] =	vst.msk $0xffff, v0  }
0x57: {  	[tilespmem:s22+$0x810 ss:$0x81] =	vst.msk $0xffff, v5;
	v2 =	vld [tilespmem:s21+$0x20]  }
0x58: {  	v1 =	vld [tilespmem:s21+$0xFFFFFFC0];
	[tilespmem:s22+$0x1020 ss:$0x81] =	vst.msk $0xffff, v6;
	s21 =	sadd.s32 $0x80, s21  }
0x59: {  	s25 =	sadd.s32 $0x4, s25;
	v0 =	vld [tilespmem:s21+$0x30];
	[tilespmem:s22+$0x1830 ss:$0x81] =	vst.msk $0xffff, v7  }
.Ltmp4:
0x5a: {  	_ = 	snop;
	(pc) =	sbr.rel .LBB1_4-.Ltmp4, $1  }
0x5b: {  	_ =	sdelay $0x3  }
.LBB1_6:
0x5c: {  	_ =	sfence.sel $0x180000  }
0x5d: {  	s2 =	simm.s32 $0x1;
	[bflag:$0x0] =	sbarrier.arrive $0xFFFF  }
0x5e: {  	s31 =	simm.s32 $0x2;
	[sflag:s2] =	ssyncpa.u1 $0x1  }
0x5f: {  	[sflag:s31] =	ssyncpa.u1 $0x1  }
0x60: {  	p0 =	sne.s32 s0, $0x0;
	_ =	strace $0x9000004A  }
0x61: {  	s0 =	sadd.s32 @!p0 $0x100000, s1;
	[bflag:$0x2] =	sbarrier.arrive $0xFFFF  }
0x62: {  	[sflag:s0] =	ssyncadd.tile.s32 @!p0 $0x1;
	_ =	shalt  }
.Lfunc_end1:
_tile_overlayer_lowered:
.L_overlay_start_2:
0x63: {  	(tag) =	ssettag $0x2  }
0x64: {  	s0 =	rddreg [dreg:$0x0];
	s2 =	stileid.u32  }
0x65: {  	s1 =	rddreg [dreg:$0x1];
	p0 =	sne.s32 s2, $0x0  }
0x66: {  	s3 =	rddreg [dreg:$0x2];
	[bflag:$0x3] =	sbarrier.arrive $0xFFFF;
	s2 =	simm.s32 @!p0 $0x1C01  }
0x67: {  	[timem:s3], [sflag:s2] =	dma.local @!p0 [hbm:s0], s1  }
0x68: {  	s0 =	simm.s32 @!p0 $0x1  }
0x69: {  	_ =	swait.ge @!p0 [sflag:s0], s1  }
0x6a: {  	s1 =	ssub.s32 @!p0 $0x0, s1;
	[sflag:s0] =	ssyncset.done @!p0 $0x0  }
0x6b: {  	[sflag:s0] =	ssyncadd.s32 @!p0 s1  }
0x6c: {  	[bflag:$0x3] =	sbarrier.arrive $0xFFFF  }
0x6d: {  	_ =	shalt  }

</sc_bundles>
